<compile_context>
chip_gen: v7x
topology: tpu7x:2x2x1
jax: 0.10.2.dev20260603
libtpu: 0.0.44.dev20260713+nightly
codegen_flags: <defaults>
</compile_context>

<pallas_src>
import functools

import jax
import jax.numpy as jnp
from jax import lax
from jax.experimental import pallas as pl
from jax.experimental.pallas import tpu as pltpu
from jax.experimental.pallas import tpu_sc as plsc

N_NODES = 10000
N_EDGES = 320000
D_FEAT = 128
DW = D_FEAT // 2

NC = 2
NS = 16
NW = NC * NS
E_PER_W = N_EDGES // NW
CHUNK = 80
NCHUNK = E_PER_W // CHUNK
NBUF = 8
GRP = 16
NGRP = CHUNK // GRP
L = 16


def _perm(x, idx):
    return lax.gather(
        x, idx[:, None],
        lax.GatherDimensionNumbers(
            offset_dims=(), collapsed_slice_dims=(0,), start_index_map=(0,)),
        (1,), mode=lax.GatherScatterMode.PROMISE_IN_BOUNDS)


def _pack_words(gb):
    lo = lax.bitcast_convert_type(gb[:, :DW], jnp.uint16).astype(jnp.uint32)
    hi = lax.bitcast_convert_type(gb[:, DW:], jnp.uint16).astype(jnp.uint32)
    return lax.bitcast_convert_type(lo | (hi << 16), jnp.int32)


PS_GRID = 5
PS_ROWS = N_NODES // PS_GRID


def _prescale_body(h_ref, pop_ref, g_ref):
    hb = (h_ref[...] * (1.0 / pop_ref[...])).astype(jnp.bfloat16)
    hb3 = hb.reshape(PS_ROWS // 2, 2, D_FEAT)
    even = hb3[:, 0, :]
    odd = hb3[:, 1, :]
    g_ref[...] = lax.concatenate(
        [_pack_words(even), _pack_words(odd)], 1)


def _sc_body(g_hbm, ei_hbm, out_hbm, src_v, dst_v, rows_s, rows_d,
             score_v, sem):
    wid = lax.axis_index("s") * NC + lax.axis_index("c")
    ebase = wid * E_PER_W
    pltpu.sync_copy(ei_hbm.at[0, pl.ds(ebase, E_PER_W)], src_v)
    pltpu.sync_copy(ei_hbm.at[1, pl.ds(ebase, E_PER_W)], dst_v)

    lane = lax.iota(jnp.int32, L)

    def _issue(c, par):
        idx_s = src_v.at[pl.ds(c * CHUNK, CHUNK)]
        idx_d = dst_v.at[pl.ds(c * CHUNK, CHUNK)]
        pltpu.async_copy(g_hbm.at[idx_s], rows_s.at[par], sem)
        pltpu.async_copy(g_hbm.at[idx_d], rows_d.at[par], sem)

    def _drain(par):
        pltpu.make_async_copy(g_hbm.at[src_v.at[pl.ds(0, CHUNK)]],
                              rows_s.at[par], sem).wait()
        pltpu.make_async_copy(g_hbm.at[dst_v.at[pl.ds(0, CHUNK)]],
                              rows_d.at[par], sem).wait()

    for b in range(NBUF - 1):
        _issue(b, b)

    def chunk_body(c, carry):
        par = lax.rem(c, NBUF)
        _drain(par)

        @pl.when(c + NBUF - 1 < NCHUNK)
        def _():
            _issue(c + NBUF - 1, lax.rem(c + NBUF - 1, NBUF))

        def grp_body(jg, carry2):
            acc = jnp.zeros((L,), jnp.float32)
            base = jg * GRP
            for jj in range(GRP):
                j = base + jj
                p = jnp.zeros((L,), jnp.float32)
                for f in range(DW // L):
                    aw = rows_s[par, j, pl.ds(f * L, L)]
                    bw = rows_d[par, j, pl.ds(f * L, L)]
                    ab = (plsc.bitcast(aw, jnp.bfloat16)
                          * plsc.bitcast(bw, jnp.bfloat16))
                    p0, p1 = plsc.unpack(ab, format=plsc.PackFormat.INTERLEAVED)
                    p = p + p0 + p1
                for d in (8, 4, 2, 1):
                    p = p + _perm(p, lane ^ d)
                acc = jnp.where(lane == jj, p, acc)
            score_v[pl.ds(c * CHUNK + base, GRP)] = acc
            return carry2

        lax.fori_loop(0, NGRP, grp_body, 0, unroll=False)
        return carry

    lax.fori_loop(0, NCHUNK, chunk_body, 0, unroll=False)
    pltpu.sync_copy(score_v, out_hbm.at[pl.ds(ebase, E_PER_W)])


def kernel(h, pop, edge_index):
    gpack = pl.pallas_call(
        _prescale_body,
        grid=(PS_GRID,),
        in_specs=[
            pl.BlockSpec((PS_ROWS, D_FEAT), lambda i: (i, 0)),
            pl.BlockSpec((PS_ROWS, 1), lambda i: (i, 0)),
        ],
        out_specs=pl.BlockSpec((PS_ROWS // 2, D_FEAT), lambda i: (i, 0)),
        out_shape=jax.ShapeDtypeStruct((N_NODES // 2, D_FEAT), jnp.int32),
    )(h, pop.reshape(N_NODES, 1))
    g32 = gpack.reshape(N_NODES, DW)

    mesh = plsc.VectorSubcoreMesh(core_axis_name="c", subcore_axis_name="s")
    sc_k = functools.partial(
        pl.kernel,
        mesh=mesh,
        compiler_params=pltpu.CompilerParams(
            needs_layout_passes=False, use_tc_tiling_on_sc=False),
        out_type=jax.ShapeDtypeStruct((N_EDGES,), jnp.float32),
        scratch_types=[
            pltpu.VMEM((E_PER_W,), jnp.int32),
            pltpu.VMEM((E_PER_W,), jnp.int32),
            pltpu.VMEM((NBUF, CHUNK, DW), jnp.int32),
            pltpu.VMEM((NBUF, CHUNK, DW), jnp.int32),
            pltpu.VMEM((E_PER_W,), jnp.float32),
            pltpu.SemaphoreType.DMA,
        ],
    )(_sc_body)
    return sc_k(g32, edge_index)

# --- scband reference (transcript-rebuilt; emitter-appended) ---
"""Pipeline reference for scband-item-to-item-scorer-57913339020024 (READ-ONLY COPY).

The authoritative reference and input builder live on the scoring server;
editing this copy changes nothing except your own understanding.
"""

import jax, jax.numpy as jnp
import numpy as np

N_NODES = 10000
N_EDGES = 320000
D_FEAT = 128


def setup_inputs(seed: int = 0) -> dict:
    key = jax.random.key(seed)
    k1, k2, k3 = jax.random.split(key, 3)
    h = jax.random.normal(k1, (N_NODES, D_FEAT), dtype=jnp.float32)
    edge_index = jax.random.randint(k2, (2, N_EDGES), 0, N_NODES, dtype=jnp.int32)
    # pop is an inverse-propensity popularity count; keep it bounded away from 0
    pop = jax.random.uniform(k3, (N_NODES,), dtype=jnp.float32, minval=0.5, maxval=1.5)
    return {"h": h, "pop": pop, "edge_index": edge_index}


def reference(h, pop, edge_index):
    # DGL fn.u_dot_v('h','h','s'): per-edge dot product of src/dst hidden states
    src = edge_index[0]
    dst = edge_index[1]
    h_src = jnp.take(h, src, axis=0)   # gather [E, D]
    h_dst = jnp.take(h, dst, axis=0)   # gather [E, D]
    s = jnp.sum(h_src * h_dst, axis=-1)  # [E]
    # pop branch: ndata['ipw'] = 1/pop ; u_dot_v('ipw','ipw','ipw_score')
    ipw = 1.0 / pop
    ipw_src = jnp.take(ipw, src, axis=0)
    ipw_dst = jnp.take(ipw, dst, axis=0)
    ipw_score = ipw_src * ipw_dst  # scalar-feature dot == product, [E]
    # bias disabled (SCORER_BIAS = False)
    pair_score = s * ipw_score
    return pair_score

if __name__ == "__main__":
    import jax
    _d = setup_inputs()
    print(jax.jit(kernel)(*tuple(_d.values())))

</pallas_src>

<mosaic_0001>
#map = affine_map<(d0, d1) -> (0, 0)>
#map1 = affine_map<(d0, d1) -> (0)>
module attributes {stable_mosaic.version = 14 : i64} {
  func.func @_sc_body(%arg0: i32, %arg1: i32, %arg2: memref<10000x64xi32, #tpu.memory_space<hbm>>, %arg3: memref<2x320000xi32, #tpu.memory_space<hbm>>, %arg4: memref<320000xf32, #tpu.memory_space<hbm>>, %arg5: memref<10000xi32, #tpu.memory_space<vmem>>, %arg6: memref<10000xi32, #tpu.memory_space<vmem>>, %arg7: memref<8x80x64xi32, #tpu.memory_space<vmem>>, %arg8: memref<8x80x64xi32, #tpu.memory_space<vmem>>, %arg9: memref<10000xf32, #tpu.memory_space<vmem>>, %arg10: memref<!tpu.dma_semaphore, #tpu.memory_space<semaphore_mem>>) attributes {dimension_semantics = [#tpu.dimension_semantics<core_parallel>, #tpu.dimension_semantics<subcore_parallel>], iteration_bounds = array<i64: 2, 16>, scalar_prefetch = 0 : i64, scratch_operands = 6 : i64, tpu.core_type = #tpu.core_type<sc_vector_subcore>, window_params = [{transform_indices = #map}, {transform_indices = #map}, {transform_indices = #map1}]} {
    %mul3A = arith.constant 2 : i32
    %mul3A_0 = arith.muli %arg1, %mul3A : i32
    %add3A = arith.addi %mul3A_0, %arg0 : i32
    %mul3A_1 = arith.constant 10000 : i32
    %mul3A_2 = arith.muli %add3A, %mul3A_1 : i32
    %run_scoped3A = arith.constant 0 : i32
    "tpu.region"() ({
      %run_scoped3A_148 = tpu.sem_alloc : memref<!tpu.dma_semaphore, #tpu.memory_space<semaphore_mem>>
      %dma_start3A_149 = tpu.memref_slice %arg3[%run_scoped3A, %mul3A_2] : memref<2x320000xi32, #tpu.memory_space<hbm>> -> memref<1x10000xi32, #tpu.memory_space<hbm>>
      %dma_start3A_150 = tpu.memref_squeeze %dma_start3A_149 : memref<1x10000xi32, #tpu.memory_space<hbm>> -> memref<10000xi32, #tpu.memory_space<hbm>>
      %dma_start3A_151 = tpu.memref_slice %arg3[%run_scoped3A, %mul3A_2] : memref<2x320000xi32, #tpu.memory_space<hbm>> -> memref<1x10000xi32, #tpu.memory_space<hbm>>
      %dma_start3A_152 = tpu.memref_squeeze %dma_start3A_151 : memref<1x10000xi32, #tpu.memory_space<hbm>> -> memref<10000xi32, #tpu.memory_space<hbm>>
      tpu.enqueue_dma source(%dma_start3A_152 : memref<10000xi32, #tpu.memory_space<hbm>>) target(%arg5 : memref<10000xi32, #tpu.memory_space<vmem>>) target_semaphore(%run_scoped3A_148 : memref<!tpu.dma_semaphore, #tpu.memory_space<semaphore_mem>>)
      %dma_wait3A = tpu.memref_slice %arg3[%run_scoped3A, %mul3A_2] : memref<2x320000xi32, #tpu.memory_space<hbm>> -> memref<1x10000xi32, #tpu.memory_space<hbm>>
      %dma_wait3A_153 = tpu.memref_squeeze %dma_wait3A : memref<1x10000xi32, #tpu.memory_space<hbm>> -> memref<10000xi32, #tpu.memory_space<hbm>>
      %dma_wait3A_154 = tpu.memref_slice %arg3[%run_scoped3A, %mul3A_2] : memref<2x320000xi32, #tpu.memory_space<hbm>> -> memref<1x10000xi32, #tpu.memory_space<hbm>>
      %dma_wait3A_155 = tpu.memref_squeeze %dma_wait3A_154 : memref<1x10000xi32, #tpu.memory_space<hbm>> -> memref<10000xi32, #tpu.memory_space<hbm>>
      tpu.wait_dma2 semaphore(%run_scoped3A_148 : memref<!tpu.dma_semaphore, #tpu.memory_space<semaphore_mem>>) src(%dma_wait3A_155 : memref<10000xi32, #tpu.memory_space<hbm>>) dst(%arg5 : memref<10000xi32, #tpu.memory_space<vmem>>)
      tpu.yield
    }) : () -> ()
    %run_scoped3A_3 = arith.constant 1 : i32
    "tpu.region"() ({
      %run_scoped3A_148 = tpu.sem_alloc : memref<!tpu.dma_semaphore, #tpu.memory_space<semaphore_mem>>
      %dma_start3A_149 = tpu.memref_slice %arg3[%run_scoped3A_3, %mul3A_2] : memref<2x320000xi32, #tpu.memory_space<hbm>> -> memref<1x10000xi32, #tpu.memory_space<hbm>>
      %dma_start3A_150 = tpu.memref_squeeze %dma_start3A_149 : memref<1x10000xi32, #tpu.memory_space<hbm>> -> memref<10000xi32, #tpu.memory_space<hbm>>
      %dma_start3A_151 = tpu.memref_slice %arg3[%run_scoped3A_3, %mul3A_2] : memref<2x320000xi32, #tpu.memory_space<hbm>> -> memref<1x10000xi32, #tpu.memory_space<hbm>>
      %dma_start3A_152 = tpu.memref_squeeze %dma_start3A_151 : memref<1x10000xi32, #tpu.memory_space<hbm>> -> memref<10000xi32, #tpu.memory_space<hbm>>
      tpu.enqueue_dma source(%dma_start3A_152 : memref<10000xi32, #tpu.memory_space<hbm>>) target(%arg6 : memref<10000xi32, #tpu.memory_space<vmem>>) target_semaphore(%run_scoped3A_148 : memref<!tpu.dma_semaphore, #tpu.memory_space<semaphore_mem>>)
      %dma_wait3A = tpu.memref_slice %arg3[%run_scoped3A_3, %mul3A_2] : memref<2x320000xi32, #tpu.memory_space<hbm>> -> memref<1x10000xi32, #tpu.memory_space<hbm>>
      %dma_wait3A_153 = tpu.memref_squeeze %dma_wait3A : memref<1x10000xi32, #tpu.memory_space<hbm>> -> memref<10000xi32, #tpu.memory_space<hbm>>
      %dma_wait3A_154 = tpu.memref_slice %arg3[%run_scoped3A_3, %mul3A_2] : memref<2x320000xi32, #tpu.memory_space<hbm>> -> memref<1x10000xi32, #tpu.memory_space<hbm>>
      %dma_wait3A_155 = tpu.memref_squeeze %dma_wait3A_154 : memref<1x10000xi32, #tpu.memory_space<hbm>> -> memref<10000xi32, #tpu.memory_space<hbm>>
      tpu.wait_dma2 semaphore(%run_scoped3A_148 : memref<!tpu.dma_semaphore, #tpu.memory_space<semaphore_mem>>) src(%dma_wait3A_155 : memref<10000xi32, #tpu.memory_space<hbm>>) dst(%arg6 : memref<10000xi32, #tpu.memory_space<vmem>>)
      tpu.yield
    }) : () -> ()
    %iota3A = tpu.iota {dimensions = array<i32: 0>} : vector<16xi32>
    %dma_start3A = arith.constant 0 : i32
    %dma_start3A_4 = arith.constant 0 : i32
    %dma_start3A_5 = arith.constant 0 : i32
    %dma_start3A_6 = tpu.memref_slice %arg7[%dma_start3A, %dma_start3A_4, %dma_start3A_5] : memref<8x80x64xi32, #tpu.memory_space<vmem>> -> memref<1x80x64xi32, #tpu.memory_space<vmem>>
    %dma_start3A_7 = tpu.memref_squeeze %dma_start3A_6 : memref<1x80x64xi32, #tpu.memory_space<vmem>> -> memref<80x64xi32, #tpu.memory_space<vmem>>
    %dma_start3A_8 = arith.constant 0 : i32
    %dma_start3A_9 = tpu.memref_slice %arg5[%dma_start3A_8] : memref<10000xi32, #tpu.memory_space<vmem>> -> memref<80xi32, #tpu.memory_space<vmem>>
    %dma_start3A_10 = arith.constant 0 : i32
    %dma_start3A_11 = arith.constant 0 : i32
    %dma_start3A_12 = tpu.memref_slice %arg2[%dma_start3A_10, %dma_start3A_11] : memref<10000x64xi32, #tpu.memory_space<hbm>> -> memref<10000x64xi32, #tpu.memory_space<hbm>>
    tpu.enqueue_indirect_dma source(%dma_start3A_12 : memref<10000x64xi32, #tpu.memory_space<hbm>>) target(%dma_start3A_7 : memref<80x64xi32, #tpu.memory_space<vmem>>) offsets(%dma_start3A_9 : memref<80xi32, #tpu.memory_space<vmem>>) semaphore(%arg10 : memref<!tpu.dma_semaphore, #tpu.memory_space<semaphore_mem>>)
    %dma_start3A_13 = arith.constant 0 : i32
    %dma_start3A_14 = arith.constant 0 : i32
    %dma_start3A_15 = arith.constant 0 : i32
    %dma_start3A_16 = tpu.memref_slice %arg8[%dma_start3A_13, %dma_start3A_14, %dma_start3A_15] : memref<8x80x64xi32, #tpu.memory_space<vmem>> -> memref<1x80x64xi32, #tpu.memory_space<vmem>>
    %dma_start3A_17 = tpu.memref_squeeze %dma_start3A_16 : memref<1x80x64xi32, #tpu.memory_space<vmem>> -> memref<80x64xi32, #tpu.memory_space<vmem>>
    %dma_start3A_18 = arith.constant 0 : i32
    %dma_start3A_19 = tpu.memref_slice %arg6[%dma_start3A_18] : memref<10000xi32, #tpu.memory_space<vmem>> -> memref<80xi32, #tpu.memory_space<vmem>>
    %dma_start3A_20 = arith.constant 0 : i32
    %dma_start3A_21 = arith.constant 0 : i32
    %dma_start3A_22 = tpu.memref_slice %arg2[%dma_start3A_20, %dma_start3A_21] : memref<10000x64xi32, #tpu.memory_space<hbm>> -> memref<10000x64xi32, #tpu.memory_space<hbm>>
    tpu.enqueue_indirect_dma source(%dma_start3A_22 : memref<10000x64xi32, #tpu.memory_space<hbm>>) target(%dma_start3A_17 : memref<80x64xi32, #tpu.memory_space<vmem>>) offsets(%dma_start3A_19 : memref<80xi32, #tpu.memory_space<vmem>>) semaphore(%arg10 : memref<!tpu.dma_semaphore, #tpu.memory_space<semaphore_mem>>)
    %dma_start3A_23 = arith.constant 1 : i32
    %dma_start3A_24 = arith.constant 0 : i32
    %dma_start3A_25 = arith.constant 0 : i32
    %dma_start3A_26 = tpu.memref_slice %arg7[%dma_start3A_23, %dma_start3A_24, %dma_start3A_25] : memref<8x80x64xi32, #tpu.memory_space<vmem>> -> memref<1x80x64xi32, #tpu.memory_space<vmem>>
    %dma_start3A_27 = tpu.memref_squeeze %dma_start3A_26 : memref<1x80x64xi32, #tpu.memory_space<vmem>> -> memref<80x64xi32, #tpu.memory_space<vmem>>
    %dma_start3A_28 = arith.constant 80 : i32
    %dma_start3A_29 = tpu.memref_slice %arg5[%dma_start3A_28] : memref<10000xi32, #tpu.memory_space<vmem>> -> memref<80xi32, #tpu.memory_space<vmem>>
    %dma_start3A_30 = arith.constant 0 : i32
    %dma_start3A_31 = arith.constant 0 : i32
    %dma_start3A_32 = tpu.memref_slice %arg2[%dma_start3A_30, %dma_start3A_31] : memref<10000x64xi32, #tpu.memory_space<hbm>> -> memref<10000x64xi32, #tpu.memory_space<hbm>>
    tpu.enqueue_indirect_dma source(%dma_start3A_32 : memref<10000x64xi32, #tpu.memory_space<hbm>>) target(%dma_start3A_27 : memref<80x64xi32, #tpu.memory_space<vmem>>) offsets(%dma_start3A_29 : memref<80xi32, #tpu.memory_space<vmem>>) semaphore(%arg10 : memref<!tpu.dma_semaphore, #tpu.memory_space<semaphore_mem>>)
    %dma_start3A_33 = arith.constant 1 : i32
    %dma_start3A_34 = arith.constant 0 : i32
    %dma_start3A_35 = arith.constant 0 : i32
    %dma_start3A_36 = tpu.memref_slice %arg8[%dma_start3A_33, %dma_start3A_34, %dma_start3A_35] : memref<8x80x64xi32, #tpu.memory_space<vmem>> -> memref<1x80x64xi32, #tpu.memory_space<vmem>>
    %dma_start3A_37 = tpu.memref_squeeze %dma_start3A_36 : memref<1x80x64xi32, #tpu.memory_space<vmem>> -> memref<80x64xi32, #tpu.memory_space<vmem>>
    %dma_start3A_38 = arith.constant 80 : i32
    %dma_start3A_39 = tpu.memref_slice %arg6[%dma_start3A_38] : memref<10000xi32, #tpu.memory_space<vmem>> -> memref<80xi32, #tpu.memory_space<vmem>>
    %dma_start3A_40 = arith.constant 0 : i32
    %dma_start3A_41 = arith.constant 0 : i32
    %dma_start3A_42 = tpu.memref_slice %arg2[%dma_start3A_40, %dma_start3A_41] : memref<10000x64xi32, #tpu.memory_space<hbm>> -> memref<10000x64xi32, #tpu.memory_space<hbm>>
    tpu.enqueue_indirect_dma source(%dma_start3A_42 : memref<10000x64xi32, #tpu.memory_space<hbm>>) target(%dma_start3A_37 : memref<80x64xi32, #tpu.memory_space<vmem>>) offsets(%dma_start3A_39 : memref<80xi32, #tpu.memory_space<vmem>>) semaphore(%arg10 : memref<!tpu.dma_semaphore, #tpu.memory_space<semaphore_mem>>)
    %dma_start3A_43 = arith.constant 2 : i32
    %dma_start3A_44 = arith.constant 0 : i32
    %dma_start3A_45 = arith.constant 0 : i32
    %dma_start3A_46 = tpu.memref_slice %arg7[%dma_start3A_43, %dma_start3A_44, %dma_start3A_45] : memref<8x80x64xi32, #tpu.memory_space<vmem>> -> memref<1x80x64xi32, #tpu.memory_space<vmem>>
    %dma_start3A_47 = tpu.memref_squeeze %dma_start3A_46 : memref<1x80x64xi32, #tpu.memory_space<vmem>> -> memref<80x64xi32, #tpu.memory_space<vmem>>
    %dma_start3A_48 = arith.constant 160 : i32
    %dma_start3A_49 = tpu.memref_slice %arg5[%dma_start3A_48] : memref<10000xi32, #tpu.memory_space<vmem>> -> memref<80xi32, #tpu.memory_space<vmem>>
    %dma_start3A_50 = arith.constant 0 : i32
    %dma_start3A_51 = arith.constant 0 : i32
    %dma_start3A_52 = tpu.memref_slice %arg2[%dma_start3A_50, %dma_start3A_51] : memref<10000x64xi32, #tpu.memory_space<hbm>> -> memref<10000x64xi32, #tpu.memory_space<hbm>>
    tpu.enqueue_indirect_dma source(%dma_start3A_52 : memref<10000x64xi32, #tpu.memory_space<hbm>>) target(%dma_start3A_47 : memref<80x64xi32, #tpu.memory_space<vmem>>) offsets(%dma_start3A_49 : memref<80xi32, #tpu.memory_space<vmem>>) semaphore(%arg10 : memref<!tpu.dma_semaphore, #tpu.memory_space<semaphore_mem>>)
    %dma_start3A_53 = arith.constant 2 : i32
    %dma_start3A_54 = arith.constant 0 : i32
    %dma_start3A_55 = arith.constant 0 : i32
    %dma_start3A_56 = tpu.memref_slice %arg8[%dma_start3A_53, %dma_start3A_54, %dma_start3A_55] : memref<8x80x64xi32, #tpu.memory_space<vmem>> -> memref<1x80x64xi32, #tpu.memory_space<vmem>>
    %dma_start3A_57 = tpu.memref_squeeze %dma_start3A_56 : memref<1x80x64xi32, #tpu.memory_space<vmem>> -> memref<80x64xi32, #tpu.memory_space<vmem>>
    %dma_start3A_58 = arith.constant 160 : i32
    %dma_start3A_59 = tpu.memref_slice %arg6[%dma_start3A_58] : memref<10000xi32, #tpu.memory_space<vmem>> -> memref<80xi32, #tpu.memory_space<vmem>>
    %dma_start3A_60 = arith.constant 0 : i32
    %dma_start3A_61 = arith.constant 0 : i32
    %dma_start3A_62 = tpu.memref_slice %arg2[%dma_start3A_60, %dma_start3A_61] : memref<10000x64xi32, #tpu.memory_space<hbm>> -> memref<10000x64xi32, #tpu.memory_space<hbm>>
    tpu.enqueue_indirect_dma source(%dma_start3A_62 : memref<10000x64xi32, #tpu.memory_space<hbm>>) target(%dma_start3A_57 : memref<80x64xi32, #tpu.memory_space<vmem>>) offsets(%dma_start3A_59 : memref<80xi32, #tpu.memory_space<vmem>>) semaphore(%arg10 : memref<!tpu.dma_semaphore, #tpu.memory_space<semaphore_mem>>)
    %dma_start3A_63 = arith.constant 3 : i32
    %dma_start3A_64 = arith.constant 0 : i32
    %dma_start3A_65 = arith.constant 0 : i32
    %dma_start3A_66 = tpu.memref_slice %arg7[%dma_start3A_63, %dma_start3A_64, %dma_start3A_65] : memref<8x80x64xi32, #tpu.memory_space<vmem>> -> memref<1x80x64xi32, #tpu.memory_space<vmem>>
    %dma_start3A_67 = tpu.memref_squeeze %dma_start3A_66 : memref<1x80x64xi32, #tpu.memory_space<vmem>> -> memref<80x64xi32, #tpu.memory_space<vmem>>
    %dma_start3A_68 = arith.constant 240 : i32
    %dma_start3A_69 = tpu.memref_slice %arg5[%dma_start3A_68] : memref<10000xi32, #tpu.memory_space<vmem>> -> memref<80xi32, #tpu.memory_space<vmem>>
    %dma_start3A_70 = arith.constant 0 : i32
    %dma_start3A_71 = arith.constant 0 : i32
    %dma_start3A_72 = tpu.memref_slice %arg2[%dma_start3A_70, %dma_start3A_71] : memref<10000x64xi32, #tpu.memory_space<hbm>> -> memref<10000x64xi32, #tpu.memory_space<hbm>>
    tpu.enqueue_indirect_dma source(%dma_start3A_72 : memref<10000x64xi32, #tpu.memory_space<hbm>>) target(%dma_start3A_67 : memref<80x64xi32, #tpu.memory_space<vmem>>) offsets(%dma_start3A_69 : memref<80xi32, #tpu.memory_space<vmem>>) semaphore(%arg10 : memref<!tpu.dma_semaphore, #tpu.memory_space<semaphore_mem>>)
    %dma_start3A_73 = arith.constant 3 : i32
    %dma_start3A_74 = arith.constant 0 : i32
    %dma_start3A_75 = arith.constant 0 : i32
    %dma_start3A_76 = tpu.memref_slice %arg8[%dma_start3A_73, %dma_start3A_74, %dma_start3A_75] : memref<8x80x64xi32, #tpu.memory_space<vmem>> -> memref<1x80x64xi32, #tpu.memory_space<vmem>>
    %dma_start3A_77 = tpu.memref_squeeze %dma_start3A_76 : memref<1x80x64xi32, #tpu.memory_space<vmem>> -> memref<80x64xi32, #tpu.memory_space<vmem>>
    %dma_start3A_78 = arith.constant 240 : i32
    %dma_start3A_79 = tpu.memref_slice %arg6[%dma_start3A_78] : memref<10000xi32, #tpu.memory_space<vmem>> -> memref<80xi32, #tpu.memory_space<vmem>>
    %dma_start3A_80 = arith.constant 0 : i32
    %dma_start3A_81 = arith.constant 0 : i32
    %dma_start3A_82 = tpu.memref_slice %arg2[%dma_start3A_80, %dma_start3A_81] : memref<10000x64xi32, #tpu.memory_space<hbm>> -> memref<10000x64xi32, #tpu.memory_space<hbm>>
    tpu.enqueue_indirect_dma source(%dma_start3A_82 : memref<10000x64xi32, #tpu.memory_space<hbm>>) target(%dma_start3A_77 : memref<80x64xi32, #tpu.memory_space<vmem>>) offsets(%dma_start3A_79 : memref<80xi32, #tpu.memory_space<vmem>>) semaphore(%arg10 : memref<!tpu.dma_semaphore, #tpu.memory_space<semaphore_mem>>)
    %dma_start3A_83 = arith.constant 4 : i32
    %dma_start3A_84 = arith.constant 0 : i32
    %dma_start3A_85 = arith.constant 0 : i32
    %dma_start3A_86 = tpu.memref_slice %arg7[%dma_start3A_83, %dma_start3A_84, %dma_start3A_85] : memref<8x80x64xi32, #tpu.memory_space<vmem>> -> memref<1x80x64xi32, #tpu.memory_space<vmem>>
    %dma_start3A_87 = tpu.memref_squeeze %dma_start3A_86 : memref<1x80x64xi32, #tpu.memory_space<vmem>> -> memref<80x64xi32, #tpu.memory_space<vmem>>
    %dma_start3A_88 = arith.constant 320 : i32
    %dma_start3A_89 = tpu.memref_slice %arg5[%dma_start3A_88] : memref<10000xi32, #tpu.memory_space<vmem>> -> memref<80xi32, #tpu.memory_space<vmem>>
    %dma_start3A_90 = arith.constant 0 : i32
    %dma_start3A_91 = arith.constant 0 : i32
    %dma_start3A_92 = tpu.memref_slice %arg2[%dma_start3A_90, %dma_start3A_91] : memref<10000x64xi32, #tpu.memory_space<hbm>> -> memref<10000x64xi32, #tpu.memory_space<hbm>>
    tpu.enqueue_indirect_dma source(%dma_start3A_92 : memref<10000x64xi32, #tpu.memory_space<hbm>>) target(%dma_start3A_87 : memref<80x64xi32, #tpu.memory_space<vmem>>) offsets(%dma_start3A_89 : memref<80xi32, #tpu.memory_space<vmem>>) semaphore(%arg10 : memref<!tpu.dma_semaphore, #tpu.memory_space<semaphore_mem>>)
    %dma_start3A_93 = arith.constant 4 : i32
    %dma_start3A_94 = arith.constant 0 : i32
    %dma_start3A_95 = arith.constant 0 : i32
    %dma_start3A_96 = tpu.memref_slice %arg8[%dma_start3A_93, %dma_start3A_94, %dma_start3A_95] : memref<8x80x64xi32, #tpu.memory_space<vmem>> -> memref<1x80x64xi32, #tpu.memory_space<vmem>>
    %dma_start3A_97 = tpu.memref_squeeze %dma_start3A_96 : memref<1x80x64xi32, #tpu.memory_space<vmem>> -> memref<80x64xi32, #tpu.memory_space<vmem>>
    %dma_start3A_98 = arith.constant 320 : i32
    %dma_start3A_99 = tpu.memref_slice %arg6[%dma_start3A_98] : memref<10000xi32, #tpu.memory_space<vmem>> -> memref<80xi32, #tpu.memory_space<vmem>>
    %dma_start3A_100 = arith.constant 0 : i32
    %dma_start3A_101 = arith.constant 0 : i32
    %dma_start3A_102 = tpu.memref_slice %arg2[%dma_start3A_100, %dma_start3A_101] : memref<10000x64xi32, #tpu.memory_space<hbm>> -> memref<10000x64xi32, #tpu.memory_space<hbm>>
    tpu.enqueue_indirect_dma source(%dma_start3A_102 : memref<10000x64xi32, #tpu.memory_space<hbm>>) target(%dma_start3A_97 : memref<80x64xi32, #tpu.memory_space<vmem>>) offsets(%dma_start3A_99 : memref<80xi32, #tpu.memory_space<vmem>>) semaphore(%arg10 : memref<!tpu.dma_semaphore, #tpu.memory_space<semaphore_mem>>)
    %dma_start3A_103 = arith.constant 5 : i32
    %dma_start3A_104 = arith.constant 0 : i32
    %dma_start3A_105 = arith.constant 0 : i32
    %dma_start3A_106 = tpu.memref_slice %arg7[%dma_start3A_103, %dma_start3A_104, %dma_start3A_105] : memref<8x80x64xi32, #tpu.memory_space<vmem>> -> memref<1x80x64xi32, #tpu.memory_space<vmem>>
    %dma_start3A_107 = tpu.memref_squeeze %dma_start3A_106 : memref<1x80x64xi32, #tpu.memory_space<vmem>> -> memref<80x64xi32, #tpu.memory_space<vmem>>
    %dma_start3A_108 = arith.constant 400 : i32
    %dma_start3A_109 = tpu.memref_slice %arg5[%dma_start3A_108] : memref<10000xi32, #tpu.memory_space<vmem>> -> memref<80xi32, #tpu.memory_space<vmem>>
    %dma_start3A_110 = arith.constant 0 : i32
    %dma_start3A_111 = arith.constant 0 : i32
    %dma_start3A_112 = tpu.memref_slice %arg2[%dma_start3A_110, %dma_start3A_111] : memref<10000x64xi32, #tpu.memory_space<hbm>> -> memref<10000x64xi32, #tpu.memory_space<hbm>>
    tpu.enqueue_indirect_dma source(%dma_start3A_112 : memref<10000x64xi32, #tpu.memory_space<hbm>>) target(%dma_start3A_107 : memref<80x64xi32, #tpu.memory_space<vmem>>) offsets(%dma_start3A_109 : memref<80xi32, #tpu.memory_space<vmem>>) semaphore(%arg10 : memref<!tpu.dma_semaphore, #tpu.memory_space<semaphore_mem>>)
    %dma_start3A_113 = arith.constant 5 : i32
    %dma_start3A_114 = arith.constant 0 : i32
    %dma_start3A_115 = arith.constant 0 : i32
    %dma_start3A_116 = tpu.memref_slice %arg8[%dma_start3A_113, %dma_start3A_114, %dma_start3A_115] : memref<8x80x64xi32, #tpu.memory_space<vmem>> -> memref<1x80x64xi32, #tpu.memory_space<vmem>>
    %dma_start3A_117 = tpu.memref_squeeze %dma_start3A_116 : memref<1x80x64xi32, #tpu.memory_space<vmem>> -> memref<80x64xi32, #tpu.memory_space<vmem>>
    %dma_start3A_118 = arith.constant 400 : i32
    %dma_start3A_119 = tpu.memref_slice %arg6[%dma_start3A_118] : memref<10000xi32, #tpu.memory_space<vmem>> -> memref<80xi32, #tpu.memory_space<vmem>>
    %dma_start3A_120 = arith.constant 0 : i32
    %dma_start3A_121 = arith.constant 0 : i32
    %dma_start3A_122 = tpu.memref_slice %arg2[%dma_start3A_120, %dma_start3A_121] : memref<10000x64xi32, #tpu.memory_space<hbm>> -> memref<10000x64xi32, #tpu.memory_space<hbm>>
    tpu.enqueue_indirect_dma source(%dma_start3A_122 : memref<10000x64xi32, #tpu.memory_space<hbm>>) target(%dma_start3A_117 : memref<80x64xi32, #tpu.memory_space<vmem>>) offsets(%dma_start3A_119 : memref<80xi32, #tpu.memory_space<vmem>>) semaphore(%arg10 : memref<!tpu.dma_semaphore, #tpu.memory_space<semaphore_mem>>)
    %dma_start3A_123 = arith.constant 6 : i32
    %dma_start3A_124 = arith.constant 0 : i32
    %dma_start3A_125 = arith.constant 0 : i32
    %dma_start3A_126 = tpu.memref_slice %arg7[%dma_start3A_123, %dma_start3A_124, %dma_start3A_125] : memref<8x80x64xi32, #tpu.memory_space<vmem>> -> memref<1x80x64xi32, #tpu.memory_space<vmem>>
    %dma_start3A_127 = tpu.memref_squeeze %dma_start3A_126 : memref<1x80x64xi32, #tpu.memory_space<vmem>> -> memref<80x64xi32, #tpu.memory_space<vmem>>
    %dma_start3A_128 = arith.constant 480 : i32
    %dma_start3A_129 = tpu.memref_slice %arg5[%dma_start3A_128] : memref<10000xi32, #tpu.memory_space<vmem>> -> memref<80xi32, #tpu.memory_space<vmem>>
    %dma_start3A_130 = arith.constant 0 : i32
    %dma_start3A_131 = arith.constant 0 : i32
    %dma_start3A_132 = tpu.memref_slice %arg2[%dma_start3A_130, %dma_start3A_131] : memref<10000x64xi32, #tpu.memory_space<hbm>> -> memref<10000x64xi32, #tpu.memory_space<hbm>>
    tpu.enqueue_indirect_dma source(%dma_start3A_132 : memref<10000x64xi32, #tpu.memory_space<hbm>>) target(%dma_start3A_127 : memref<80x64xi32, #tpu.memory_space<vmem>>) offsets(%dma_start3A_129 : memref<80xi32, #tpu.memory_space<vmem>>) semaphore(%arg10 : memref<!tpu.dma_semaphore, #tpu.memory_space<semaphore_mem>>)
    %dma_start3A_133 = arith.constant 6 : i32
    %dma_start3A_134 = arith.constant 0 : i32
    %dma_start3A_135 = arith.constant 0 : i32
    %dma_start3A_136 = tpu.memref_slice %arg8[%dma_start3A_133, %dma_start3A_134, %dma_start3A_135] : memref<8x80x64xi32, #tpu.memory_space<vmem>> -> memref<1x80x64xi32, #tpu.memory_space<vmem>>
    %dma_start3A_137 = tpu.memref_squeeze %dma_start3A_136 : memref<1x80x64xi32, #tpu.memory_space<vmem>> -> memref<80x64xi32, #tpu.memory_space<vmem>>
    %dma_start3A_138 = arith.constant 480 : i32
    %dma_start3A_139 = tpu.memref_slice %arg6[%dma_start3A_138] : memref<10000xi32, #tpu.memory_space<vmem>> -> memref<80xi32, #tpu.memory_space<vmem>>
    %dma_start3A_140 = arith.constant 0 : i32
    %dma_start3A_141 = arith.constant 0 : i32
    %dma_start3A_142 = tpu.memref_slice %arg2[%dma_start3A_140, %dma_start3A_141] : memref<10000x64xi32, #tpu.memory_space<hbm>> -> memref<10000x64xi32, #tpu.memory_space<hbm>>
    tpu.enqueue_indirect_dma source(%dma_start3A_142 : memref<10000x64xi32, #tpu.memory_space<hbm>>) target(%dma_start3A_137 : memref<80x64xi32, #tpu.memory_space<vmem>>) offsets(%dma_start3A_139 : memref<80xi32, #tpu.memory_space<vmem>>) semaphore(%arg10 : memref<!tpu.dma_semaphore, #tpu.memory_space<semaphore_mem>>)
    %scan3A = arith.constant 0 : i32
    %scan3A_143 = arith.constant 0 : i32
    %scan3A_144 = arith.constant 125 : i32
    %scan3A_145 = arith.addi %scan3A_143, %scan3A_144 : i32
    %scan3A_146 = arith.constant 1 : i32
    scf.for %scan3A_148 = %scan3A_143 to %scan3A_145 step %scan3A_146  : i32 {
      %rem3A = arith.constant 8 : i32
      %rem3A_149 = arith.remsi %scan3A_148, %rem3A : i32
      %dma_wait3A = arith.constant 0 : i32
      %dma_wait3A_150 = arith.constant 0 : i32
      %dma_wait3A_151 = tpu.memref_slice %arg7[%rem3A_149, %dma_wait3A, %dma_wait3A_150] : memref<8x80x64xi32, #tpu.memory_space<vmem>> -> memref<1x80x64xi32, #tpu.memory_space<vmem>>
      %dma_wait3A_152 = tpu.memref_squeeze %dma_wait3A_151 : memref<1x80x64xi32, #tpu.memory_space<vmem>> -> memref<80x64xi32, #tpu.memory_space<vmem>>
      %dma_wait3A_153 = arith.constant 0 : i32
      %dma_wait3A_154 = tpu.memref_slice %arg5[%dma_wait3A_153] : memref<10000xi32, #tpu.memory_space<vmem>> -> memref<80xi32, #tpu.memory_space<vmem>>
      %dma_wait3A_155 = arith.constant 0 : i32
      %dma_wait3A_156 = arith.constant 0 : i32
      %dma_wait3A_157 = tpu.memref_slice %arg2[%dma_wait3A_155, %dma_wait3A_156] : memref<10000x64xi32, #tpu.memory_space<hbm>> -> memref<10000x64xi32, #tpu.memory_space<hbm>>
      tpu.wait_indirect_dma semaphore(%arg10 : memref<!tpu.dma_semaphore, #tpu.memory_space<semaphore_mem>>) src(%dma_wait3A_157 : memref<10000x64xi32, #tpu.memory_space<hbm>>) dst(%dma_wait3A_152 : memref<80x64xi32, #tpu.memory_space<vmem>>)
      %dma_wait3A_158 = arith.constant 0 : i32
      %dma_wait3A_159 = arith.constant 0 : i32
      %dma_wait3A_160 = tpu.memref_slice %arg8[%rem3A_149, %dma_wait3A_158, %dma_wait3A_159] : memref<8x80x64xi32, #tpu.memory_space<vmem>> -> memref<1x80x64xi32, #tpu.memory_space<vmem>>
      %dma_wait3A_161 = tpu.memref_squeeze %dma_wait3A_160 : memref<1x80x64xi32, #tpu.memory_space<vmem>> -> memref<80x64xi32, #tpu.memory_space<vmem>>
      %dma_wait3A_162 = arith.constant 0 : i32
      %dma_wait3A_163 = tpu.memref_slice %arg6[%dma_wait3A_162] : memref<10000xi32, #tpu.memory_space<vmem>> -> memref<80xi32, #tpu.memory_space<vmem>>
      %dma_wait3A_164 = arith.constant 0 : i32
      %dma_wait3A_165 = arith.constant 0 : i32
      %dma_wait3A_166 = tpu.memref_slice %arg2[%dma_wait3A_164, %dma_wait3A_165] : memref<10000x64xi32, #tpu.memory_space<hbm>> -> memref<10000x64xi32, #tpu.memory_space<hbm>>
      tpu.wait_indirect_dma semaphore(%arg10 : memref<!tpu.dma_semaphore, #tpu.memory_space<semaphore_mem>>) src(%dma_wait3A_166 : memref<10000x64xi32, #tpu.memory_space<hbm>>) dst(%dma_wait3A_161 : memref<80x64xi32, #tpu.memory_space<vmem>>)
      %add3A_167 = arith.constant 8 : i32
      %add3A_168 = arith.addi %scan3A_148, %add3A_167 : i32
      %sub3A = arith.constant 1 : i32
      %sub3A_169 = arith.subi %add3A_168, %sub3A : i32
      %lt3A = arith.constant 125 : i32
      %lt3A_170 = arith.cmpi slt, %sub3A_169, %lt3A : i32
      %convert_element_type3A = arith.extui %lt3A_170 : i1 to i32
      %cond3A = arith.constant 0 : i32
      %cond3A_171 = arith.cmpi ne, %convert_element_type3A, %cond3A : i32
      scf.if %cond3A_171 {
        %add3A_178 = arith.constant 8 : i32
        %add3A_179 = arith.addi %scan3A_148, %add3A_178 : i32
        %sub3A_180 = arith.constant 1 : i32
        %sub3A_181 = arith.subi %add3A_179, %sub3A_180 : i32
        %add3A_182 = arith.constant 8 : i32
        %add3A_183 = arith.addi %scan3A_148, %add3A_182 : i32
        %sub3A_184 = arith.constant 1 : i32
        %sub3A_185 = arith.subi %add3A_183, %sub3A_184 : i32
        %rem3A_186 = arith.constant 8 : i32
        %rem3A_187 = arith.remsi %sub3A_185, %rem3A_186 : i32
        %mul3A_188 = arith.constant 80 : i32
        %mul3A_189 = arith.muli %sub3A_181, %mul3A_188 : i32
        %mul3A_190 = arith.constant 80 : i32
        %mul3A_191 = arith.muli %sub3A_181, %mul3A_190 : i32
        %dma_start3A_192 = arith.constant 0 : i32
        %dma_start3A_193 = arith.constant 0 : i32
        %dma_start3A_194 = tpu.memref_slice %arg7[%rem3A_187, %dma_start3A_192, %dma_start3A_193] : memref<8x80x64xi32, #tpu.memory_space<vmem>> -> memref<1x80x64xi32, #tpu.memory_space<vmem>>
        %dma_start3A_195 = tpu.memref_squeeze %dma_start3A_194 : memref<1x80x64xi32, #tpu.memory_space<vmem>> -> memref<80x64xi32, #tpu.memory_space<vmem>>
        %dma_start3A_196 = tpu.memref_slice %arg5[%mul3A_189] : memref<10000xi32, #tpu.memory_space<vmem>> -> memref<80xi32, #tpu.memory_space<vmem>>
        %dma_start3A_197 = arith.constant 0 : i32
        %dma_start3A_198 = arith.constant 0 : i32
        %dma_start3A_199 = tpu.memref_slice %arg2[%dma_start3A_197, %dma_start3A_198] : memref<10000x64xi32, #tpu.memory_space<hbm>> -> memref<10000x64xi32, #tpu.memory_space<hbm>>
        tpu.enqueue_indirect_dma source(%dma_start3A_199 : memref<10000x64xi32, #tpu.memory_space<hbm>>) target(%dma_start3A_195 : memref<80x64xi32, #tpu.memory_space<vmem>>) offsets(%dma_start3A_196 : memref<80xi32, #tpu.memory_space<vmem>>) semaphore(%arg10 : memref<!tpu.dma_semaphore, #tpu.memory_space<semaphore_mem>>)
        %dma_start3A_200 = arith.constant 0 : i32
        %dma_start3A_201 = arith.constant 0 : i32
        %dma_start3A_202 = tpu.memref_slice %arg8[%rem3A_187, %dma_start3A_200, %dma_start3A_201] : memref<8x80x64xi32, #tpu.memory_space<vmem>> -> memref<1x80x64xi32, #tpu.memory_space<vmem>>
        %dma_start3A_203 = tpu.memref_squeeze %dma_start3A_202 : memref<1x80x64xi32, #tpu.memory_space<vmem>> -> memref<80x64xi32, #tpu.memory_space<vmem>>
        %dma_start3A_204 = tpu.memref_slice %arg6[%mul3A_191] : memref<10000xi32, #tpu.memory_space<vmem>> -> memref<80xi32, #tpu.memory_space<vmem>>
        %dma_start3A_205 = arith.constant 0 : i32
        %dma_start3A_206 = arith.constant 0 : i32
        %dma_start3A_207 = tpu.memref_slice %arg2[%dma_start3A_205, %dma_start3A_206] : memref<10000x64xi32, #tpu.memory_space<hbm>> -> memref<10000x64xi32, #tpu.memory_space<hbm>>
        tpu.enqueue_indirect_dma source(%dma_start3A_207 : memref<10000x64xi32, #tpu.memory_space<hbm>>) target(%dma_start3A_203 : memref<80x64xi32, #tpu.memory_space<vmem>>) offsets(%dma_start3A_204 : memref<80xi32, #tpu.memory_space<vmem>>) semaphore(%arg10 : memref<!tpu.dma_semaphore, #tpu.memory_space<semaphore_mem>>)
      } else {
      }
      %scan3A_172 = arith.constant 0 : i32
      %scan3A_173 = arith.constant 0 : i32
      %scan3A_174 = arith.constant 5 : i32
      %scan3A_175 = arith.addi %scan3A_173, %scan3A_174 : i32
      %scan3A_176 = arith.constant 1 : i32
      scf.for %scan3A_178 = %scan3A_173 to %scan3A_175 step %scan3A_176  : i32 {
        %broadcast_in_dim3A = arith.constant 0.000000e+00 : f32
        %broadcast_in_dim3A_179 = vector.broadcast %broadcast_in_dim3A : f32 to vector<16xf32>
        %mul3A_180 = arith.constant 16 : i32
        %mul3A_181 = arith.muli %scan3A_178, %mul3A_180 : i32
        %add3A_182 = arith.constant 0 : i32
        %add3A_183 = arith.addi %mul3A_181, %add3A_182 : i32
        %broadcast_in_dim3A_184 = arith.constant 0.000000e+00 : f32
        %broadcast_in_dim3A_185 = vector.broadcast %broadcast_in_dim3A_184 : f32 to vector<16xf32>
        %get3A = arith.index_cast %rem3A_149 : i32 to index
        %get3A_186 = arith.index_cast %add3A_183 : i32 to index
        %get3A_187 = arith.constant 0 : index
        %get3A_188 = tpu.vector_load %arg7[%get3A, %get3A_186, %get3A_187] {strides = array<i32>} : memref<8x80x64xi32, #tpu.memory_space<vmem>>, vector<16xi32>,
        %get3A_189 = arith.index_cast %rem3A_149 : i32 to index
        %get3A_190 = arith.index_cast %add3A_183 : i32 to index
        %get3A_191 = arith.constant 0 : index
        %get3A_192 = tpu.vector_load %arg8[%get3A_189, %get3A_190, %get3A_191] {strides = array<i32>} : memref<8x80x64xi32, #tpu.memory_space<vmem>>, vector<16xi32>,
        %bitcast3A = vector.bitcast %get3A_188 : vector<16xi32> to vector<32xbf16>
        %bitcast3A_193 = vector.bitcast %get3A_192 : vector<16xi32> to vector<32xbf16>
        %mul3A_194 = arith.mulf %bitcast3A, %bitcast3A_193 : vector<32xbf16>
        %unpack3A = tpu.unpack_subelements %mul3A_194, 0 {pack_format = #tpu.pack_format<interleaved>} : vector<32xbf16> -> vector<16xf32>
        %unpack3A_195 = tpu.unpack_subelements %mul3A_194, 1 {pack_format = #tpu.pack_format<interleaved>} : vector<32xbf16> -> vector<16xf32>
        %add3A_196 = arith.addf %broadcast_in_dim3A_185, %unpack3A : vector<16xf32>
        %add3A_197 = arith.addf %add3A_196, %unpack3A_195 : vector<16xf32>
        %get3A_198 = arith.index_cast %rem3A_149 : i32 to index
        %get3A_199 = arith.index_cast %add3A_183 : i32 to index
        %get3A_200 = arith.constant 16 : index
        %get3A_201 = tpu.vector_load %arg7[%get3A_198, %get3A_199, %get3A_200] {strides = array<i32>} : memref<8x80x64xi32, #tpu.memory_space<vmem>>, vector<16xi32>,
        %get3A_202 = arith.index_cast %rem3A_149 : i32 to index
        %get3A_203 = arith.index_cast %add3A_183 : i32 to index
        %get3A_204 = arith.constant 16 : index
        %get3A_205 = tpu.vector_load %arg8[%get3A_202, %get3A_203, %get3A_204] {strides = array<i32>} : memref<8x80x64xi32, #tpu.memory_space<vmem>>, vector<16xi32>,
        %bitcast3A_206 = vector.bitcast %get3A_201 : vector<16xi32> to vector<32xbf16>
        %bitcast3A_207 = vector.bitcast %get3A_205 : vector<16xi32> to vector<32xbf16>
        %mul3A_208 = arith.mulf %bitcast3A_206, %bitcast3A_207 : vector<32xbf16>
        %unpack3A_209 = tpu.unpack_subelements %mul3A_208, 0 {pack_format = #tpu.pack_format<interleaved>} : vector<32xbf16> -> vector<16xf32>
        %unpack3A_210 = tpu.unpack_subelements %mul3A_208, 1 {pack_format = #tpu.pack_format<interleaved>} : vector<32xbf16> -> vector<16xf32>
        %add3A_211 = arith.addf %add3A_197, %unpack3A_209 : vector<16xf32>
        %add3A_212 = arith.addf %add3A_211, %unpack3A_210 : vector<16xf32>
        %get3A_213 = arith.index_cast %rem3A_149 : i32 to index
        %get3A_214 = arith.index_cast %add3A_183 : i32 to index
        %get3A_215 = arith.constant 32 : index
        %get3A_216 = tpu.vector_load %arg7[%get3A_213, %get3A_214, %get3A_215] {strides = array<i32>} : memref<8x80x64xi32, #tpu.memory_space<vmem>>, vector<16xi32>,
        %get3A_217 = arith.index_cast %rem3A_149 : i32 to index
        %get3A_218 = arith.index_cast %add3A_183 : i32 to index
        %get3A_219 = arith.constant 32 : index
        %get3A_220 = tpu.vector_load %arg8[%get3A_217, %get3A_218, %get3A_219] {strides = array<i32>} : memref<8x80x64xi32, #tpu.memory_space<vmem>>, vector<16xi32>,
        %bitcast3A_221 = vector.bitcast %get3A_216 : vector<16xi32> to vector<32xbf16>
        %bitcast3A_222 = vector.bitcast %get3A_220 : vector<16xi32> to vector<32xbf16>
        %mul3A_223 = arith.mulf %bitcast3A_221, %bitcast3A_222 : vector<32xbf16>
        %unpack3A_224 = tpu.unpack_subelements %mul3A_223, 0 {pack_format = #tpu.pack_format<interleaved>} : vector<32xbf16> -> vector<16xf32>
        %unpack3A_225 = tpu.unpack_subelements %mul3A_223, 1 {pack_format = #tpu.pack_format<interleaved>} : vector<32xbf16> -> vector<16xf32>
        %add3A_226 = arith.addf %add3A_212, %unpack3A_224 : vector<16xf32>
        %add3A_227 = arith.addf %add3A_226, %unpack3A_225 : vector<16xf32>
        %get3A_228 = arith.index_cast %rem3A_149 : i32 to index
        %get3A_229 = arith.index_cast %add3A_183 : i32 to index
        %get3A_230 = arith.constant 48 : index
        %get3A_231 = tpu.vector_load %arg7[%get3A_228, %get3A_229, %get3A_230] {strides = array<i32>} : memref<8x80x64xi32, #tpu.memory_space<vmem>>, vector<16xi32>,
        %get3A_232 = arith.index_cast %rem3A_149 : i32 to index
        %get3A_233 = arith.index_cast %add3A_183 : i32 to index
        %get3A_234 = arith.constant 48 : index
        %get3A_235 = tpu.vector_load %arg8[%get3A_232, %get3A_233, %get3A_234] {strides = array<i32>} : memref<8x80x64xi32, #tpu.memory_space<vmem>>, vector<16xi32>,
        %bitcast3A_236 = vector.bitcast %get3A_231 : vector<16xi32> to vector<32xbf16>
        %bitcast3A_237 = vector.bitcast %get3A_235 : vector<16xi32> to vector<32xbf16>
        %mul3A_238 = arith.mulf %bitcast3A_236, %bitcast3A_237 : vector<32xbf16>
        %unpack3A_239 = tpu.unpack_subelements %mul3A_238, 0 {pack_format = #tpu.pack_format<interleaved>} : vector<32xbf16> -> vector<16xf32>
        %unpack3A_240 = tpu.unpack_subelements %mul3A_238, 1 {pack_format = #tpu.pack_format<interleaved>} : vector<32xbf16> -> vector<16xf32>
        %add3A_241 = arith.addf %add3A_227, %unpack3A_239 : vector<16xf32>
        %add3A_242 = arith.addf %add3A_241, %unpack3A_240 : vector<16xf32>
        %xor3A = arith.constant 8 : i32
        %xor3A_243 = vector.broadcast %xor3A : i32 to vector<16xi32>
        %xor3A_244 = arith.xori %iota3A, %xor3A_243 : vector<16xi32>
        %broadcast_in_dim3A_245 = vector.shape_cast %xor3A_244 : vector<16xi32> to vector<16x1xi32>
        %gather3A = vector.shape_cast %broadcast_in_dim3A_245 : vector<16x1xi32> to vector<16xi32>
        %gather3A_246 = tpu.dynamic_gather %add3A_242[%gather3A] in [0] : vector<16xf32>, vector<16xi32> -> vector<16xf32>
        %add3A_247 = arith.addf %add3A_242, %gather3A_246 : vector<16xf32>
        %xor3A_248 = arith.constant 4 : i32
        %xor3A_249 = vector.broadcast %xor3A_248 : i32 to vector<16xi32>
        %xor3A_250 = arith.xori %iota3A, %xor3A_249 : vector<16xi32>
        %broadcast_in_dim3A_251 = vector.shape_cast %xor3A_250 : vector<16xi32> to vector<16x1xi32>
        %gather3A_252 = vector.shape_cast %broadcast_in_dim3A_251 : vector<16x1xi32> to vector<16xi32>
        %gather3A_253 = tpu.dynamic_gather %add3A_247[%gather3A_252] in [0] : vector<16xf32>, vector<16xi32> -> vector<16xf32>
        %add3A_254 = arith.addf %add3A_247, %gather3A_253 : vector<16xf32>
        %xor3A_255 = arith.constant 2 : i32
        %xor3A_256 = vector.broadcast %xor3A_255 : i32 to vector<16xi32>
        %xor3A_257 = arith.xori %iota3A, %xor3A_256 : vector<16xi32>
        %broadcast_in_dim3A_258 = vector.shape_cast %xor3A_257 : vector<16xi32> to vector<16x1xi32>
        %gather3A_259 = vector.shape_cast %broadcast_in_dim3A_258 : vector<16x1xi32> to vector<16xi32>
        %gather3A_260 = tpu.dynamic_gather %add3A_254[%gather3A_259] in [0] : vector<16xf32>, vector<16xi32> -> vector<16xf32>
        %add3A_261 = arith.addf %add3A_254, %gather3A_260 : vector<16xf32>
        %xor3A_262 = arith.constant 1 : i32
        %xor3A_263 = vector.broadcast %xor3A_262 : i32 to vector<16xi32>
        %xor3A_264 = arith.xori %iota3A, %xor3A_263 : vector<16xi32>
        %broadcast_in_dim3A_265 = vector.shape_cast %xor3A_264 : vector<16xi32> to vector<16x1xi32>
        %gather3A_266 = vector.shape_cast %broadcast_in_dim3A_265 : vector<16x1xi32> to vector<16xi32>
        %gather3A_267 = tpu.dynamic_gather %add3A_261[%gather3A_266] in [0] : vector<16xf32>, vector<16xi32> -> vector<16xf32>
        %add3A_268 = arith.addf %add3A_261, %gather3A_267 : vector<16xf32>
        %eq3A = arith.constant 0 : i32
        %eq3A_269 = vector.broadcast %eq3A : i32 to vector<16xi32>
        %eq3A_270 = arith.cmpi eq, %iota3A, %eq3A_269 : vector<16xi32>
        %select_n3A = arith.select %eq3A_270, %add3A_268, %broadcast_in_dim3A_179 : vector<16xi1>, vector<16xf32>
        %add3A_271 = arith.constant 1 : i32
        %add3A_272 = arith.addi %mul3A_181, %add3A_271 : i32
        %broadcast_in_dim3A_273 = arith.constant 0.000000e+00 : f32
        %broadcast_in_dim3A_274 = vector.broadcast %broadcast_in_dim3A_273 : f32 to vector<16xf32>
        %get3A_275 = arith.index_cast %rem3A_149 : i32 to index
        %get3A_276 = arith.index_cast %add3A_272 : i32 to index
        %get3A_277 = arith.constant 0 : index
        %get3A_278 = tpu.vector_load %arg7[%get3A_275, %get3A_276, %get3A_277] {strides = array<i32>} : memref<8x80x64xi32, #tpu.memory_space<vmem>>, vector<16xi32>,
        %get3A_279 = arith.index_cast %rem3A_149 : i32 to index
        %get3A_280 = arith.index_cast %add3A_272 : i32 to index
        %get3A_281 = arith.constant 0 : index
        %get3A_282 = tpu.vector_load %arg8[%get3A_279, %get3A_280, %get3A_281] {strides = array<i32>} : memref<8x80x64xi32, #tpu.memory_space<vmem>>, vector<16xi32>,
        %bitcast3A_283 = vector.bitcast %get3A_278 : vector<16xi32> to vector<32xbf16>
        %bitcast3A_284 = vector.bitcast %get3A_282 : vector<16xi32> to vector<32xbf16>
        %mul3A_285 = arith.mulf %bitcast3A_283, %bitcast3A_284 : vector<32xbf16>
        %unpack3A_286 = tpu.unpack_subelements %mul3A_285, 0 {pack_format = #tpu.pack_format<interleaved>} : vector<32xbf16> -> vector<16xf32>
        %unpack3A_287 = tpu.unpack_subelements %mul3A_285, 1 {pack_format = #tpu.pack_format<interleaved>} : vector<32xbf16> -> vector<16xf32>
        %add3A_288 = arith.addf %broadcast_in_dim3A_274, %unpack3A_286 : vector<16xf32>
        %add3A_289 = arith.addf %add3A_288, %unpack3A_287 : vector<16xf32>
        %get3A_290 = arith.index_cast %rem3A_149 : i32 to index
        %get3A_291 = arith.index_cast %add3A_272 : i32 to index
        %get3A_292 = arith.constant 16 : index
        %get3A_293 = tpu.vector_load %arg7[%get3A_290, %get3A_291, %get3A_292] {strides = array<i32>} : memref<8x80x64xi32, #tpu.memory_space<vmem>>, vector<16xi32>,
        %get3A_294 = arith.index_cast %rem3A_149 : i32 to index
        %get3A_295 = arith.index_cast %add3A_272 : i32 to index
        %get3A_296 = arith.constant 16 : index
        %get3A_297 = tpu.vector_load %arg8[%get3A_294, %get3A_295, %get3A_296] {strides = array<i32>} : memref<8x80x64xi32, #tpu.memory_space<vmem>>, vector<16xi32>,
        %bitcast3A_298 = vector.bitcast %get3A_293 : vector<16xi32> to vector<32xbf16>
        %bitcast3A_299 = vector.bitcast %get3A_297 : vector<16xi32> to vector<32xbf16>
        %mul3A_300 = arith.mulf %bitcast3A_298, %bitcast3A_299 : vector<32xbf16>
        %unpack3A_301 = tpu.unpack_subelements %mul3A_300, 0 {pack_format = #tpu.pack_format<interleaved>} : vector<32xbf16> -> vector<16xf32>
        %unpack3A_302 = tpu.unpack_subelements %mul3A_300, 1 {pack_format = #tpu.pack_format<interleaved>} : vector<32xbf16> -> vector<16xf32>
        %add3A_303 = arith.addf %add3A_289, %unpack3A_301 : vector<16xf32>
        %add3A_304 = arith.addf %add3A_303, %unpack3A_302 : vector<16xf32>
        %get3A_305 = arith.index_cast %rem3A_149 : i32 to index
        %get3A_306 = arith.index_cast %add3A_272 : i32 to index
        %get3A_307 = arith.constant 32 : index
        %get3A_308 = tpu.vector_load %arg7[%get3A_305, %get3A_306, %get3A_307] {strides = array<i32>} : memref<8x80x64xi32, #tpu.memory_space<vmem>>, vector<16xi32>,
        %get3A_309 = arith.index_cast %rem3A_149 : i32 to index
        %get3A_310 = arith.index_cast %add3A_272 : i32 to index
        %get3A_311 = arith.constant 32 : index
        %get3A_312 = tpu.vector_load %arg8[%get3A_309, %get3A_310, %get3A_311] {strides = array<i32>} : memref<8x80x64xi32, #tpu.memory_space<vmem>>, vector<16xi32>,
        %bitcast3A_313 = vector.bitcast %get3A_308 : vector<16xi32> to vector<32xbf16>
        %bitcast3A_314 = vector.bitcast %get3A_312 : vector<16xi32> to vector<32xbf16>
        %mul3A_315 = arith.mulf %bitcast3A_313, %bitcast3A_314 : vector<32xbf16>
        %unpack3A_316 = tpu.unpack_subelements %mul3A_315, 0 {pack_format = #tpu.pack_format<interleaved>} : vector<32xbf16> -> vector<16xf32>
        %unpack3A_317 = tpu.unpack_subelements %mul3A_315, 1 {pack_format = #tpu.pack_format<interleaved>} : vector<32xbf16> -> vector<16xf32>
        %add3A_318 = arith.addf %add3A_304, %unpack3A_316 : vector<16xf32>
        %add3A_319 = arith.addf %add3A_318, %unpack3A_317 : vector<16xf32>
        %get3A_320 = arith.index_cast %rem3A_149 : i32 to index
        %get3A_321 = arith.index_cast %add3A_272 : i32 to index
        %get3A_322 = arith.constant 48 : index
        %get3A_323 = tpu.vector_load %arg7[%get3A_320, %get3A_321, %get3A_322] {strides = array<i32>} : memref<8x80x64xi32, #tpu.memory_space<vmem>>, vector<16xi32>,
        %get3A_324 = arith.index_cast %rem3A_149 : i32 to index
        %get3A_325 = arith.index_cast %add3A_272 : i32 to index
        %get3A_326 = arith.constant 48 : index
        %get3A_327 = tpu.vector_load %arg8[%get3A_324, %get3A_325, %get3A_326] {strides = array<i32>} : memref<8x80x64xi32, #tpu.memory_space<vmem>>, vector<16xi32>,
        %bitcast3A_328 = vector.bitcast %get3A_323 : vector<16xi32> to vector<32xbf16>
        %bitcast3A_329 = vector.bitcast %get3A_327 : vector<16xi32> to vector<32xbf16>
        %mul3A_330 = arith.mulf %bitcast3A_328, %bitcast3A_329 : vector<32xbf16>
        %unpack3A_331 = tpu.unpack_subelements %mul3A_330, 0 {pack_format = #tpu.pack_format<interleaved>} : vector<32xbf16> -> vector<16xf32>
        %unpack3A_332 = tpu.unpack_subelements %mul3A_330, 1 {pack_format = #tpu.pack_format<interleaved>} : vector<32xbf16> -> vector<16xf32>
        %add3A_333 = arith.addf %add3A_319, %unpack3A_331 : vector<16xf32>
        %add3A_334 = arith.addf %add3A_333, %unpack3A_332 : vector<16xf32>
        %xor3A_335 = arith.constant 8 : i32
        %xor3A_336 = vector.broadcast %xor3A_335 : i32 to vector<16xi32>
        %xor3A_337 = arith.xori %iota3A, %xor3A_336 : vector<16xi32>
        %broadcast_in_dim3A_338 = vector.shape_cast %xor3A_337 : vector<16xi32> to vector<16x1xi32>
        %gather3A_339 = vector.shape_cast %broadcast_in_dim3A_338 : vector<16x1xi32> to vector<16xi32>
        %gather3A_340 = tpu.dynamic_gather %add3A_334[%gather3A_339] in [0] : vector<16xf32>, vector<16xi32> -> vector<16xf32>
        %add3A_341 = arith.addf %add3A_334, %gather3A_340 : vector<16xf32>
        %xor3A_342 = arith.constant 4 : i32
        %xor3A_343 = vector.broadcast %xor3A_342 : i32 to vector<16xi32>
        %xor3A_344 = arith.xori %iota3A, %xor3A_343 : vector<16xi32>
        %broadcast_in_dim3A_345 = vector.shape_cast %xor3A_344 : vector<16xi32> to vector<16x1xi32>
        %gather3A_346 = vector.shape_cast %broadcast_in_dim3A_345 : vector<16x1xi32> to vector<16xi32>
        %gather3A_347 = tpu.dynamic_gather %add3A_341[%gather3A_346] in [0] : vector<16xf32>, vector<16xi32> -> vector<16xf32>
        %add3A_348 = arith.addf %add3A_341, %gather3A_347 : vector<16xf32>
        %xor3A_349 = arith.constant 2 : i32
        %xor3A_350 = vector.broadcast %xor3A_349 : i32 to vector<16xi32>
        %xor3A_351 = arith.xori %iota3A, %xor3A_350 : vector<16xi32>
        %broadcast_in_dim3A_352 = vector.shape_cast %xor3A_351 : vector<16xi32> to vector<16x1xi32>
        %gather3A_353 = vector.shape_cast %broadcast_in_dim3A_352 : vector<16x1xi32> to vector<16xi32>
        %gather3A_354 = tpu.dynamic_gather %add3A_348[%gather3A_353] in [0] : vector<16xf32>, vector<16xi32> -> vector<16xf32>
        %add3A_355 = arith.addf %add3A_348, %gather3A_354 : vector<16xf32>
        %xor3A_356 = arith.constant 1 : i32
        %xor3A_357 = vector.broadcast %xor3A_356 : i32 to vector<16xi32>
        %xor3A_358 = arith.xori %iota3A, %xor3A_357 : vector<16xi32>
        %broadcast_in_dim3A_359 = vector.shape_cast %xor3A_358 : vector<16xi32> to vector<16x1xi32>
        %gather3A_360 = vector.shape_cast %broadcast_in_dim3A_359 : vector<16x1xi32> to vector<16xi32>
        %gather3A_361 = tpu.dynamic_gather %add3A_355[%gather3A_360] in [0] : vector<16xf32>, vector<16xi32> -> vector<16xf32>
        %add3A_362 = arith.addf %add3A_355, %gather3A_361 : vector<16xf32>
        %eq3A_363 = arith.constant 1 : i32
        %eq3A_364 = vector.broadcast %eq3A_363 : i32 to vector<16xi32>
        %eq3A_365 = arith.cmpi eq, %iota3A, %eq3A_364 : vector<16xi32>
        %select_n3A_366 = arith.select %eq3A_365, %add3A_362, %select_n3A : vector<16xi1>, vector<16xf32>
        %add3A_367 = arith.constant 2 : i32
        %add3A_368 = arith.addi %mul3A_181, %add3A_367 : i32
        %broadcast_in_dim3A_369 = arith.constant 0.000000e+00 : f32
        %broadcast_in_dim3A_370 = vector.broadcast %broadcast_in_dim3A_369 : f32 to vector<16xf32>
        %get3A_371 = arith.index_cast %rem3A_149 : i32 to index
        %get3A_372 = arith.index_cast %add3A_368 : i32 to index
        %get3A_373 = arith.constant 0 : index
        %get3A_374 = tpu.vector_load %arg7[%get3A_371, %get3A_372, %get3A_373] {strides = array<i32>} : memref<8x80x64xi32, #tpu.memory_space<vmem>>, vector<16xi32>,
        %get3A_375 = arith.index_cast %rem3A_149 : i32 to index
        %get3A_376 = arith.index_cast %add3A_368 : i32 to index
        %get3A_377 = arith.constant 0 : index
        %get3A_378 = tpu.vector_load %arg8[%get3A_375, %get3A_376, %get3A_377] {strides = array<i32>} : memref<8x80x64xi32, #tpu.memory_space<vmem>>, vector<16xi32>,
        %bitcast3A_379 = vector.bitcast %get3A_374 : vector<16xi32> to vector<32xbf16>
        %bitcast3A_380 = vector.bitcast %get3A_378 : vector<16xi32> to vector<32xbf16>
        %mul3A_381 = arith.mulf %bitcast3A_379, %bitcast3A_380 : vector<32xbf16>
        %unpack3A_382 = tpu.unpack_subelements %mul3A_381, 0 {pack_format = #tpu.pack_format<interleaved>} : vector<32xbf16> -> vector<16xf32>
        %unpack3A_383 = tpu.unpack_subelements %mul3A_381, 1 {pack_format = #tpu.pack_format<interleaved>} : vector<32xbf16> -> vector<16xf32>
        %add3A_384 = arith.addf %broadcast_in_dim3A_370, %unpack3A_382 : vector<16xf32>
        %add3A_385 = arith.addf %add3A_384, %unpack3A_383 : vector<16xf32>
        %get3A_386 = arith.index_cast %rem3A_149 : i32 to index
        %get3A_387 = arith.index_cast %add3A_368 : i32 to index
        %get3A_388 = arith.constant 16 : index
        %get3A_389 = tpu.vector_load %arg7[%get3A_386, %get3A_387, %get3A_388] {strides = array<i32>} : memref<8x80x64xi32, #tpu.memory_space<vmem>>, vector<16xi32>,
        %get3A_390 = arith.index_cast %rem3A_149 : i32 to index
        %get3A_391 = arith.index_cast %add3A_368 : i32 to index
        %get3A_392 = arith.constant 16 : index
        %get3A_393 = tpu.vector_load %arg8[%get3A_390, %get3A_391, %get3A_392] {strides = array<i32>} : memref<8x80x64xi32, #tpu.memory_space<vmem>>, vector<16xi32>,
        %bitcast3A_394 = vector.bitcast %get3A_389 : vector<16xi32> to vector<32xbf16>
        %bitcast3A_395 = vector.bitcast %get3A_393 : vector<16xi32> to vector<32xbf16>
        %mul3A_396 = arith.mulf %bitcast3A_394, %bitcast3A_395 : vector<32xbf16>
        %unpack3A_397 = tpu.unpack_subelements %mul3A_396, 0 {pack_format = #tpu.pack_format<interleaved>} : vector<32xbf16> -> vector<16xf32>
        %unpack3A_398 = tpu.unpack_subelements %mul3A_396, 1 {pack_format = #tpu.pack_format<interleaved>} : vector<32xbf16> -> vector<16xf32>
        %add3A_399 = arith.addf %add3A_385, %unpack3A_397 : vector<16xf32>
        %add3A_400 = arith.addf %add3A_399, %unpack3A_398 : vector<16xf32>
        %get3A_401 = arith.index_cast %rem3A_149 : i32 to index
        %get3A_402 = arith.index_cast %add3A_368 : i32 to index
        %get3A_403 = arith.constant 32 : index
        %get3A_404 = tpu.vector_load %arg7[%get3A_401, %get3A_402, %get3A_403] {strides = array<i32>} : memref<8x80x64xi32, #tpu.memory_space<vmem>>, vector<16xi32>,
        %get3A_405 = arith.index_cast %rem3A_149 : i32 to index
        %get3A_406 = arith.index_cast %add3A_368 : i32 to index
        %get3A_407 = arith.constant 32 : index
        %get3A_408 = tpu.vector_load %arg8[%get3A_405, %get3A_406, %get3A_407] {strides = array<i32>} : memref<8x80x64xi32, #tpu.memory_space<vmem>>, vector<16xi32>,
        %bitcast3A_409 = vector.bitcast %get3A_404 : vector<16xi32> to vector<32xbf16>
        %bitcast3A_410 = vector.bitcast %get3A_408 : vector<16xi32> to vector<32xbf16>
        %mul3A_411 = arith.mulf %bitcast3A_409, %bitcast3A_410 : vector<32xbf16>
        %unpack3A_412 = tpu.unpack_subelements %mul3A_411, 0 {pack_format = #tpu.pack_format<interleaved>} : vector<32xbf16> -> vector<16xf32>
        %unpack3A_413 = tpu.unpack_subelements %mul3A_411, 1 {pack_format = #tpu.pack_format<interleaved>} : vector<32xbf16> -> vector<16xf32>
        %add3A_414 = arith.addf %add3A_400, %unpack3A_412 : vector<16xf32>
        %add3A_415 = arith.addf %add3A_414, %unpack3A_413 : vector<16xf32>
        %get3A_416 = arith.index_cast %rem3A_149 : i32 to index
        %get3A_417 = arith.index_cast %add3A_368 : i32 to index
        %get3A_418 = arith.constant 48 : index
        %get3A_419 = tpu.vector_load %arg7[%get3A_416, %get3A_417, %get3A_418] {strides = array<i32>} : memref<8x80x64xi32, #tpu.memory_space<vmem>>, vector<16xi32>,
        %get3A_420 = arith.index_cast %rem3A_149 : i32 to index
        %get3A_421 = arith.index_cast %add3A_368 : i32 to index
        %get3A_422 = arith.constant 48 : index
        %get3A_423 = tpu.vector_load %arg8[%get3A_420, %get3A_421, %get3A_422] {strides = array<i32>} : memref<8x80x64xi32, #tpu.memory_space<vmem>>, vector<16xi32>,
        %bitcast3A_424 = vector.bitcast %get3A_419 : vector<16xi32> to vector<32xbf16>
        %bitcast3A_425 = vector.bitcast %get3A_423 : vector<16xi32> to vector<32xbf16>
        %mul3A_426 = arith.mulf %bitcast3A_424, %bitcast3A_425 : vector<32xbf16>
        %unpack3A_427 = tpu.unpack_subelements %mul3A_426, 0 {pack_format = #tpu.pack_format<interleaved>} : vector<32xbf16> -> vector<16xf32>
        %unpack3A_428 = tpu.unpack_subelements %mul3A_426, 1 {pack_format = #tpu.pack_format<interleaved>} : vector<32xbf16> -> vector<16xf32>
        %add3A_429 = arith.addf %add3A_415, %unpack3A_427 : vector<16xf32>
        %add3A_430 = arith.addf %add3A_429, %unpack3A_428 : vector<16xf32>
        %xor3A_431 = arith.constant 8 : i32
        %xor3A_432 = vector.broadcast %xor3A_431 : i32 to vector<16xi32>
        %xor3A_433 = arith.xori %iota3A, %xor3A_432 : vector<16xi32>
        %broadcast_in_dim3A_434 = vector.shape_cast %xor3A_433 : vector<16xi32> to vector<16x1xi32>
        %gather3A_435 = vector.shape_cast %broadcast_in_dim3A_434 : vector<16x1xi32> to vector<16xi32>
        %gather3A_436 = tpu.dynamic_gather %add3A_430[%gather3A_435] in [0] : vector<16xf32>, vector<16xi32> -> vector<16xf32>
        %add3A_437 = arith.addf %add3A_430, %gather3A_436 : vector<16xf32>
        %xor3A_438 = arith.constant 4 : i32
        %xor3A_439 = vector.broadcast %xor3A_438 : i32 to vector<16xi32>
        %xor3A_440 = arith.xori %iota3A, %xor3A_439 : vector<16xi32>
        %broadcast_in_dim3A_441 = vector.shape_cast %xor3A_440 : vector<16xi32> to vector<16x1xi32>
        %gather3A_442 = vector.shape_cast %broadcast_in_dim3A_441 : vector<16x1xi32> to vector<16xi32>
        %gather3A_443 = tpu.dynamic_gather %add3A_437[%gather3A_442] in [0] : vector<16xf32>, vector<16xi32> -> vector<16xf32>
        %add3A_444 = arith.addf %add3A_437, %gather3A_443 : vector<16xf32>
        %xor3A_445 = arith.constant 2 : i32
        %xor3A_446 = vector.broadcast %xor3A_445 : i32 to vector<16xi32>
        %xor3A_447 = arith.xori %iota3A, %xor3A_446 : vector<16xi32>
        %broadcast_in_dim3A_448 = vector.shape_cast %xor3A_447 : vector<16xi32> to vector<16x1xi32>
        %gather3A_449 = vector.shape_cast %broadcast_in_dim3A_448 : vector<16x1xi32> to vector<16xi32>
        %gather3A_450 = tpu.dynamic_gather %add3A_444[%gather3A_449] in [0] : vector<16xf32>, vector<16xi32> -> vector<16xf32>
        %add3A_451 = arith.addf %add3A_444, %gather3A_450 : vector<16xf32>
        %xor3A_452 = arith.constant 1 : i32
        %xor3A_453 = vector.broadcast %xor3A_452 : i32 to vector<16xi32>
        %xor3A_454 = arith.xori %iota3A, %xor3A_453 : vector<16xi32>
        %broadcast_in_dim3A_455 = vector.shape_cast %xor3A_454 : vector<16xi32> to vector<16x1xi32>
        %gather3A_456 = vector.shape_cast %broadcast_in_dim3A_455 : vector<16x1xi32> to vector<16xi32>
        %gather3A_457 = tpu.dynamic_gather %add3A_451[%gather3A_456] in [0] : vector<16xf32>, vector<16xi32> -> vector<16xf32>
        %add3A_458 = arith.addf %add3A_451, %gather3A_457 : vector<16xf32>
        %eq3A_459 = arith.constant 2 : i32
        %eq3A_460 = vector.broadcast %eq3A_459 : i32 to vector<16xi32>
        %eq3A_461 = arith.cmpi eq, %iota3A, %eq3A_460 : vector<16xi32>
        %select_n3A_462 = arith.select %eq3A_461, %add3A_458, %select_n3A_366 : vector<16xi1>, vector<16xf32>
        %add3A_463 = arith.constant 3 : i32
        %add3A_464 = arith.addi %mul3A_181, %add3A_463 : i32
        %broadcast_in_dim3A_465 = arith.constant 0.000000e+00 : f32
        %broadcast_in_dim3A_466 = vector.broadcast %broadcast_in_dim3A_465 : f32 to vector<16xf32>
        %get3A_467 = arith.index_cast %rem3A_149 : i32 to index
        %get3A_468 = arith.index_cast %add3A_464 : i32 to index
        %get3A_469 = arith.constant 0 : index
        %get3A_470 = tpu.vector_load %arg7[%get3A_467, %get3A_468, %get3A_469] {strides = array<i32>} : memref<8x80x64xi32, #tpu.memory_space<vmem>>, vector<16xi32>,
        %get3A_471 = arith.index_cast %rem3A_149 : i32 to index
        %get3A_472 = arith.index_cast %add3A_464 : i32 to index
        %get3A_473 = arith.constant 0 : index
        %get3A_474 = tpu.vector_load %arg8[%get3A_471, %get3A_472, %get3A_473] {strides = array<i32>} : memref<8x80x64xi32, #tpu.memory_space<vmem>>, vector<16xi32>,
        %bitcast3A_475 = vector.bitcast %get3A_470 : vector<16xi32> to vector<32xbf16>
        %bitcast3A_476 = vector.bitcast %get3A_474 : vector<16xi32> to vector<32xbf16>
        %mul3A_477 = arith.mulf %bitcast3A_475, %bitcast3A_476 : vector<32xbf16>
        %unpack3A_478 = tpu.unpack_subelements %mul3A_477, 0 {pack_format = #tpu.pack_format<interleaved>} : vector<32xbf16> -> vector<16xf32>
        %unpack3A_479 = tpu.unpack_subelements %mul3A_477, 1 {pack_format = #tpu.pack_format<interleaved>} : vector<32xbf16> -> vector<16xf32>
        %add3A_480 = arith.addf %broadcast_in_dim3A_466, %unpack3A_478 : vector<16xf32>
        %add3A_481 = arith.addf %add3A_480, %unpack3A_479 : vector<16xf32>
        %get3A_482 = arith.index_cast %rem3A_149 : i32 to index
        %get3A_483 = arith.index_cast %add3A_464 : i32 to index
        %get3A_484 = arith.constant 16 : index
        %get3A_485 = tpu.vector_load %arg7[%get3A_482, %get3A_483, %get3A_484] {strides = array<i32>} : memref<8x80x64xi32, #tpu.memory_space<vmem>>, vector<16xi32>,
        %get3A_486 = arith.index_cast %rem3A_149 : i32 to index
        %get3A_487 = arith.index_cast %add3A_464 : i32 to index
        %get3A_488 = arith.constant 16 : index
        %get3A_489 = tpu.vector_load %arg8[%get3A_486, %get3A_487, %get3A_488] {strides = array<i32>} : memref<8x80x64xi32, #tpu.memory_space<vmem>>, vector<16xi32>,
        %bitcast3A_490 = vector.bitcast %get3A_485 : vector<16xi32> to vector<32xbf16>
        %bitcast3A_491 = vector.bitcast %get3A_489 : vector<16xi32> to vector<32xbf16>
        %mul3A_492 = arith.mulf %bitcast3A_490, %bitcast3A_491 : vector<32xbf16>
        %unpack3A_493 = tpu.unpack_subelements %mul3A_492, 0 {pack_format = #tpu.pack_format<interleaved>} : vector<32xbf16> -> vector<16xf32>
        %unpack3A_494 = tpu.unpack_subelements %mul3A_492, 1 {pack_format = #tpu.pack_format<interleaved>} : vector<32xbf16> -> vector<16xf32>
        %add3A_495 = arith.addf %add3A_481, %unpack3A_493 : vector<16xf32>
        %add3A_496 = arith.addf %add3A_495, %unpack3A_494 : vector<16xf32>
        %get3A_497 = arith.index_cast %rem3A_149 : i32 to index
        %get3A_498 = arith.index_cast %add3A_464 : i32 to index
        %get3A_499 = arith.constant 32 : index
        %get3A_500 = tpu.vector_load %arg7[%get3A_497, %get3A_498, %get3A_499] {strides = array<i32>} : memref<8x80x64xi32, #tpu.memory_space<vmem>>, vector<16xi32>,
        %get3A_501 = arith.index_cast %rem3A_149 : i32 to index
        %get3A_502 = arith.index_cast %add3A_464 : i32 to index
        %get3A_503 = arith.constant 32 : index
        %get3A_504 = tpu.vector_load %arg8[%get3A_501, %get3A_502, %get3A_503] {strides = array<i32>} : memref<8x80x64xi32, #tpu.memory_space<vmem>>, vector<16xi32>,
        %bitcast3A_505 = vector.bitcast %get3A_500 : vector<16xi32> to vector<32xbf16>
        %bitcast3A_506 = vector.bitcast %get3A_504 : vector<16xi32> to vector<32xbf16>
        %mul3A_507 = arith.mulf %bitcast3A_505, %bitcast3A_506 : vector<32xbf16>
        %unpack3A_508 = tpu.unpack_subelements %mul3A_507, 0 {pack_format = #tpu.pack_format<interleaved>} : vector<32xbf16> -> vector<16xf32>
        %unpack3A_509 = tpu.unpack_subelements %mul3A_507, 1 {pack_format = #tpu.pack_format<interleaved>} : vector<32xbf16> -> vector<16xf32>
        %add3A_510 = arith.addf %add3A_496, %unpack3A_508 : vector<16xf32>
        %add3A_511 = arith.addf %add3A_510, %unpack3A_509 : vector<16xf32>
        %get3A_512 = arith.index_cast %rem3A_149 : i32 to index
        %get3A_513 = arith.index_cast %add3A_464 : i32 to index
        %get3A_514 = arith.constant 48 : index
        %get3A_515 = tpu.vector_load %arg7[%get3A_512, %get3A_513, %get3A_514] {strides = array<i32>} : memref<8x80x64xi32, #tpu.memory_space<vmem>>, vector<16xi32>,
        %get3A_516 = arith.index_cast %rem3A_149 : i32 to index
        %get3A_517 = arith.index_cast %add3A_464 : i32 to index
        %get3A_518 = arith.constant 48 : index
        %get3A_519 = tpu.vector_load %arg8[%get3A_516, %get3A_517, %get3A_518] {strides = array<i32>} : memref<8x80x64xi32, #tpu.memory_space<vmem>>, vector<16xi32>,
        %bitcast3A_520 = vector.bitcast %get3A_515 : vector<16xi32> to vector<32xbf16>
        %bitcast3A_521 = vector.bitcast %get3A_519 : vector<16xi32> to vector<32xbf16>
        %mul3A_522 = arith.mulf %bitcast3A_520, %bitcast3A_521 : vector<32xbf16>
        %unpack3A_523 = tpu.unpack_subelements %mul3A_522, 0 {pack_format = #tpu.pack_format<interleaved>} : vector<32xbf16> -> vector<16xf32>
        %unpack3A_524 = tpu.unpack_subelements %mul3A_522, 1 {pack_format = #tpu.pack_format<interleaved>} : vector<32xbf16> -> vector<16xf32>
        %add3A_525 = arith.addf %add3A_511, %unpack3A_523 : vector<16xf32>
        %add3A_526 = arith.addf %add3A_525, %unpack3A_524 : vector<16xf32>
        %xor3A_527 = arith.constant 8 : i32
        %xor3A_528 = vector.broadcast %xor3A_527 : i32 to vector<16xi32>
        %xor3A_529 = arith.xori %iota3A, %xor3A_528 : vector<16xi32>
        %broadcast_in_dim3A_530 = vector.shape_cast %xor3A_529 : vector<16xi32> to vector<16x1xi32>
        %gather3A_531 = vector.shape_cast %broadcast_in_dim3A_530 : vector<16x1xi32> to vector<16xi32>
        %gather3A_532 = tpu.dynamic_gather %add3A_526[%gather3A_531] in [0] : vector<16xf32>, vector<16xi32> -> vector<16xf32>
        %add3A_533 = arith.addf %add3A_526, %gather3A_532 : vector<16xf32>
        %xor3A_534 = arith.constant 4 : i32
        %xor3A_535 = vector.broadcast %xor3A_534 : i32 to vector<16xi32>
        %xor3A_536 = arith.xori %iota3A, %xor3A_535 : vector<16xi32>
        %broadcast_in_dim3A_537 = vector.shape_cast %xor3A_536 : vector<16xi32> to vector<16x1xi32>
        %gather3A_538 = vector.shape_cast %broadcast_in_dim3A_537 : vector<16x1xi32> to vector<16xi32>
        %gather3A_539 = tpu.dynamic_gather %add3A_533[%gather3A_538] in [0] : vector<16xf32>, vector<16xi32> -> vector<16xf32>
        %add3A_540 = arith.addf %add3A_533, %gather3A_539 : vector<16xf32>
        %xor3A_541 = arith.constant 2 : i32
        %xor3A_542 = vector.broadcast %xor3A_541 : i32 to vector<16xi32>
        %xor3A_543 = arith.xori %iota3A, %xor3A_542 : vector<16xi32>
        %broadcast_in_dim3A_544 = vector.shape_cast %xor3A_543 : vector<16xi32> to vector<16x1xi32>
        %gather3A_545 = vector.shape_cast %broadcast_in_dim3A_544 : vector<16x1xi32> to vector<16xi32>
        %gather3A_546 = tpu.dynamic_gather %add3A_540[%gather3A_545] in [0] : vector<16xf32>, vector<16xi32> -> vector<16xf32>
        %add3A_547 = arith.addf %add3A_540, %gather3A_546 : vector<16xf32>
        %xor3A_548 = arith.constant 1 : i32
        %xor3A_549 = vector.broadcast %xor3A_548 : i32 to vector<16xi32>
        %xor3A_550 = arith.xori %iota3A, %xor3A_549 : vector<16xi32>
        %broadcast_in_dim3A_551 = vector.shape_cast %xor3A_550 : vector<16xi32> to vector<16x1xi32>
        %gather3A_552 = vector.shape_cast %broadcast_in_dim3A_551 : vector<16x1xi32> to vector<16xi32>
        %gather3A_553 = tpu.dynamic_gather %add3A_547[%gather3A_552] in [0] : vector<16xf32>, vector<16xi32> -> vector<16xf32>
        %add3A_554 = arith.addf %add3A_547, %gather3A_553 : vector<16xf32>
        %eq3A_555 = arith.constant 3 : i32
        %eq3A_556 = vector.broadcast %eq3A_555 : i32 to vector<16xi32>
        %eq3A_557 = arith.cmpi eq, %iota3A, %eq3A_556 : vector<16xi32>
        %select_n3A_558 = arith.select %eq3A_557, %add3A_554, %select_n3A_462 : vector<16xi1>, vector<16xf32>
        %add3A_559 = arith.constant 4 : i32
        %add3A_560 = arith.addi %mul3A_181, %add3A_559 : i32
        %broadcast_in_dim3A_561 = arith.constant 0.000000e+00 : f32
        %broadcast_in_dim3A_562 = vector.broadcast %broadcast_in_dim3A_561 : f32 to vector<16xf32>
        %get3A_563 = arith.index_cast %rem3A_149 : i32 to index
        %get3A_564 = arith.index_cast %add3A_560 : i32 to index
        %get3A_565 = arith.constant 0 : index
        %get3A_566 = tpu.vector_load %arg7[%get3A_563, %get3A_564, %get3A_565] {strides = array<i32>} : memref<8x80x64xi32, #tpu.memory_space<vmem>>, vector<16xi32>,
        %get3A_567 = arith.index_cast %rem3A_149 : i32 to index
        %get3A_568 = arith.index_cast %add3A_560 : i32 to index
        %get3A_569 = arith.constant 0 : index
        %get3A_570 = tpu.vector_load %arg8[%get3A_567, %get3A_568, %get3A_569] {strides = array<i32>} : memref<8x80x64xi32, #tpu.memory_space<vmem>>, vector<16xi32>,
        %bitcast3A_571 = vector.bitcast %get3A_566 : vector<16xi32> to vector<32xbf16>
        %bitcast3A_572 = vector.bitcast %get3A_570 : vector<16xi32> to vector<32xbf16>
        %mul3A_573 = arith.mulf %bitcast3A_571, %bitcast3A_572 : vector<32xbf16>
        %unpack3A_574 = tpu.unpack_subelements %mul3A_573, 0 {pack_format = #tpu.pack_format<interleaved>} : vector<32xbf16> -> vector<16xf32>
        %unpack3A_575 = tpu.unpack_subelements %mul3A_573, 1 {pack_format = #tpu.pack_format<interleaved>} : vector<32xbf16> -> vector<16xf32>
        %add3A_576 = arith.addf %broadcast_in_dim3A_562, %unpack3A_574 : vector<16xf32>
        %add3A_577 = arith.addf %add3A_576, %unpack3A_575 : vector<16xf32>
        %get3A_578 = arith.index_cast %rem3A_149 : i32 to index
        %get3A_579 = arith.index_cast %add3A_560 : i32 to index
        %get3A_580 = arith.constant 16 : index
        %get3A_581 = tpu.vector_load %arg7[%get3A_578, %get3A_579, %get3A_580] {strides = array<i32>} : memref<8x80x64xi32, #tpu.memory_space<vmem>>, vector<16xi32>,
        %get3A_582 = arith.index_cast %rem3A_149 : i32 to index
        %get3A_583 = arith.index_cast %add3A_560 : i32 to index
        %get3A_584 = arith.constant 16 : index
        %get3A_585 = tpu.vector_load %arg8[%get3A_582, %get3A_583, %get3A_584] {strides = array<i32>} : memref<8x80x64xi32, #tpu.memory_space<vmem>>, vector<16xi32>,
        %bitcast3A_586 = vector.bitcast %get3A_581 : vector<16xi32> to vector<32xbf16>
        %bitcast3A_587 = vector.bitcast %get3A_585 : vector<16xi32> to vector<32xbf16>
        %mul3A_588 = arith.mulf %bitcast3A_586, %bitcast3A_587 : vector<32xbf16>
        %unpack3A_589 = tpu.unpack_subelements %mul3A_588, 0 {pack_format = #tpu.pack_format<interleaved>} : vector<32xbf16> -> vector<16xf32>
        %unpack3A_590 = tpu.unpack_subelements %mul3A_588, 1 {pack_format = #tpu.pack_format<interleaved>} : vector<32xbf16> -> vector<16xf32>
        %add3A_591 = arith.addf %add3A_577, %unpack3A_589 : vector<16xf32>
        %add3A_592 = arith.addf %add3A_591, %unpack3A_590 : vector<16xf32>
        %get3A_593 = arith.index_cast %rem3A_149 : i32 to index
        %get3A_594 = arith.index_cast %add3A_560 : i32 to index
        %get3A_595 = arith.constant 32 : index
        %get3A_596 = tpu.vector_load %arg7[%get3A_593, %get3A_594, %get3A_595] {strides = array<i32>} : memref<8x80x64xi32, #tpu.memory_space<vmem>>, vector<16xi32>,
        %get3A_597 = arith.index_cast %rem3A_149 : i32 to index
        %get3A_598 = arith.index_cast %add3A_560 : i32 to index
        %get3A_599 = arith.constant 32 : index
        %get3A_600 = tpu.vector_load %arg8[%get3A_597, %get3A_598, %get3A_599] {strides = array<i32>} : memref<8x80x64xi32, #tpu.memory_space<vmem>>, vector<16xi32>,
        %bitcast3A_601 = vector.bitcast %get3A_596 : vector<16xi32> to vector<32xbf16>
        %bitcast3A_602 = vector.bitcast %get3A_600 : vector<16xi32> to vector<32xbf16>
        %mul3A_603 = arith.mulf %bitcast3A_601, %bitcast3A_602 : vector<32xbf16>
        %unpack3A_604 = tpu.unpack_subelements %mul3A_603, 0 {pack_format = #tpu.pack_format<interleaved>} : vector<32xbf16> -> vector<16xf32>
        %unpack3A_605 = tpu.unpack_subelements %mul3A_603, 1 {pack_format = #tpu.pack_format<interleaved>} : vector<32xbf16> -> vector<16xf32>
        %add3A_606 = arith.addf %add3A_592, %unpack3A_604 : vector<16xf32>
        %add3A_607 = arith.addf %add3A_606, %unpack3A_605 : vector<16xf32>
        %get3A_608 = arith.index_cast %rem3A_149 : i32 to index
        %get3A_609 = arith.index_cast %add3A_560 : i32 to index
        %get3A_610 = arith.constant 48 : index
        %get3A_611 = tpu.vector_load %arg7[%get3A_608, %get3A_609, %get3A_610] {strides = array<i32>} : memref<8x80x64xi32, #tpu.memory_space<vmem>>, vector<16xi32>,
        %get3A_612 = arith.index_cast %rem3A_149 : i32 to index
        %get3A_613 = arith.index_cast %add3A_560 : i32 to index
        %get3A_614 = arith.constant 48 : index
        %get3A_615 = tpu.vector_load %arg8[%get3A_612, %get3A_613, %get3A_614] {strides = array<i32>} : memref<8x80x64xi32, #tpu.memory_space<vmem>>, vector<16xi32>,
        %bitcast3A_616 = vector.bitcast %get3A_611 : vector<16xi32> to vector<32xbf16>
        %bitcast3A_617 = vector.bitcast %get3A_615 : vector<16xi32> to vector<32xbf16>
        %mul3A_618 = arith.mulf %bitcast3A_616, %bitcast3A_617 : vector<32xbf16>
        %unpack3A_619 = tpu.unpack_subelements %mul3A_618, 0 {pack_format = #tpu.pack_format<interleaved>} : vector<32xbf16> -> vector<16xf32>
        %unpack3A_620 = tpu.unpack_subelements %mul3A_618, 1 {pack_format = #tpu.pack_format<interleaved>} : vector<32xbf16> -> vector<16xf32>
        %add3A_621 = arith.addf %add3A_607, %unpack3A_619 : vector<16xf32>
        %add3A_622 = arith.addf %add3A_621, %unpack3A_620 : vector<16xf32>
        %xor3A_623 = arith.constant 8 : i32
        %xor3A_624 = vector.broadcast %xor3A_623 : i32 to vector<16xi32>
        %xor3A_625 = arith.xori %iota3A, %xor3A_624 : vector<16xi32>
        %broadcast_in_dim3A_626 = vector.shape_cast %xor3A_625 : vector<16xi32> to vector<16x1xi32>
        %gather3A_627 = vector.shape_cast %broadcast_in_dim3A_626 : vector<16x1xi32> to vector<16xi32>
        %gather3A_628 = tpu.dynamic_gather %add3A_622[%gather3A_627] in [0] : vector<16xf32>, vector<16xi32> -> vector<16xf32>
        %add3A_629 = arith.addf %add3A_622, %gather3A_628 : vector<16xf32>
        %xor3A_630 = arith.constant 4 : i32
        %xor3A_631 = vector.broadcast %xor3A_630 : i32 to vector<16xi32>
        %xor3A_632 = arith.xori %iota3A, %xor3A_631 : vector<16xi32>
        %broadcast_in_dim3A_633 = vector.shape_cast %xor3A_632 : vector<16xi32> to vector<16x1xi32>
        %gather3A_634 = vector.shape_cast %broadcast_in_dim3A_633 : vector<16x1xi32> to vector<16xi32>
        %gather3A_635 = tpu.dynamic_gather %add3A_629[%gather3A_634] in [0] : vector<16xf32>, vector<16xi32> -> vector<16xf32>
        %add3A_636 = arith.addf %add3A_629, %gather3A_635 : vector<16xf32>
        %xor3A_637 = arith.constant 2 : i32
        %xor3A_638 = vector.broadcast %xor3A_637 : i32 to vector<16xi32>
        %xor3A_639 = arith.xori %iota3A, %xor3A_638 : vector<16xi32>
        %broadcast_in_dim3A_640 = vector.shape_cast %xor3A_639 : vector<16xi32> to vector<16x1xi32>
        %gather3A_641 = vector.shape_cast %broadcast_in_dim3A_640 : vector<16x1xi32> to vector<16xi32>
        %gather3A_642 = tpu.dynamic_gather %add3A_636[%gather3A_641] in [0] : vector<16xf32>, vector<16xi32> -> vector<16xf32>
        %add3A_643 = arith.addf %add3A_636, %gather3A_642 : vector<16xf32>
        %xor3A_644 = arith.constant 1 : i32
        %xor3A_645 = vector.broadcast %xor3A_644 : i32 to vector<16xi32>
        %xor3A_646 = arith.xori %iota3A, %xor3A_645 : vector<16xi32>
        %broadcast_in_dim3A_647 = vector.shape_cast %xor3A_646 : vector<16xi32> to vector<16x1xi32>
        %gather3A_648 = vector.shape_cast %broadcast_in_dim3A_647 : vector<16x1xi32> to vector<16xi32>
        %gather3A_649 = tpu.dynamic_gather %add3A_643[%gather3A_648] in [0] : vector<16xf32>, vector<16xi32> -> vector<16xf32>
        %add3A_650 = arith.addf %add3A_643, %gather3A_649 : vector<16xf32>
        %eq3A_651 = arith.constant 4 : i32
        %eq3A_652 = vector.broadcast %eq3A_651 : i32 to vector<16xi32>
        %eq3A_653 = arith.cmpi eq, %iota3A, %eq3A_652 : vector<16xi32>
        %select_n3A_654 = arith.select %eq3A_653, %add3A_650, %select_n3A_558 : vector<16xi1>, vector<16xf32>
        %add3A_655 = arith.constant 5 : i32
        %add3A_656 = arith.addi %mul3A_181, %add3A_655 : i32
        %broadcast_in_dim3A_657 = arith.constant 0.000000e+00 : f32
        %broadcast_in_dim3A_658 = vector.broadcast %broadcast_in_dim3A_657 : f32 to vector<16xf32>
        %get3A_659 = arith.index_cast %rem3A_149 : i32 to index
        %get3A_660 = arith.index_cast %add3A_656 : i32 to index
        %get3A_661 = arith.constant 0 : index
        %get3A_662 = tpu.vector_load %arg7[%get3A_659, %get3A_660, %get3A_661] {strides = array<i32>} : memref<8x80x64xi32, #tpu.memory_space<vmem>>, vector<16xi32>,
        %get3A_663 = arith.index_cast %rem3A_149 : i32 to index
        %get3A_664 = arith.index_cast %add3A_656 : i32 to index
        %get3A_665 = arith.constant 0 : index
        %get3A_666 = tpu.vector_load %arg8[%get3A_663, %get3A_664, %get3A_665] {strides = array<i32>} : memref<8x80x64xi32, #tpu.memory_space<vmem>>, vector<16xi32>,
        %bitcast3A_667 = vector.bitcast %get3A_662 : vector<16xi32> to vector<32xbf16>
        %bitcast3A_668 = vector.bitcast %get3A_666 : vector<16xi32> to vector<32xbf16>
        %mul3A_669 = arith.mulf %bitcast3A_667, %bitcast3A_668 : vector<32xbf16>
        %unpack3A_670 = tpu.unpack_subelements %mul3A_669, 0 {pack_format = #tpu.pack_format<interleaved>} : vector<32xbf16> -> vector<16xf32>
        %unpack3A_671 = tpu.unpack_subelements %mul3A_669, 1 {pack_format = #tpu.pack_format<interleaved>} : vector<32xbf16> -> vector<16xf32>
        %add3A_672 = arith.addf %broadcast_in_dim3A_658, %unpack3A_670 : vector<16xf32>
        %add3A_673 = arith.addf %add3A_672, %unpack3A_671 : vector<16xf32>
        %get3A_674 = arith.index_cast %rem3A_149 : i32 to index
        %get3A_675 = arith.index_cast %add3A_656 : i32 to index
        %get3A_676 = arith.constant 16 : index
        %get3A_677 = tpu.vector_load %arg7[%get3A_674, %get3A_675, %get3A_676] {strides = array<i32>} : memref<8x80x64xi32, #tpu.memory_space<vmem>>, vector<16xi32>,
        %get3A_678 = arith.index_cast %rem3A_149 : i32 to index
        %get3A_679 = arith.index_cast %add3A_656 : i32 to index
        %get3A_680 = arith.constant 16 : index
        %get3A_681 = tpu.vector_load %arg8[%get3A_678, %get3A_679, %get3A_680] {strides = array<i32>} : memref<8x80x64xi32, #tpu.memory_space<vmem>>, vector<16xi32>,
        %bitcast3A_682 = vector.bitcast %get3A_677 : vector<16xi32> to vector<32xbf16>
        %bitcast3A_683 = vector.bitcast %get3A_681 : vector<16xi32> to vector<32xbf16>
        %mul3A_684 = arith.mulf %bitcast3A_682, %bitcast3A_683 : vector<32xbf16>
        %unpack3A_685 = tpu.unpack_subelements %mul3A_684, 0 {pack_format = #tpu.pack_format<interleaved>} : vector<32xbf16> -> vector<16xf32>
        %unpack3A_686 = tpu.unpack_subelements %mul3A_684, 1 {pack_format = #tpu.pack_format<interleaved>} : vector<32xbf16> -> vector<16xf32>
        %add3A_687 = arith.addf %add3A_673, %unpack3A_685 : vector<16xf32>
        %add3A_688 = arith.addf %add3A_687, %unpack3A_686 : vector<16xf32>
        %get3A_689 = arith.index_cast %rem3A_149 : i32 to index
        %get3A_690 = arith.index_cast %add3A_656 : i32 to index
        %get3A_691 = arith.constant 32 : index
        %get3A_692 = tpu.vector_load %arg7[%get3A_689, %get3A_690, %get3A_691] {strides = array<i32>} : memref<8x80x64xi32, #tpu.memory_space<vmem>>, vector<16xi32>,
        %get3A_693 = arith.index_cast %rem3A_149 : i32 to index
        %get3A_694 = arith.index_cast %add3A_656 : i32 to index
        %get3A_695 = arith.constant 32 : index
        %get3A_696 = tpu.vector_load %arg8[%get3A_693, %get3A_694, %get3A_695] {strides = array<i32>} : memref<8x80x64xi32, #tpu.memory_space<vmem>>, vector<16xi32>,
        %bitcast3A_697 = vector.bitcast %get3A_692 : vector<16xi32> to vector<32xbf16>
        %bitcast3A_698 = vector.bitcast %get3A_696 : vector<16xi32> to vector<32xbf16>
        %mul3A_699 = arith.mulf %bitcast3A_697, %bitcast3A_698 : vector<32xbf16>
        %unpack3A_700 = tpu.unpack_subelements %mul3A_699, 0 {pack_format = #tpu.pack_format<interleaved>} : vector<32xbf16> -> vector<16xf32>
        %unpack3A_701 = tpu.unpack_subelements %mul3A_699, 1 {pack_format = #tpu.pack_format<interleaved>} : vector<32xbf16> -> vector<16xf32>
        %add3A_702 = arith.addf %add3A_688, %unpack3A_700 : vector<16xf32>
        %add3A_703 = arith.addf %add3A_702, %unpack3A_701 : vector<16xf32>
        %get3A_704 = arith.index_cast %rem3A_149 : i32 to index
        %get3A_705 = arith.index_cast %add3A_656 : i32 to index
        %get3A_706 = arith.constant 48 : index
        %get3A_707 = tpu.vector_load %arg7[%get3A_704, %get3A_705, %get3A_706] {strides = array<i32>} : memref<8x80x64xi32, #tpu.memory_space<vmem>>, vector<16xi32>,
        %get3A_708 = arith.index_cast %rem3A_149 : i32 to index
        %get3A_709 = arith.index_cast %add3A_656 : i32 to index
        %get3A_710 = arith.constant 48 : index
        %get3A_711 = tpu.vector_load %arg8[%get3A_708, %get3A_709, %get3A_710] {strides = array<i32>} : memref<8x80x64xi32, #tpu.memory_space<vmem>>, vector<16xi32>,
        %bitcast3A_712 = vector.bitcast %get3A_707 : vector<16xi32> to vector<32xbf16>
        %bitcast3A_713 = vector.bitcast %get3A_711 : vector<16xi32> to vector<32xbf16>
        %mul3A_714 = arith.mulf %bitcast3A_712, %bitcast3A_713 : vector<32xbf16>
        %unpack3A_715 = tpu.unpack_subelements %mul3A_714, 0 {pack_format = #tpu.pack_format<interleaved>} : vector<32xbf16> -> vector<16xf32>
        %unpack3A_716 = tpu.unpack_subelements %mul3A_714, 1 {pack_format = #tpu.pack_format<interleaved>} : vector<32xbf16> -> vector<16xf32>
        %add3A_717 = arith.addf %add3A_703, %unpack3A_715 : vector<16xf32>
        %add3A_718 = arith.addf %add3A_717, %unpack3A_716 : vector<16xf32>
        %xor3A_719 = arith.constant 8 : i32
        %xor3A_720 = vector.broadcast %xor3A_719 : i32 to vector<16xi32>
        %xor3A_721 = arith.xori %iota3A, %xor3A_720 : vector<16xi32>
        %broadcast_in_dim3A_722 = vector.shape_cast %xor3A_721 : vector<16xi32> to vector<16x1xi32>
        %gather3A_723 = vector.shape_cast %broadcast_in_dim3A_722 : vector<16x1xi32> to vector<16xi32>
        %gather3A_724 = tpu.dynamic_gather %add3A_718[%gather3A_723] in [0] : vector<16xf32>, vector<16xi32> -> vector<16xf32>
        %add3A_725 = arith.addf %add3A_718, %gather3A_724 : vector<16xf32>
        %xor3A_726 = arith.constant 4 : i32
        %xor3A_727 = vector.broadcast %xor3A_726 : i32 to vector<16xi32>
        %xor3A_728 = arith.xori %iota3A, %xor3A_727 : vector<16xi32>
        %broadcast_in_dim3A_729 = vector.shape_cast %xor3A_728 : vector<16xi32> to vector<16x1xi32>
        %gather3A_730 = vector.shape_cast %broadcast_in_dim3A_729 : vector<16x1xi32> to vector<16xi32>
        %gather3A_731 = tpu.dynamic_gather %add3A_725[%gather3A_730] in [0] : vector<16xf32>, vector<16xi32> -> vector<16xf32>
        %add3A_732 = arith.addf %add3A_725, %gather3A_731 : vector<16xf32>
        %xor3A_733 = arith.constant 2 : i32
        %xor3A_734 = vector.broadcast %xor3A_733 : i32 to vector<16xi32>
        %xor3A_735 = arith.xori %iota3A, %xor3A_734 : vector<16xi32>
        %broadcast_in_dim3A_736 = vector.shape_cast %xor3A_735 : vector<16xi32> to vector<16x1xi32>
        %gather3A_737 = vector.shape_cast %broadcast_in_dim3A_736 : vector<16x1xi32> to vector<16xi32>
        %gather3A_738 = tpu.dynamic_gather %add3A_732[%gather3A_737] in [0] : vector<16xf32>, vector<16xi32> -> vector<16xf32>
        %add3A_739 = arith.addf %add3A_732, %gather3A_738 : vector<16xf32>
        %xor3A_740 = arith.constant 1 : i32
        %xor3A_741 = vector.broadcast %xor3A_740 : i32 to vector<16xi32>
        %xor3A_742 = arith.xori %iota3A, %xor3A_741 : vector<16xi32>
        %broadcast_in_dim3A_743 = vector.shape_cast %xor3A_742 : vector<16xi32> to vector<16x1xi32>
        %gather3A_744 = vector.shape_cast %broadcast_in_dim3A_743 : vector<16x1xi32> to vector<16xi32>
        %gather3A_745 = tpu.dynamic_gather %add3A_739[%gather3A_744] in [0] : vector<16xf32>, vector<16xi32> -> vector<16xf32>
        %add3A_746 = arith.addf %add3A_739, %gather3A_745 : vector<16xf32>
        %eq3A_747 = arith.constant 5 : i32
        %eq3A_748 = vector.broadcast %eq3A_747 : i32 to vector<16xi32>
        %eq3A_749 = arith.cmpi eq, %iota3A, %eq3A_748 : vector<16xi32>
        %select_n3A_750 = arith.select %eq3A_749, %add3A_746, %select_n3A_654 : vector<16xi1>, vector<16xf32>
        %add3A_751 = arith.constant 6 : i32
        %add3A_752 = arith.addi %mul3A_181, %add3A_751 : i32
        %broadcast_in_dim3A_753 = arith.constant 0.000000e+00 : f32
        %broadcast_in_dim3A_754 = vector.broadcast %broadcast_in_dim3A_753 : f32 to vector<16xf32>
        %get3A_755 = arith.index_cast %rem3A_149 : i32 to index
        %get3A_756 = arith.index_cast %add3A_752 : i32 to index
        %get3A_757 = arith.constant 0 : index
        %get3A_758 = tpu.vector_load %arg7[%get3A_755, %get3A_756, %get3A_757] {strides = array<i32>} : memref<8x80x64xi32, #tpu.memory_space<vmem>>, vector<16xi32>,
        %get3A_759 = arith.index_cast %rem3A_149 : i32 to index
        %get3A_760 = arith.index_cast %add3A_752 : i32 to index
        %get3A_761 = arith.constant 0 : index
        %get3A_762 = tpu.vector_load %arg8[%get3A_759, %get3A_760, %get3A_761] {strides = array<i32>} : memref<8x80x64xi32, #tpu.memory_space<vmem>>, vector<16xi32>,
        %bitcast3A_763 = vector.bitcast %get3A_758 : vector<16xi32> to vector<32xbf16>
        %bitcast3A_764 = vector.bitcast %get3A_762 : vector<16xi32> to vector<32xbf16>
        %mul3A_765 = arith.mulf %bitcast3A_763, %bitcast3A_764 : vector<32xbf16>
        %unpack3A_766 = tpu.unpack_subelements %mul3A_765, 0 {pack_format = #tpu.pack_format<interleaved>} : vector<32xbf16> -> vector<16xf32>
        %unpack3A_767 = tpu.unpack_subelements %mul3A_765, 1 {pack_format = #tpu.pack_format<interleaved>} : vector<32xbf16> -> vector<16xf32>
        %add3A_768 = arith.addf %broadcast_in_dim3A_754, %unpack3A_766 : vector<16xf32>
        %add3A_769 = arith.addf %add3A_768, %unpack3A_767 : vector<16xf32>
        %get3A_770 = arith.index_cast %rem3A_149 : i32 to index
        %get3A_771 = arith.index_cast %add3A_752 : i32 to index
        %get3A_772 = arith.constant 16 : index
        %get3A_773 = tpu.vector_load %arg7[%get3A_770, %get3A_771, %get3A_772] {strides = array<i32>} : memref<8x80x64xi32, #tpu.memory_space<vmem>>, vector<16xi32>,
        %get3A_774 = arith.index_cast %rem3A_149 : i32 to index
        %get3A_775 = arith.index_cast %add3A_752 : i32 to index
        %get3A_776 = arith.constant 16 : index
        %get3A_777 = tpu.vector_load %arg8[%get3A_774, %get3A_775, %get3A_776] {strides = array<i32>} : memref<8x80x64xi32, #tpu.memory_space<vmem>>, vector<16xi32>,
        %bitcast3A_778 = vector.bitcast %get3A_773 : vector<16xi32> to vector<32xbf16>
        %bitcast3A_779 = vector.bitcast %get3A_777 : vector<16xi32> to vector<32xbf16>
        %mul3A_780 = arith.mulf %bitcast3A_778, %bitcast3A_779 : vector<32xbf16>
        %unpack3A_781 = tpu.unpack_subelements %mul3A_780, 0 {pack_format = #tpu.pack_format<interleaved>} : vector<32xbf16> -> vector<16xf32>
        %unpack3A_782 = tpu.unpack_subelements %mul3A_780, 1 {pack_format = #tpu.pack_format<interleaved>} : vector<32xbf16> -> vector<16xf32>
        %add3A_783 = arith.addf %add3A_769, %unpack3A_781 : vector<16xf32>
        %add3A_784 = arith.addf %add3A_783, %unpack3A_782 : vector<16xf32>
        %get3A_785 = arith.index_cast %rem3A_149 : i32 to index
        %get3A_786 = arith.index_cast %add3A_752 : i32 to index
        %get3A_787 = arith.constant 32 : index
        %get3A_788 = tpu.vector_load %arg7[%get3A_785, %get3A_786, %get3A_787] {strides = array<i32>} : memref<8x80x64xi32, #tpu.memory_space<vmem>>, vector<16xi32>,
        %get3A_789 = arith.index_cast %rem3A_149 : i32 to index
        %get3A_790 = arith.index_cast %add3A_752 : i32 to index
        %get3A_791 = arith.constant 32 : index
        %get3A_792 = tpu.vector_load %arg8[%get3A_789, %get3A_790, %get3A_791] {strides = array<i32>} : memref<8x80x64xi32, #tpu.memory_space<vmem>>, vector<16xi32>,
        %bitcast3A_793 = vector.bitcast %get3A_788 : vector<16xi32> to vector<32xbf16>
        %bitcast3A_794 = vector.bitcast %get3A_792 : vector<16xi32> to vector<32xbf16>
        %mul3A_795 = arith.mulf %bitcast3A_793, %bitcast3A_794 : vector<32xbf16>
        %unpack3A_796 = tpu.unpack_subelements %mul3A_795, 0 {pack_format = #tpu.pack_format<interleaved>} : vector<32xbf16> -> vector<16xf32>
        %unpack3A_797 = tpu.unpack_subelements %mul3A_795, 1 {pack_format = #tpu.pack_format<interleaved>} : vector<32xbf16> -> vector<16xf32>
        %add3A_798 = arith.addf %add3A_784, %unpack3A_796 : vector<16xf32>
        %add3A_799 = arith.addf %add3A_798, %unpack3A_797 : vector<16xf32>
        %get3A_800 = arith.index_cast %rem3A_149 : i32 to index
        %get3A_801 = arith.index_cast %add3A_752 : i32 to index
        %get3A_802 = arith.constant 48 : index
        %get3A_803 = tpu.vector_load %arg7[%get3A_800, %get3A_801, %get3A_802] {strides = array<i32>} : memref<8x80x64xi32, #tpu.memory_space<vmem>>, vector<16xi32>,
        %get3A_804 = arith.index_cast %rem3A_149 : i32 to index
        %get3A_805 = arith.index_cast %add3A_752 : i32 to index
        %get3A_806 = arith.constant 48 : index
        %get3A_807 = tpu.vector_load %arg8[%get3A_804, %get3A_805, %get3A_806] {strides = array<i32>} : memref<8x80x64xi32, #tpu.memory_space<vmem>>, vector<16xi32>,
        %bitcast3A_808 = vector.bitcast %get3A_803 : vector<16xi32> to vector<32xbf16>
        %bitcast3A_809 = vector.bitcast %get3A_807 : vector<16xi32> to vector<32xbf16>
        %mul3A_810 = arith.mulf %bitcast3A_808, %bitcast3A_809 : vector<32xbf16>
        %unpack3A_811 = tpu.unpack_subelements %mul3A_810, 0 {pack_format = #tpu.pack_format<interleaved>} : vector<32xbf16> -> vector<16xf32>
        %unpack3A_812 = tpu.unpack_subelements %mul3A_810, 1 {pack_format = #tpu.pack_format<interleaved>} : vector<32xbf16> -> vector<16xf32>
        %add3A_813 = arith.addf %add3A_799, %unpack3A_811 : vector<16xf32>
        %add3A_814 = arith.addf %add3A_813, %unpack3A_812 : vector<16xf32>
        %xor3A_815 = arith.constant 8 : i32
        %xor3A_816 = vector.broadcast %xor3A_815 : i32 to vector<16xi32>
        %xor3A_817 = arith.xori %iota3A, %xor3A_816 : vector<16xi32>
        %broadcast_in_dim3A_818 = vector.shape_cast %xor3A_817 : vector<16xi32> to vector<16x1xi32>
        %gather3A_819 = vector.shape_cast %broadcast_in_dim3A_818 : vector<16x1xi32> to vector<16xi32>
        %gather3A_820 = tpu.dynamic_gather %add3A_814[%gather3A_819] in [0] : vector<16xf32>, vector<16xi32> -> vector<16xf32>
        %add3A_821 = arith.addf %add3A_814, %gather3A_820 : vector<16xf32>
        %xor3A_822 = arith.constant 4 : i32
        %xor3A_823 = vector.broadcast %xor3A_822 : i32 to vector<16xi32>
        %xor3A_824 = arith.xori %iota3A, %xor3A_823 : vector<16xi32>
        %broadcast_in_dim3A_825 = vector.shape_cast %xor3A_824 : vector<16xi32> to vector<16x1xi32>
        %gather3A_826 = vector.shape_cast %broadcast_in_dim3A_825 : vector<16x1xi32> to vector<16xi32>
        %gather3A_827 = tpu.dynamic_gather %add3A_821[%gather3A_826] in [0] : vector<16xf32>, vector<16xi32> -> vector<16xf32>
        %add3A_828 = arith.addf %add3A_821, %gather3A_827 : vector<16xf32>
        %xor3A_829 = arith.constant 2 : i32
        %xor3A_830 = vector.broadcast %xor3A_829 : i32 to vector<16xi32>
        %xor3A_831 = arith.xori %iota3A, %xor3A_830 : vector<16xi32>
        %broadcast_in_dim3A_832 = vector.shape_cast %xor3A_831 : vector<16xi32> to vector<16x1xi32>
        %gather3A_833 = vector.shape_cast %broadcast_in_dim3A_832 : vector<16x1xi32> to vector<16xi32>
        %gather3A_834 = tpu.dynamic_gather %add3A_828[%gather3A_833] in [0] : vector<16xf32>, vector<16xi32> -> vector<16xf32>
        %add3A_835 = arith.addf %add3A_828, %gather3A_834 : vector<16xf32>
        %xor3A_836 = arith.constant 1 : i32
        %xor3A_837 = vector.broadcast %xor3A_836 : i32 to vector<16xi32>
        %xor3A_838 = arith.xori %iota3A, %xor3A_837 : vector<16xi32>
        %broadcast_in_dim3A_839 = vector.shape_cast %xor3A_838 : vector<16xi32> to vector<16x1xi32>
        %gather3A_840 = vector.shape_cast %broadcast_in_dim3A_839 : vector<16x1xi32> to vector<16xi32>
        %gather3A_841 = tpu.dynamic_gather %add3A_835[%gather3A_840] in [0] : vector<16xf32>, vector<16xi32> -> vector<16xf32>
        %add3A_842 = arith.addf %add3A_835, %gather3A_841 : vector<16xf32>
        %eq3A_843 = arith.constant 6 : i32
        %eq3A_844 = vector.broadcast %eq3A_843 : i32 to vector<16xi32>
        %eq3A_845 = arith.cmpi eq, %iota3A, %eq3A_844 : vector<16xi32>
        %select_n3A_846 = arith.select %eq3A_845, %add3A_842, %select_n3A_750 : vector<16xi1>, vector<16xf32>
        %add3A_847 = arith.constant 7 : i32
        %add3A_848 = arith.addi %mul3A_181, %add3A_847 : i32
        %broadcast_in_dim3A_849 = arith.constant 0.000000e+00 : f32
        %broadcast_in_dim3A_850 = vector.broadcast %broadcast_in_dim3A_849 : f32 to vector<16xf32>
        %get3A_851 = arith.index_cast %rem3A_149 : i32 to index
        %get3A_852 = arith.index_cast %add3A_848 : i32 to index
        %get3A_853 = arith.constant 0 : index
        %get3A_854 = tpu.vector_load %arg7[%get3A_851, %get3A_852, %get3A_853] {strides = array<i32>} : memref<8x80x64xi32, #tpu.memory_space<vmem>>, vector<16xi32>,
        %get3A_855 = arith.index_cast %rem3A_149 : i32 to index
        %get3A_856 = arith.index_cast %add3A_848 : i32 to index
        %get3A_857 = arith.constant 0 : index
        %get3A_858 = tpu.vector_load %arg8[%get3A_855, %get3A_856, %get3A_857] {strides = array<i32>} : memref<8x80x64xi32, #tpu.memory_space<vmem>>, vector<16xi32>,
        %bitcast3A_859 = vector.bitcast %get3A_854 : vector<16xi32> to vector<32xbf16>
        %bitcast3A_860 = vector.bitcast %get3A_858 : vector<16xi32> to vector<32xbf16>
        %mul3A_861 = arith.mulf %bitcast3A_859, %bitcast3A_860 : vector<32xbf16>
        %unpack3A_862 = tpu.unpack_subelements %mul3A_861, 0 {pack_format = #tpu.pack_format<interleaved>} : vector<32xbf16> -> vector<16xf32>
        %unpack3A_863 = tpu.unpack_subelements %mul3A_861, 1 {pack_format = #tpu.pack_format<interleaved>} : vector<32xbf16> -> vector<16xf32>
        %add3A_864 = arith.addf %broadcast_in_dim3A_850, %unpack3A_862 : vector<16xf32>
        %add3A_865 = arith.addf %add3A_864, %unpack3A_863 : vector<16xf32>
        %get3A_866 = arith.index_cast %rem3A_149 : i32 to index
        %get3A_867 = arith.index_cast %add3A_848 : i32 to index
        %get3A_868 = arith.constant 16 : index
        %get3A_869 = tpu.vector_load %arg7[%get3A_866, %get3A_867, %get3A_868] {strides = array<i32>} : memref<8x80x64xi32, #tpu.memory_space<vmem>>, vector<16xi32>,
        %get3A_870 = arith.index_cast %rem3A_149 : i32 to index
        %get3A_871 = arith.index_cast %add3A_848 : i32 to index
        %get3A_872 = arith.constant 16 : index
        %get3A_873 = tpu.vector_load %arg8[%get3A_870, %get3A_871, %get3A_872] {strides = array<i32>} : memref<8x80x64xi32, #tpu.memory_space<vmem>>, vector<16xi32>,
        %bitcast3A_874 = vector.bitcast %get3A_869 : vector<16xi32> to vector<32xbf16>
        %bitcast3A_875 = vector.bitcast %get3A_873 : vector<16xi32> to vector<32xbf16>
        %mul3A_876 = arith.mulf %bitcast3A_874, %bitcast3A_875 : vector<32xbf16>
        %unpack3A_877 = tpu.unpack_subelements %mul3A_876, 0 {pack_format = #tpu.pack_format<interleaved>} : vector<32xbf16> -> vector<16xf32>
        %unpack3A_878 = tpu.unpack_subelements %mul3A_876, 1 {pack_format = #tpu.pack_format<interleaved>} : vector<32xbf16> -> vector<16xf32>
        %add3A_879 = arith.addf %add3A_865, %unpack3A_877 : vector<16xf32>
        %add3A_880 = arith.addf %add3A_879, %unpack3A_878 : vector<16xf32>
        %get3A_881 = arith.index_cast %rem3A_149 : i32 to index
        %get3A_882 = arith.index_cast %add3A_848 : i32 to index
        %get3A_883 = arith.constant 32 : index
        %get3A_884 = tpu.vector_load %arg7[%get3A_881, %get3A_882, %get3A_883] {strides = array<i32>} : memref<8x80x64xi32, #tpu.memory_space<vmem>>, vector<16xi32>,
        %get3A_885 = arith.index_cast %rem3A_149 : i32 to index
        %get3A_886 = arith.index_cast %add3A_848 : i32 to index
        %get3A_887 = arith.constant 32 : index
        %get3A_888 = tpu.vector_load %arg8[%get3A_885, %get3A_886, %get3A_887] {strides = array<i32>} : memref<8x80x64xi32, #tpu.memory_space<vmem>>, vector<16xi32>,
        %bitcast3A_889 = vector.bitcast %get3A_884 : vector<16xi32> to vector<32xbf16>
        %bitcast3A_890 = vector.bitcast %get3A_888 : vector<16xi32> to vector<32xbf16>
        %mul3A_891 = arith.mulf %bitcast3A_889, %bitcast3A_890 : vector<32xbf16>
        %unpack3A_892 = tpu.unpack_subelements %mul3A_891, 0 {pack_format = #tpu.pack_format<interleaved>} : vector<32xbf16> -> vector<16xf32>
        %unpack3A_893 = tpu.unpack_subelements %mul3A_891, 1 {pack_format = #tpu.pack_format<interleaved>} : vector<32xbf16> -> vector<16xf32>
        %add3A_894 = arith.addf %add3A_880, %unpack3A_892 : vector<16xf32>
        %add3A_895 = arith.addf %add3A_894, %unpack3A_893 : vector<16xf32>
        %get3A_896 = arith.index_cast %rem3A_149 : i32 to index
        %get3A_897 = arith.index_cast %add3A_848 : i32 to index
        %get3A_898 = arith.constant 48 : index
        %get3A_899 = tpu.vector_load %arg7[%get3A_896, %get3A_897, %get3A_898] {strides = array<i32>} : memref<8x80x64xi32, #tpu.memory_space<vmem>>, vector<16xi32>,
        %get3A_900 = arith.index_cast %rem3A_149 : i32 to index
        %get3A_901 = arith.index_cast %add3A_848 : i32 to index
        %get3A_902 = arith.constant 48 : index
        %get3A_903 = tpu.vector_load %arg8[%get3A_900, %get3A_901, %get3A_902] {strides = array<i32>} : memref<8x80x64xi32, #tpu.memory_space<vmem>>, vector<16xi32>,
        %bitcast3A_904 = vector.bitcast %get3A_899 : vector<16xi32> to vector<32xbf16>
        %bitcast3A_905 = vector.bitcast %get3A_903 : vector<16xi32> to vector<32xbf16>
        %mul3A_906 = arith.mulf %bitcast3A_904, %bitcast3A_905 : vector<32xbf16>
        %unpack3A_907 = tpu.unpack_subelements %mul3A_906, 0 {pack_format = #tpu.pack_format<interleaved>} : vector<32xbf16> -> vector<16xf32>
        %unpack3A_908 = tpu.unpack_subelements %mul3A_906, 1 {pack_format = #tpu.pack_format<interleaved>} : vector<32xbf16> -> vector<16xf32>
        %add3A_909 = arith.addf %add3A_895, %unpack3A_907 : vector<16xf32>
        %add3A_910 = arith.addf %add3A_909, %unpack3A_908 : vector<16xf32>
        %xor3A_911 = arith.constant 8 : i32
        %xor3A_912 = vector.broadcast %xor3A_911 : i32 to vector<16xi32>
        %xor3A_913 = arith.xori %iota3A, %xor3A_912 : vector<16xi32>
        %broadcast_in_dim3A_914 = vector.shape_cast %xor3A_913 : vector<16xi32> to vector<16x1xi32>
        %gather3A_915 = vector.shape_cast %broadcast_in_dim3A_914 : vector<16x1xi32> to vector<16xi32>
        %gather3A_916 = tpu.dynamic_gather %add3A_910[%gather3A_915] in [0] : vector<16xf32>, vector<16xi32> -> vector<16xf32>
        %add3A_917 = arith.addf %add3A_910, %gather3A_916 : vector<16xf32>
        %xor3A_918 = arith.constant 4 : i32
        %xor3A_919 = vector.broadcast %xor3A_918 : i32 to vector<16xi32>
        %xor3A_920 = arith.xori %iota3A, %xor3A_919 : vector<16xi32>
        %broadcast_in_dim3A_921 = vector.shape_cast %xor3A_920 : vector<16xi32> to vector<16x1xi32>
        %gather3A_922 = vector.shape_cast %broadcast_in_dim3A_921 : vector<16x1xi32> to vector<16xi32>
        %gather3A_923 = tpu.dynamic_gather %add3A_917[%gather3A_922] in [0] : vector<16xf32>, vector<16xi32> -> vector<16xf32>
        %add3A_924 = arith.addf %add3A_917, %gather3A_923 : vector<16xf32>
        %xor3A_925 = arith.constant 2 : i32
        %xor3A_926 = vector.broadcast %xor3A_925 : i32 to vector<16xi32>
        %xor3A_927 = arith.xori %iota3A, %xor3A_926 : vector<16xi32>
        %broadcast_in_dim3A_928 = vector.shape_cast %xor3A_927 : vector<16xi32> to vector<16x1xi32>
        %gather3A_929 = vector.shape_cast %broadcast_in_dim3A_928 : vector<16x1xi32> to vector<16xi32>
        %gather3A_930 = tpu.dynamic_gather %add3A_924[%gather3A_929] in [0] : vector<16xf32>, vector<16xi32> -> vector<16xf32>
        %add3A_931 = arith.addf %add3A_924, %gather3A_930 : vector<16xf32>
        %xor3A_932 = arith.constant 1 : i32
        %xor3A_933 = vector.broadcast %xor3A_932 : i32 to vector<16xi32>
        %xor3A_934 = arith.xori %iota3A, %xor3A_933 : vector<16xi32>
        %broadcast_in_dim3A_935 = vector.shape_cast %xor3A_934 : vector<16xi32> to vector<16x1xi32>
        %gather3A_936 = vector.shape_cast %broadcast_in_dim3A_935 : vector<16x1xi32> to vector<16xi32>
        %gather3A_937 = tpu.dynamic_gather %add3A_931[%gather3A_936] in [0] : vector<16xf32>, vector<16xi32> -> vector<16xf32>
        %add3A_938 = arith.addf %add3A_931, %gather3A_937 : vector<16xf32>
        %eq3A_939 = arith.constant 7 : i32
        %eq3A_940 = vector.broadcast %eq3A_939 : i32 to vector<16xi32>
        %eq3A_941 = arith.cmpi eq, %iota3A, %eq3A_940 : vector<16xi32>
        %select_n3A_942 = arith.select %eq3A_941, %add3A_938, %select_n3A_846 : vector<16xi1>, vector<16xf32>
        %add3A_943 = arith.constant 8 : i32
        %add3A_944 = arith.addi %mul3A_181, %add3A_943 : i32
        %broadcast_in_dim3A_945 = arith.constant 0.000000e+00 : f32
        %broadcast_in_dim3A_946 = vector.broadcast %broadcast_in_dim3A_945 : f32 to vector<16xf32>
        %get3A_947 = arith.index_cast %rem3A_149 : i32 to index
        %get3A_948 = arith.index_cast %add3A_944 : i32 to index
        %get3A_949 = arith.constant 0 : index
        %get3A_950 = tpu.vector_load %arg7[%get3A_947, %get3A_948, %get3A_949] {strides = array<i32>} : memref<8x80x64xi32, #tpu.memory_space<vmem>>, vector<16xi32>,
        %get3A_951 = arith.index_cast %rem3A_149 : i32 to index
        %get3A_952 = arith.index_cast %add3A_944 : i32 to index
        %get3A_953 = arith.constant 0 : index
        %get3A_954 = tpu.vector_load %arg8[%get3A_951, %get3A_952, %get3A_953] {strides = array<i32>} : memref<8x80x64xi32, #tpu.memory_space<vmem>>, vector<16xi32>,
        %bitcast3A_955 = vector.bitcast %get3A_950 : vector<16xi32> to vector<32xbf16>
        %bitcast3A_956 = vector.bitcast %get3A_954 : vector<16xi32> to vector<32xbf16>
        %mul3A_957 = arith.mulf %bitcast3A_955, %bitcast3A_956 : vector<32xbf16>
        %unpack3A_958 = tpu.unpack_subelements %mul3A_957, 0 {pack_format = #tpu.pack_format<interleaved>} : vector<32xbf16> -> vector<16xf32>
        %unpack3A_959 = tpu.unpack_subelements %mul3A_957, 1 {pack_format = #tpu.pack_format<interleaved>} : vector<32xbf16> -> vector<16xf32>
        %add3A_960 = arith.addf %broadcast_in_dim3A_946, %unpack3A_958 : vector<16xf32>
        %add3A_961 = arith.addf %add3A_960, %unpack3A_959 : vector<16xf32>
        %get3A_962 = arith.index_cast %rem3A_149 : i32 to index
        %get3A_963 = arith.index_cast %add3A_944 : i32 to index
        %get3A_964 = arith.constant 16 : index
        %get3A_965 = tpu.vector_load %arg7[%get3A_962, %get3A_963, %get3A_964] {strides = array<i32>} : memref<8x80x64xi32, #tpu.memory_space<vmem>>, vector<16xi32>,
        %get3A_966 = arith.index_cast %rem3A_149 : i32 to index
        %get3A_967 = arith.index_cast %add3A_944 : i32 to index
        %get3A_968 = arith.constant 16 : index
        %get3A_969 = tpu.vector_load %arg8[%get3A_966, %get3A_967, %get3A_968] {strides = array<i32>} : memref<8x80x64xi32, #tpu.memory_space<vmem>>, vector<16xi32>,
        %bitcast3A_970 = vector.bitcast %get3A_965 : vector<16xi32> to vector<32xbf16>
        %bitcast3A_971 = vector.bitcast %get3A_969 : vector<16xi32> to vector<32xbf16>
        %mul3A_972 = arith.mulf %bitcast3A_970, %bitcast3A_971 : vector<32xbf16>
        %unpack3A_973 = tpu.unpack_subelements %mul3A_972, 0 {pack_format = #tpu.pack_format<interleaved>} : vector<32xbf16> -> vector<16xf32>
        %unpack3A_974 = tpu.unpack_subelements %mul3A_972, 1 {pack_format = #tpu.pack_format<interleaved>} : vector<32xbf16> -> vector<16xf32>
        %add3A_975 = arith.addf %add3A_961, %unpack3A_973 : vector<16xf32>
        %add3A_976 = arith.addf %add3A_975, %unpack3A_974 : vector<16xf32>
        %get3A_977 = arith.index_cast %rem3A_149 : i32 to index
        %get3A_978 = arith.index_cast %add3A_944 : i32 to index
        %get3A_979 = arith.constant 32 : index
        %get3A_980 = tpu.vector_load %arg7[%get3A_977, %get3A_978, %get3A_979] {strides = array<i32>} : memref<8x80x64xi32, #tpu.memory_space<vmem>>, vector<16xi32>,
        %get3A_981 = arith.index_cast %rem3A_149 : i32 to index
        %get3A_982 = arith.index_cast %add3A_944 : i32 to index
        %get3A_983 = arith.constant 32 : index
        %get3A_984 = tpu.vector_load %arg8[%get3A_981, %get3A_982, %get3A_983] {strides = array<i32>} : memref<8x80x64xi32, #tpu.memory_space<vmem>>, vector<16xi32>,
        %bitcast3A_985 = vector.bitcast %get3A_980 : vector<16xi32> to vector<32xbf16>
        %bitcast3A_986 = vector.bitcast %get3A_984 : vector<16xi32> to vector<32xbf16>
        %mul3A_987 = arith.mulf %bitcast3A_985, %bitcast3A_986 : vector<32xbf16>
        %unpack3A_988 = tpu.unpack_subelements %mul3A_987, 0 {pack_format = #tpu.pack_format<interleaved>} : vector<32xbf16> -> vector<16xf32>
        %unpack3A_989 = tpu.unpack_subelements %mul3A_987, 1 {pack_format = #tpu.pack_format<interleaved>} : vector<32xbf16> -> vector<16xf32>
        %add3A_990 = arith.addf %add3A_976, %unpack3A_988 : vector<16xf32>
        %add3A_991 = arith.addf %add3A_990, %unpack3A_989 : vector<16xf32>
        %get3A_992 = arith.index_cast %rem3A_149 : i32 to index
        %get3A_993 = arith.index_cast %add3A_944 : i32 to index
        %get3A_994 = arith.constant 48 : index
        %get3A_995 = tpu.vector_load %arg7[%get3A_992, %get3A_993, %get3A_994] {strides = array<i32>} : memref<8x80x64xi32, #tpu.memory_space<vmem>>, vector<16xi32>,
        %get3A_996 = arith.index_cast %rem3A_149 : i32 to index
        %get3A_997 = arith.index_cast %add3A_944 : i32 to index
        %get3A_998 = arith.constant 48 : index
        %get3A_999 = tpu.vector_load %arg8[%get3A_996, %get3A_997, %get3A_998] {strides = array<i32>} : memref<8x80x64xi32, #tpu.memory_space<vmem>>, vector<16xi32>,
        %bitcast3A_1000 = vector.bitcast %get3A_995 : vector<16xi32> to vector<32xbf16>
        %bitcast3A_1001 = vector.bitcast %get3A_999 : vector<16xi32> to vector<32xbf16>
        %mul3A_1002 = arith.mulf %bitcast3A_1000, %bitcast3A_1001 : vector<32xbf16>
        %unpack3A_1003 = tpu.unpack_subelements %mul3A_1002, 0 {pack_format = #tpu.pack_format<interleaved>} : vector<32xbf16> -> vector<16xf32>
        %unpack3A_1004 = tpu.unpack_subelements %mul3A_1002, 1 {pack_format = #tpu.pack_format<interleaved>} : vector<32xbf16> -> vector<16xf32>
        %add3A_1005 = arith.addf %add3A_991, %unpack3A_1003 : vector<16xf32>
        %add3A_1006 = arith.addf %add3A_1005, %unpack3A_1004 : vector<16xf32>
        %xor3A_1007 = arith.constant 8 : i32
        %xor3A_1008 = vector.broadcast %xor3A_1007 : i32 to vector<16xi32>
        %xor3A_1009 = arith.xori %iota3A, %xor3A_1008 : vector<16xi32>
        %broadcast_in_dim3A_1010 = vector.shape_cast %xor3A_1009 : vector<16xi32> to vector<16x1xi32>
        %gather3A_1011 = vector.shape_cast %broadcast_in_dim3A_1010 : vector<16x1xi32> to vector<16xi32>
        %gather3A_1012 = tpu.dynamic_gather %add3A_1006[%gather3A_1011] in [0] : vector<16xf32>, vector<16xi32> -> vector<16xf32>
        %add3A_1013 = arith.addf %add3A_1006, %gather3A_1012 : vector<16xf32>
        %xor3A_1014 = arith.constant 4 : i32
        %xor3A_1015 = vector.broadcast %xor3A_1014 : i32 to vector<16xi32>
        %xor3A_1016 = arith.xori %iota3A, %xor3A_1015 : vector<16xi32>
        %broadcast_in_dim3A_1017 = vector.shape_cast %xor3A_1016 : vector<16xi32> to vector<16x1xi32>
        %gather3A_1018 = vector.shape_cast %broadcast_in_dim3A_1017 : vector<16x1xi32> to vector<16xi32>
        %gather3A_1019 = tpu.dynamic_gather %add3A_1013[%gather3A_1018] in [0] : vector<16xf32>, vector<16xi32> -> vector<16xf32>
        %add3A_1020 = arith.addf %add3A_1013, %gather3A_1019 : vector<16xf32>
        %xor3A_1021 = arith.constant 2 : i32
        %xor3A_1022 = vector.broadcast %xor3A_1021 : i32 to vector<16xi32>
        %xor3A_1023 = arith.xori %iota3A, %xor3A_1022 : vector<16xi32>
        %broadcast_in_dim3A_1024 = vector.shape_cast %xor3A_1023 : vector<16xi32> to vector<16x1xi32>
        %gather3A_1025 = vector.shape_cast %broadcast_in_dim3A_1024 : vector<16x1xi32> to vector<16xi32>
        %gather3A_1026 = tpu.dynamic_gather %add3A_1020[%gather3A_1025] in [0] : vector<16xf32>, vector<16xi32> -> vector<16xf32>
        %add3A_1027 = arith.addf %add3A_1020, %gather3A_1026 : vector<16xf32>
        %xor3A_1028 = arith.constant 1 : i32
        %xor3A_1029 = vector.broadcast %xor3A_1028 : i32 to vector<16xi32>
        %xor3A_1030 = arith.xori %iota3A, %xor3A_1029 : vector<16xi32>
        %broadcast_in_dim3A_1031 = vector.shape_cast %xor3A_1030 : vector<16xi32> to vector<16x1xi32>
        %gather3A_1032 = vector.shape_cast %broadcast_in_dim3A_1031 : vector<16x1xi32> to vector<16xi32>
        %gather3A_1033 = tpu.dynamic_gather %add3A_1027[%gather3A_1032] in [0] : vector<16xf32>, vector<16xi32> -> vector<16xf32>
        %add3A_1034 = arith.addf %add3A_1027, %gather3A_1033 : vector<16xf32>
        %eq3A_1035 = arith.constant 8 : i32
        %eq3A_1036 = vector.broadcast %eq3A_1035 : i32 to vector<16xi32>
        %eq3A_1037 = arith.cmpi eq, %iota3A, %eq3A_1036 : vector<16xi32>
        %select_n3A_1038 = arith.select %eq3A_1037, %add3A_1034, %select_n3A_942 : vector<16xi1>, vector<16xf32>
        %add3A_1039 = arith.constant 9 : i32
        %add3A_1040 = arith.addi %mul3A_181, %add3A_1039 : i32
        %broadcast_in_dim3A_1041 = arith.constant 0.000000e+00 : f32
        %broadcast_in_dim3A_1042 = vector.broadcast %broadcast_in_dim3A_1041 : f32 to vector<16xf32>
        %get3A_1043 = arith.index_cast %rem3A_149 : i32 to index
        %get3A_1044 = arith.index_cast %add3A_1040 : i32 to index
        %get3A_1045 = arith.constant 0 : index
        %get3A_1046 = tpu.vector_load %arg7[%get3A_1043, %get3A_1044, %get3A_1045] {strides = array<i32>} : memref<8x80x64xi32, #tpu.memory_space<vmem>>, vector<16xi32>,
        %get3A_1047 = arith.index_cast %rem3A_149 : i32 to index
        %get3A_1048 = arith.index_cast %add3A_1040 : i32 to index
        %get3A_1049 = arith.constant 0 : index
        %get3A_1050 = tpu.vector_load %arg8[%get3A_1047, %get3A_1048, %get3A_1049] {strides = array<i32>} : memref<8x80x64xi32, #tpu.memory_space<vmem>>, vector<16xi32>,
        %bitcast3A_1051 = vector.bitcast %get3A_1046 : vector<16xi32> to vector<32xbf16>
        %bitcast3A_1052 = vector.bitcast %get3A_1050 : vector<16xi32> to vector<32xbf16>
        %mul3A_1053 = arith.mulf %bitcast3A_1051, %bitcast3A_1052 : vector<32xbf16>
        %unpack3A_1054 = tpu.unpack_subelements %mul3A_1053, 0 {pack_format = #tpu.pack_format<interleaved>} : vector<32xbf16> -> vector<16xf32>
        %unpack3A_1055 = tpu.unpack_subelements %mul3A_1053, 1 {pack_format = #tpu.pack_format<interleaved>} : vector<32xbf16> -> vector<16xf32>
        %add3A_1056 = arith.addf %broadcast_in_dim3A_1042, %unpack3A_1054 : vector<16xf32>
        %add3A_1057 = arith.addf %add3A_1056, %unpack3A_1055 : vector<16xf32>
        %get3A_1058 = arith.index_cast %rem3A_149 : i32 to index
        %get3A_1059 = arith.index_cast %add3A_1040 : i32 to index
        %get3A_1060 = arith.constant 16 : index
        %get3A_1061 = tpu.vector_load %arg7[%get3A_1058, %get3A_1059, %get3A_1060] {strides = array<i32>} : memref<8x80x64xi32, #tpu.memory_space<vmem>>, vector<16xi32>,
        %get3A_1062 = arith.index_cast %rem3A_149 : i32 to index
        %get3A_1063 = arith.index_cast %add3A_1040 : i32 to index
        %get3A_1064 = arith.constant 16 : index
        %get3A_1065 = tpu.vector_load %arg8[%get3A_1062, %get3A_1063, %get3A_1064] {strides = array<i32>} : memref<8x80x64xi32, #tpu.memory_space<vmem>>, vector<16xi32>,
        %bitcast3A_1066 = vector.bitcast %get3A_1061 : vector<16xi32> to vector<32xbf16>
        %bitcast3A_1067 = vector.bitcast %get3A_1065 : vector<16xi32> to vector<32xbf16>
        %mul3A_1068 = arith.mulf %bitcast3A_1066, %bitcast3A_1067 : vector<32xbf16>
        %unpack3A_1069 = tpu.unpack_subelements %mul3A_1068, 0 {pack_format = #tpu.pack_format<interleaved>} : vector<32xbf16> -> vector<16xf32>
        %unpack3A_1070 = tpu.unpack_subelements %mul3A_1068, 1 {pack_format = #tpu.pack_format<interleaved>} : vector<32xbf16> -> vector<16xf32>
        %add3A_1071 = arith.addf %add3A_1057, %unpack3A_1069 : vector<16xf32>
        %add3A_1072 = arith.addf %add3A_1071, %unpack3A_1070 : vector<16xf32>
        %get3A_1073 = arith.index_cast %rem3A_149 : i32 to index
        %get3A_1074 = arith.index_cast %add3A_1040 : i32 to index
        %get3A_1075 = arith.constant 32 : index
        %get3A_1076 = tpu.vector_load %arg7[%get3A_1073, %get3A_1074, %get3A_1075] {strides = array<i32>} : memref<8x80x64xi32, #tpu.memory_space<vmem>>, vector<16xi32>,
        %get3A_1077 = arith.index_cast %rem3A_149 : i32 to index
        %get3A_1078 = arith.index_cast %add3A_1040 : i32 to index
        %get3A_1079 = arith.constant 32 : index
        %get3A_1080 = tpu.vector_load %arg8[%get3A_1077, %get3A_1078, %get3A_1079] {strides = array<i32>} : memref<8x80x64xi32, #tpu.memory_space<vmem>>, vector<16xi32>,
        %bitcast3A_1081 = vector.bitcast %get3A_1076 : vector<16xi32> to vector<32xbf16>
        %bitcast3A_1082 = vector.bitcast %get3A_1080 : vector<16xi32> to vector<32xbf16>
        %mul3A_1083 = arith.mulf %bitcast3A_1081, %bitcast3A_1082 : vector<32xbf16>
        %unpack3A_1084 = tpu.unpack_subelements %mul3A_1083, 0 {pack_format = #tpu.pack_format<interleaved>} : vector<32xbf16> -> vector<16xf32>
        %unpack3A_1085 = tpu.unpack_subelements %mul3A_1083, 1 {pack_format = #tpu.pack_format<interleaved>} : vector<32xbf16> -> vector<16xf32>
        %add3A_1086 = arith.addf %add3A_1072, %unpack3A_1084 : vector<16xf32>
        %add3A_1087 = arith.addf %add3A_1086, %unpack3A_1085 : vector<16xf32>
        %get3A_1088 = arith.index_cast %rem3A_149 : i32 to index
        %get3A_1089 = arith.index_cast %add3A_1040 : i32 to index
        %get3A_1090 = arith.constant 48 : index
        %get3A_1091 = tpu.vector_load %arg7[%get3A_1088, %get3A_1089, %get3A_1090] {strides = array<i32>} : memref<8x80x64xi32, #tpu.memory_space<vmem>>, vector<16xi32>,
        %get3A_1092 = arith.index_cast %rem3A_149 : i32 to index
        %get3A_1093 = arith.index_cast %add3A_1040 : i32 to index
        %get3A_1094 = arith.constant 48 : index
        %get3A_1095 = tpu.vector_load %arg8[%get3A_1092, %get3A_1093, %get3A_1094] {strides = array<i32>} : memref<8x80x64xi32, #tpu.memory_space<vmem>>, vector<16xi32>,
        %bitcast3A_1096 = vector.bitcast %get3A_1091 : vector<16xi32> to vector<32xbf16>
        %bitcast3A_1097 = vector.bitcast %get3A_1095 : vector<16xi32> to vector<32xbf16>
        %mul3A_1098 = arith.mulf %bitcast3A_1096, %bitcast3A_1097 : vector<32xbf16>
        %unpack3A_1099 = tpu.unpack_subelements %mul3A_1098, 0 {pack_format = #tpu.pack_format<interleaved>} : vector<32xbf16> -> vector<16xf32>
        %unpack3A_1100 = tpu.unpack_subelements %mul3A_1098, 1 {pack_format = #tpu.pack_format<interleaved>} : vector<32xbf16> -> vector<16xf32>
        %add3A_1101 = arith.addf %add3A_1087, %unpack3A_1099 : vector<16xf32>
        %add3A_1102 = arith.addf %add3A_1101, %unpack3A_1100 : vector<16xf32>
        %xor3A_1103 = arith.constant 8 : i32
        %xor3A_1104 = vector.broadcast %xor3A_1103 : i32 to vector<16xi32>
        %xor3A_1105 = arith.xori %iota3A, %xor3A_1104 : vector<16xi32>
        %broadcast_in_dim3A_1106 = vector.shape_cast %xor3A_1105 : vector<16xi32> to vector<16x1xi32>
        %gather3A_1107 = vector.shape_cast %broadcast_in_dim3A_1106 : vector<16x1xi32> to vector<16xi32>
        %gather3A_1108 = tpu.dynamic_gather %add3A_1102[%gather3A_1107] in [0] : vector<16xf32>, vector<16xi32> -> vector<16xf32>
        %add3A_1109 = arith.addf %add3A_1102, %gather3A_1108 : vector<16xf32>
        %xor3A_1110 = arith.constant 4 : i32
        %xor3A_1111 = vector.broadcast %xor3A_1110 : i32 to vector<16xi32>
        %xor3A_1112 = arith.xori %iota3A, %xor3A_1111 : vector<16xi32>
        %broadcast_in_dim3A_1113 = vector.shape_cast %xor3A_1112 : vector<16xi32> to vector<16x1xi32>
        %gather3A_1114 = vector.shape_cast %broadcast_in_dim3A_1113 : vector<16x1xi32> to vector<16xi32>
        %gather3A_1115 = tpu.dynamic_gather %add3A_1109[%gather3A_1114] in [0] : vector<16xf32>, vector<16xi32> -> vector<16xf32>
        %add3A_1116 = arith.addf %add3A_1109, %gather3A_1115 : vector<16xf32>
        %xor3A_1117 = arith.constant 2 : i32
        %xor3A_1118 = vector.broadcast %xor3A_1117 : i32 to vector<16xi32>
        %xor3A_1119 = arith.xori %iota3A, %xor3A_1118 : vector<16xi32>
        %broadcast_in_dim3A_1120 = vector.shape_cast %xor3A_1119 : vector<16xi32> to vector<16x1xi32>
        %gather3A_1121 = vector.shape_cast %broadcast_in_dim3A_1120 : vector<16x1xi32> to vector<16xi32>
        %gather3A_1122 = tpu.dynamic_gather %add3A_1116[%gather3A_1121] in [0] : vector<16xf32>, vector<16xi32> -> vector<16xf32>
        %add3A_1123 = arith.addf %add3A_1116, %gather3A_1122 : vector<16xf32>
        %xor3A_1124 = arith.constant 1 : i32
        %xor3A_1125 = vector.broadcast %xor3A_1124 : i32 to vector<16xi32>
        %xor3A_1126 = arith.xori %iota3A, %xor3A_1125 : vector<16xi32>
        %broadcast_in_dim3A_1127 = vector.shape_cast %xor3A_1126 : vector<16xi32> to vector<16x1xi32>
        %gather3A_1128 = vector.shape_cast %broadcast_in_dim3A_1127 : vector<16x1xi32> to vector<16xi32>
        %gather3A_1129 = tpu.dynamic_gather %add3A_1123[%gather3A_1128] in [0] : vector<16xf32>, vector<16xi32> -> vector<16xf32>
        %add3A_1130 = arith.addf %add3A_1123, %gather3A_1129 : vector<16xf32>
        %eq3A_1131 = arith.constant 9 : i32
        %eq3A_1132 = vector.broadcast %eq3A_1131 : i32 to vector<16xi32>
        %eq3A_1133 = arith.cmpi eq, %iota3A, %eq3A_1132 : vector<16xi32>
        %select_n3A_1134 = arith.select %eq3A_1133, %add3A_1130, %select_n3A_1038 : vector<16xi1>, vector<16xf32>
        %add3A_1135 = arith.constant 10 : i32
        %add3A_1136 = arith.addi %mul3A_181, %add3A_1135 : i32
        %broadcast_in_dim3A_1137 = arith.constant 0.000000e+00 : f32
        %broadcast_in_dim3A_1138 = vector.broadcast %broadcast_in_dim3A_1137 : f32 to vector<16xf32>
        %get3A_1139 = arith.index_cast %rem3A_149 : i32 to index
        %get3A_1140 = arith.index_cast %add3A_1136 : i32 to index
        %get3A_1141 = arith.constant 0 : index
        %get3A_1142 = tpu.vector_load %arg7[%get3A_1139, %get3A_1140, %get3A_1141] {strides = array<i32>} : memref<8x80x64xi32, #tpu.memory_space<vmem>>, vector<16xi32>,
        %get3A_1143 = arith.index_cast %rem3A_149 : i32 to index
        %get3A_1144 = arith.index_cast %add3A_1136 : i32 to index
        %get3A_1145 = arith.constant 0 : index
        %get3A_1146 = tpu.vector_load %arg8[%get3A_1143, %get3A_1144, %get3A_1145] {strides = array<i32>} : memref<8x80x64xi32, #tpu.memory_space<vmem>>, vector<16xi32>,
        %bitcast3A_1147 = vector.bitcast %get3A_1142 : vector<16xi32> to vector<32xbf16>
        %bitcast3A_1148 = vector.bitcast %get3A_1146 : vector<16xi32> to vector<32xbf16>
        %mul3A_1149 = arith.mulf %bitcast3A_1147, %bitcast3A_1148 : vector<32xbf16>
        %unpack3A_1150 = tpu.unpack_subelements %mul3A_1149, 0 {pack_format = #tpu.pack_format<interleaved>} : vector<32xbf16> -> vector<16xf32>
        %unpack3A_1151 = tpu.unpack_subelements %mul3A_1149, 1 {pack_format = #tpu.pack_format<interleaved>} : vector<32xbf16> -> vector<16xf32>
        %add3A_1152 = arith.addf %broadcast_in_dim3A_1138, %unpack3A_1150 : vector<16xf32>
        %add3A_1153 = arith.addf %add3A_1152, %unpack3A_1151 : vector<16xf32>
        %get3A_1154 = arith.index_cast %rem3A_149 : i32 to index
        %get3A_1155 = arith.index_cast %add3A_1136 : i32 to index
        %get3A_1156 = arith.constant 16 : index
        %get3A_1157 = tpu.vector_load %arg7[%get3A_1154, %get3A_1155, %get3A_1156] {strides = array<i32>} : memref<8x80x64xi32, #tpu.memory_space<vmem>>, vector<16xi32>,
        %get3A_1158 = arith.index_cast %rem3A_149 : i32 to index
        %get3A_1159 = arith.index_cast %add3A_1136 : i32 to index
        %get3A_1160 = arith.constant 16 : index
        %get3A_1161 = tpu.vector_load %arg8[%get3A_1158, %get3A_1159, %get3A_1160] {strides = array<i32>} : memref<8x80x64xi32, #tpu.memory_space<vmem>>, vector<16xi32>,
        %bitcast3A_1162 = vector.bitcast %get3A_1157 : vector<16xi32> to vector<32xbf16>
        %bitcast3A_1163 = vector.bitcast %get3A_1161 : vector<16xi32> to vector<32xbf16>
        %mul3A_1164 = arith.mulf %bitcast3A_1162, %bitcast3A_1163 : vector<32xbf16>
        %unpack3A_1165 = tpu.unpack_subelements %mul3A_1164, 0 {pack_format = #tpu.pack_format<interleaved>} : vector<32xbf16> -> vector<16xf32>
        %unpack3A_1166 = tpu.unpack_subelements %mul3A_1164, 1 {pack_format = #tpu.pack_format<interleaved>} : vector<32xbf16> -> vector<16xf32>
        %add3A_1167 = arith.addf %add3A_1153, %unpack3A_1165 : vector<16xf32>
        %add3A_1168 = arith.addf %add3A_1167, %unpack3A_1166 : vector<16xf32>
        %get3A_1169 = arith.index_cast %rem3A_149 : i32 to index
        %get3A_1170 = arith.index_cast %add3A_1136 : i32 to index
        %get3A_1171 = arith.constant 32 : index
        %get3A_1172 = tpu.vector_load %arg7[%get3A_1169, %get3A_1170, %get3A_1171] {strides = array<i32>} : memref<8x80x64xi32, #tpu.memory_space<vmem>>, vector<16xi32>,
        %get3A_1173 = arith.index_cast %rem3A_149 : i32 to index
        %get3A_1174 = arith.index_cast %add3A_1136 : i32 to index
        %get3A_1175 = arith.constant 32 : index
        %get3A_1176 = tpu.vector_load %arg8[%get3A_1173, %get3A_1174, %get3A_1175] {strides = array<i32>} : memref<8x80x64xi32, #tpu.memory_space<vmem>>, vector<16xi32>,
        %bitcast3A_1177 = vector.bitcast %get3A_1172 : vector<16xi32> to vector<32xbf16>
        %bitcast3A_1178 = vector.bitcast %get3A_1176 : vector<16xi32> to vector<32xbf16>
        %mul3A_1179 = arith.mulf %bitcast3A_1177, %bitcast3A_1178 : vector<32xbf16>
        %unpack3A_1180 = tpu.unpack_subelements %mul3A_1179, 0 {pack_format = #tpu.pack_format<interleaved>} : vector<32xbf16> -> vector<16xf32>
        %unpack3A_1181 = tpu.unpack_subelements %mul3A_1179, 1 {pack_format = #tpu.pack_format<interleaved>} : vector<32xbf16> -> vector<16xf32>
        %add3A_1182 = arith.addf %add3A_1168, %unpack3A_1180 : vector<16xf32>
        %add3A_1183 = arith.addf %add3A_1182, %unpack3A_1181 : vector<16xf32>
        %get3A_1184 = arith.index_cast %rem3A_149 : i32 to index
        %get3A_1185 = arith.index_cast %add3A_1136 : i32 to index
        %get3A_1186 = arith.constant 48 : index
        %get3A_1187 = tpu.vector_load %arg7[%get3A_1184, %get3A_1185, %get3A_1186] {strides = array<i32>} : memref<8x80x64xi32, #tpu.memory_space<vmem>>, vector<16xi32>,
        %get3A_1188 = arith.index_cast %rem3A_149 : i32 to index
        %get3A_1189 = arith.index_cast %add3A_1136 : i32 to index
        %get3A_1190 = arith.constant 48 : index
        %get3A_1191 = tpu.vector_load %arg8[%get3A_1188, %get3A_1189, %get3A_1190] {strides = array<i32>} : memref<8x80x64xi32, #tpu.memory_space<vmem>>, vector<16xi32>,
        %bitcast3A_1192 = vector.bitcast %get3A_1187 : vector<16xi32> to vector<32xbf16>
        %bitcast3A_1193 = vector.bitcast %get3A_1191 : vector<16xi32> to vector<32xbf16>
        %mul3A_1194 = arith.mulf %bitcast3A_1192, %bitcast3A_1193 : vector<32xbf16>
        %unpack3A_1195 = tpu.unpack_subelements %mul3A_1194, 0 {pack_format = #tpu.pack_format<interleaved>} : vector<32xbf16> -> vector<16xf32>
        %unpack3A_1196 = tpu.unpack_subelements %mul3A_1194, 1 {pack_format = #tpu.pack_format<interleaved>} : vector<32xbf16> -> vector<16xf32>
        %add3A_1197 = arith.addf %add3A_1183, %unpack3A_1195 : vector<16xf32>
        %add3A_1198 = arith.addf %add3A_1197, %unpack3A_1196 : vector<16xf32>
        %xor3A_1199 = arith.constant 8 : i32
        %xor3A_1200 = vector.broadcast %xor3A_1199 : i32 to vector<16xi32>
        %xor3A_1201 = arith.xori %iota3A, %xor3A_1200 : vector<16xi32>
        %broadcast_in_dim3A_1202 = vector.shape_cast %xor3A_1201 : vector<16xi32> to vector<16x1xi32>
        %gather3A_1203 = vector.shape_cast %broadcast_in_dim3A_1202 : vector<16x1xi32> to vector<16xi32>
        %gather3A_1204 = tpu.dynamic_gather %add3A_1198[%gather3A_1203] in [0] : vector<16xf32>, vector<16xi32> -> vector<16xf32>
        %add3A_1205 = arith.addf %add3A_1198, %gather3A_1204 : vector<16xf32>
        %xor3A_1206 = arith.constant 4 : i32
        %xor3A_1207 = vector.broadcast %xor3A_1206 : i32 to vector<16xi32>
        %xor3A_1208 = arith.xori %iota3A, %xor3A_1207 : vector<16xi32>
        %broadcast_in_dim3A_1209 = vector.shape_cast %xor3A_1208 : vector<16xi32> to vector<16x1xi32>
        %gather3A_1210 = vector.shape_cast %broadcast_in_dim3A_1209 : vector<16x1xi32> to vector<16xi32>
        %gather3A_1211 = tpu.dynamic_gather %add3A_1205[%gather3A_1210] in [0] : vector<16xf32>, vector<16xi32> -> vector<16xf32>
        %add3A_1212 = arith.addf %add3A_1205, %gather3A_1211 : vector<16xf32>
        %xor3A_1213 = arith.constant 2 : i32
        %xor3A_1214 = vector.broadcast %xor3A_1213 : i32 to vector<16xi32>
        %xor3A_1215 = arith.xori %iota3A, %xor3A_1214 : vector<16xi32>
        %broadcast_in_dim3A_1216 = vector.shape_cast %xor3A_1215 : vector<16xi32> to vector<16x1xi32>
        %gather3A_1217 = vector.shape_cast %broadcast_in_dim3A_1216 : vector<16x1xi32> to vector<16xi32>
        %gather3A_1218 = tpu.dynamic_gather %add3A_1212[%gather3A_1217] in [0] : vector<16xf32>, vector<16xi32> -> vector<16xf32>
        %add3A_1219 = arith.addf %add3A_1212, %gather3A_1218 : vector<16xf32>
        %xor3A_1220 = arith.constant 1 : i32
        %xor3A_1221 = vector.broadcast %xor3A_1220 : i32 to vector<16xi32>
        %xor3A_1222 = arith.xori %iota3A, %xor3A_1221 : vector<16xi32>
        %broadcast_in_dim3A_1223 = vector.shape_cast %xor3A_1222 : vector<16xi32> to vector<16x1xi32>
        %gather3A_1224 = vector.shape_cast %broadcast_in_dim3A_1223 : vector<16x1xi32> to vector<16xi32>
        %gather3A_1225 = tpu.dynamic_gather %add3A_1219[%gather3A_1224] in [0] : vector<16xf32>, vector<16xi32> -> vector<16xf32>
        %add3A_1226 = arith.addf %add3A_1219, %gather3A_1225 : vector<16xf32>
        %eq3A_1227 = arith.constant 10 : i32
        %eq3A_1228 = vector.broadcast %eq3A_1227 : i32 to vector<16xi32>
        %eq3A_1229 = arith.cmpi eq, %iota3A, %eq3A_1228 : vector<16xi32>
        %select_n3A_1230 = arith.select %eq3A_1229, %add3A_1226, %select_n3A_1134 : vector<16xi1>, vector<16xf32>
        %add3A_1231 = arith.constant 11 : i32
        %add3A_1232 = arith.addi %mul3A_181, %add3A_1231 : i32
        %broadcast_in_dim3A_1233 = arith.constant 0.000000e+00 : f32
        %broadcast_in_dim3A_1234 = vector.broadcast %broadcast_in_dim3A_1233 : f32 to vector<16xf32>
        %get3A_1235 = arith.index_cast %rem3A_149 : i32 to index
        %get3A_1236 = arith.index_cast %add3A_1232 : i32 to index
        %get3A_1237 = arith.constant 0 : index
        %get3A_1238 = tpu.vector_load %arg7[%get3A_1235, %get3A_1236, %get3A_1237] {strides = array<i32>} : memref<8x80x64xi32, #tpu.memory_space<vmem>>, vector<16xi32>,
        %get3A_1239 = arith.index_cast %rem3A_149 : i32 to index
        %get3A_1240 = arith.index_cast %add3A_1232 : i32 to index
        %get3A_1241 = arith.constant 0 : index
        %get3A_1242 = tpu.vector_load %arg8[%get3A_1239, %get3A_1240, %get3A_1241] {strides = array<i32>} : memref<8x80x64xi32, #tpu.memory_space<vmem>>, vector<16xi32>,
        %bitcast3A_1243 = vector.bitcast %get3A_1238 : vector<16xi32> to vector<32xbf16>
        %bitcast3A_1244 = vector.bitcast %get3A_1242 : vector<16xi32> to vector<32xbf16>
        %mul3A_1245 = arith.mulf %bitcast3A_1243, %bitcast3A_1244 : vector<32xbf16>
        %unpack3A_1246 = tpu.unpack_subelements %mul3A_1245, 0 {pack_format = #tpu.pack_format<interleaved>} : vector<32xbf16> -> vector<16xf32>
        %unpack3A_1247 = tpu.unpack_subelements %mul3A_1245, 1 {pack_format = #tpu.pack_format<interleaved>} : vector<32xbf16> -> vector<16xf32>
        %add3A_1248 = arith.addf %broadcast_in_dim3A_1234, %unpack3A_1246 : vector<16xf32>
        %add3A_1249 = arith.addf %add3A_1248, %unpack3A_1247 : vector<16xf32>
        %get3A_1250 = arith.index_cast %rem3A_149 : i32 to index
        %get3A_1251 = arith.index_cast %add3A_1232 : i32 to index
        %get3A_1252 = arith.constant 16 : index
        %get3A_1253 = tpu.vector_load %arg7[%get3A_1250, %get3A_1251, %get3A_1252] {strides = array<i32>} : memref<8x80x64xi32, #tpu.memory_space<vmem>>, vector<16xi32>,
        %get3A_1254 = arith.index_cast %rem3A_149 : i32 to index
        %get3A_1255 = arith.index_cast %add3A_1232 : i32 to index
        %get3A_1256 = arith.constant 16 : index
        %get3A_1257 = tpu.vector_load %arg8[%get3A_1254, %get3A_1255, %get3A_1256] {strides = array<i32>} : memref<8x80x64xi32, #tpu.memory_space<vmem>>, vector<16xi32>,
        %bitcast3A_1258 = vector.bitcast %get3A_1253 : vector<16xi32> to vector<32xbf16>
        %bitcast3A_1259 = vector.bitcast %get3A_1257 : vector<16xi32> to vector<32xbf16>
        %mul3A_1260 = arith.mulf %bitcast3A_1258, %bitcast3A_1259 : vector<32xbf16>
        %unpack3A_1261 = tpu.unpack_subelements %mul3A_1260, 0 {pack_format = #tpu.pack_format<interleaved>} : vector<32xbf16> -> vector<16xf32>
        %unpack3A_1262 = tpu.unpack_subelements %mul3A_1260, 1 {pack_format = #tpu.pack_format<interleaved>} : vector<32xbf16> -> vector<16xf32>
        %add3A_1263 = arith.addf %add3A_1249, %unpack3A_1261 : vector<16xf32>
        %add3A_1264 = arith.addf %add3A_1263, %unpack3A_1262 : vector<16xf32>
        %get3A_1265 = arith.index_cast %rem3A_149 : i32 to index
        %get3A_1266 = arith.index_cast %add3A_1232 : i32 to index
        %get3A_1267 = arith.constant 32 : index
        %get3A_1268 = tpu.vector_load %arg7[%get3A_1265, %get3A_1266, %get3A_1267] {strides = array<i32>} : memref<8x80x64xi32, #tpu.memory_space<vmem>>, vector<16xi32>,
        %get3A_1269 = arith.index_cast %rem3A_149 : i32 to index
        %get3A_1270 = arith.index_cast %add3A_1232 : i32 to index
        %get3A_1271 = arith.constant 32 : index
        %get3A_1272 = tpu.vector_load %arg8[%get3A_1269, %get3A_1270, %get3A_1271] {strides = array<i32>} : memref<8x80x64xi32, #tpu.memory_space<vmem>>, vector<16xi32>,
        %bitcast3A_1273 = vector.bitcast %get3A_1268 : vector<16xi32> to vector<32xbf16>
        %bitcast3A_1274 = vector.bitcast %get3A_1272 : vector<16xi32> to vector<32xbf16>
        %mul3A_1275 = arith.mulf %bitcast3A_1273, %bitcast3A_1274 : vector<32xbf16>
        %unpack3A_1276 = tpu.unpack_subelements %mul3A_1275, 0 {pack_format = #tpu.pack_format<interleaved>} : vector<32xbf16> -> vector<16xf32>
        %unpack3A_1277 = tpu.unpack_subelements %mul3A_1275, 1 {pack_format = #tpu.pack_format<interleaved>} : vector<32xbf16> -> vector<16xf32>
        %add3A_1278 = arith.addf %add3A_1264, %unpack3A_1276 : vector<16xf32>
        %add3A_1279 = arith.addf %add3A_1278, %unpack3A_1277 : vector<16xf32>
        %get3A_1280 = arith.index_cast %rem3A_149 : i32 to index
        %get3A_1281 = arith.index_cast %add3A_1232 : i32 to index
        %get3A_1282 = arith.constant 48 : index
        %get3A_1283 = tpu.vector_load %arg7[%get3A_1280, %get3A_1281, %get3A_1282] {strides = array<i32>} : memref<8x80x64xi32, #tpu.memory_space<vmem>>, vector<16xi32>,
        %get3A_1284 = arith.index_cast %rem3A_149 : i32 to index
        %get3A_1285 = arith.index_cast %add3A_1232 : i32 to index
        %get3A_1286 = arith.constant 48 : index
        %get3A_1287 = tpu.vector_load %arg8[%get3A_1284, %get3A_1285, %get3A_1286] {strides = array<i32>} : memref<8x80x64xi32, #tpu.memory_space<vmem>>, vector<16xi32>,
        %bitcast3A_1288 = vector.bitcast %get3A_1283 : vector<16xi32> to vector<32xbf16>
        %bitcast3A_1289 = vector.bitcast %get3A_1287 : vector<16xi32> to vector<32xbf16>
        %mul3A_1290 = arith.mulf %bitcast3A_1288, %bitcast3A_1289 : vector<32xbf16>
        %unpack3A_1291 = tpu.unpack_subelements %mul3A_1290, 0 {pack_format = #tpu.pack_format<interleaved>} : vector<32xbf16> -> vector<16xf32>
        %unpack3A_1292 = tpu.unpack_subelements %mul3A_1290, 1 {pack_format = #tpu.pack_format<interleaved>} : vector<32xbf16> -> vector<16xf32>
        %add3A_1293 = arith.addf %add3A_1279, %unpack3A_1291 : vector<16xf32>
        %add3A_1294 = arith.addf %add3A_1293, %unpack3A_1292 : vector<16xf32>
        %xor3A_1295 = arith.constant 8 : i32
        %xor3A_1296 = vector.broadcast %xor3A_1295 : i32 to vector<16xi32>
        %xor3A_1297 = arith.xori %iota3A, %xor3A_1296 : vector<16xi32>
        %broadcast_in_dim3A_1298 = vector.shape_cast %xor3A_1297 : vector<16xi32> to vector<16x1xi32>
        %gather3A_1299 = vector.shape_cast %broadcast_in_dim3A_1298 : vector<16x1xi32> to vector<16xi32>
        %gather3A_1300 = tpu.dynamic_gather %add3A_1294[%gather3A_1299] in [0] : vector<16xf32>, vector<16xi32> -> vector<16xf32>
        %add3A_1301 = arith.addf %add3A_1294, %gather3A_1300 : vector<16xf32>
        %xor3A_1302 = arith.constant 4 : i32
        %xor3A_1303 = vector.broadcast %xor3A_1302 : i32 to vector<16xi32>
        %xor3A_1304 = arith.xori %iota3A, %xor3A_1303 : vector<16xi32>
        %broadcast_in_dim3A_1305 = vector.shape_cast %xor3A_1304 : vector<16xi32> to vector<16x1xi32>
        %gather3A_1306 = vector.shape_cast %broadcast_in_dim3A_1305 : vector<16x1xi32> to vector<16xi32>
        %gather3A_1307 = tpu.dynamic_gather %add3A_1301[%gather3A_1306] in [0] : vector<16xf32>, vector<16xi32> -> vector<16xf32>
        %add3A_1308 = arith.addf %add3A_1301, %gather3A_1307 : vector<16xf32>
        %xor3A_1309 = arith.constant 2 : i32
        %xor3A_1310 = vector.broadcast %xor3A_1309 : i32 to vector<16xi32>
        %xor3A_1311 = arith.xori %iota3A, %xor3A_1310 : vector<16xi32>
        %broadcast_in_dim3A_1312 = vector.shape_cast %xor3A_1311 : vector<16xi32> to vector<16x1xi32>
        %gather3A_1313 = vector.shape_cast %broadcast_in_dim3A_1312 : vector<16x1xi32> to vector<16xi32>
        %gather3A_1314 = tpu.dynamic_gather %add3A_1308[%gather3A_1313] in [0] : vector<16xf32>, vector<16xi32> -> vector<16xf32>
        %add3A_1315 = arith.addf %add3A_1308, %gather3A_1314 : vector<16xf32>
        %xor3A_1316 = arith.constant 1 : i32
        %xor3A_1317 = vector.broadcast %xor3A_1316 : i32 to vector<16xi32>
        %xor3A_1318 = arith.xori %iota3A, %xor3A_1317 : vector<16xi32>
        %broadcast_in_dim3A_1319 = vector.shape_cast %xor3A_1318 : vector<16xi32> to vector<16x1xi32>
        %gather3A_1320 = vector.shape_cast %broadcast_in_dim3A_1319 : vector<16x1xi32> to vector<16xi32>
        %gather3A_1321 = tpu.dynamic_gather %add3A_1315[%gather3A_1320] in [0] : vector<16xf32>, vector<16xi32> -> vector<16xf32>
        %add3A_1322 = arith.addf %add3A_1315, %gather3A_1321 : vector<16xf32>
        %eq3A_1323 = arith.constant 11 : i32
        %eq3A_1324 = vector.broadcast %eq3A_1323 : i32 to vector<16xi32>
        %eq3A_1325 = arith.cmpi eq, %iota3A, %eq3A_1324 : vector<16xi32>
        %select_n3A_1326 = arith.select %eq3A_1325, %add3A_1322, %select_n3A_1230 : vector<16xi1>, vector<16xf32>
        %add3A_1327 = arith.constant 12 : i32
        %add3A_1328 = arith.addi %mul3A_181, %add3A_1327 : i32
        %broadcast_in_dim3A_1329 = arith.constant 0.000000e+00 : f32
        %broadcast_in_dim3A_1330 = vector.broadcast %broadcast_in_dim3A_1329 : f32 to vector<16xf32>
        %get3A_1331 = arith.index_cast %rem3A_149 : i32 to index
        %get3A_1332 = arith.index_cast %add3A_1328 : i32 to index
        %get3A_1333 = arith.constant 0 : index
        %get3A_1334 = tpu.vector_load %arg7[%get3A_1331, %get3A_1332, %get3A_1333] {strides = array<i32>} : memref<8x80x64xi32, #tpu.memory_space<vmem>>, vector<16xi32>,
        %get3A_1335 = arith.index_cast %rem3A_149 : i32 to index
        %get3A_1336 = arith.index_cast %add3A_1328 : i32 to index
        %get3A_1337 = arith.constant 0 : index
        %get3A_1338 = tpu.vector_load %arg8[%get3A_1335, %get3A_1336, %get3A_1337] {strides = array<i32>} : memref<8x80x64xi32, #tpu.memory_space<vmem>>, vector<16xi32>,
        %bitcast3A_1339 = vector.bitcast %get3A_1334 : vector<16xi32> to vector<32xbf16>
        %bitcast3A_1340 = vector.bitcast %get3A_1338 : vector<16xi32> to vector<32xbf16>
        %mul3A_1341 = arith.mulf %bitcast3A_1339, %bitcast3A_1340 : vector<32xbf16>
        %unpack3A_1342 = tpu.unpack_subelements %mul3A_1341, 0 {pack_format = #tpu.pack_format<interleaved>} : vector<32xbf16> -> vector<16xf32>
        %unpack3A_1343 = tpu.unpack_subelements %mul3A_1341, 1 {pack_format = #tpu.pack_format<interleaved>} : vector<32xbf16> -> vector<16xf32>
        %add3A_1344 = arith.addf %broadcast_in_dim3A_1330, %unpack3A_1342 : vector<16xf32>
        %add3A_1345 = arith.addf %add3A_1344, %unpack3A_1343 : vector<16xf32>
        %get3A_1346 = arith.index_cast %rem3A_149 : i32 to index
        %get3A_1347 = arith.index_cast %add3A_1328 : i32 to index
        %get3A_1348 = arith.constant 16 : index
        %get3A_1349 = tpu.vector_load %arg7[%get3A_1346, %get3A_1347, %get3A_1348] {strides = array<i32>} : memref<8x80x64xi32, #tpu.memory_space<vmem>>, vector<16xi32>,
        %get3A_1350 = arith.index_cast %rem3A_149 : i32 to index
        %get3A_1351 = arith.index_cast %add3A_1328 : i32 to index
        %get3A_1352 = arith.constant 16 : index
        %get3A_1353 = tpu.vector_load %arg8[%get3A_1350, %get3A_1351, %get3A_1352] {strides = array<i32>} : memref<8x80x64xi32, #tpu.memory_space<vmem>>, vector<16xi32>,
        %bitcast3A_1354 = vector.bitcast %get3A_1349 : vector<16xi32> to vector<32xbf16>
        %bitcast3A_1355 = vector.bitcast %get3A_1353 : vector<16xi32> to vector<32xbf16>
        %mul3A_1356 = arith.mulf %bitcast3A_1354, %bitcast3A_1355 : vector<32xbf16>
        %unpack3A_1357 = tpu.unpack_subelements %mul3A_1356, 0 {pack_format = #tpu.pack_format<interleaved>} : vector<32xbf16> -> vector<16xf32>
        %unpack3A_1358 = tpu.unpack_subelements %mul3A_1356, 1 {pack_format = #tpu.pack_format<interleaved>} : vector<32xbf16> -> vector<16xf32>
        %add3A_1359 = arith.addf %add3A_1345, %unpack3A_1357 : vector<16xf32>
        %add3A_1360 = arith.addf %add3A_1359, %unpack3A_1358 : vector<16xf32>
        %get3A_1361 = arith.index_cast %rem3A_149 : i32 to index
        %get3A_1362 = arith.index_cast %add3A_1328 : i32 to index
        %get3A_1363 = arith.constant 32 : index
        %get3A_1364 = tpu.vector_load %arg7[%get3A_1361, %get3A_1362, %get3A_1363] {strides = array<i32>} : memref<8x80x64xi32, #tpu.memory_space<vmem>>, vector<16xi32>,
        %get3A_1365 = arith.index_cast %rem3A_149 : i32 to index
        %get3A_1366 = arith.index_cast %add3A_1328 : i32 to index
        %get3A_1367 = arith.constant 32 : index
        %get3A_1368 = tpu.vector_load %arg8[%get3A_1365, %get3A_1366, %get3A_1367] {strides = array<i32>} : memref<8x80x64xi32, #tpu.memory_space<vmem>>, vector<16xi32>,
        %bitcast3A_1369 = vector.bitcast %get3A_1364 : vector<16xi32> to vector<32xbf16>
        %bitcast3A_1370 = vector.bitcast %get3A_1368 : vector<16xi32> to vector<32xbf16>
        %mul3A_1371 = arith.mulf %bitcast3A_1369, %bitcast3A_1370 : vector<32xbf16>
        %unpack3A_1372 = tpu.unpack_subelements %mul3A_1371, 0 {pack_format = #tpu.pack_format<interleaved>} : vector<32xbf16> -> vector<16xf32>
        %unpack3A_1373 = tpu.unpack_subelements %mul3A_1371, 1 {pack_format = #tpu.pack_format<interleaved>} : vector<32xbf16> -> vector<16xf32>
        %add3A_1374 = arith.addf %add3A_1360, %unpack3A_1372 : vector<16xf32>
        %add3A_1375 = arith.addf %add3A_1374, %unpack3A_1373 : vector<16xf32>
        %get3A_1376 = arith.index_cast %rem3A_149 : i32 to index
        %get3A_1377 = arith.index_cast %add3A_1328 : i32 to index
        %get3A_1378 = arith.constant 48 : index
        %get3A_1379 = tpu.vector_load %arg7[%get3A_1376, %get3A_1377, %get3A_1378] {strides = array<i32>} : memref<8x80x64xi32, #tpu.memory_space<vmem>>, vector<16xi32>,
        %get3A_1380 = arith.index_cast %rem3A_149 : i32 to index
        %get3A_1381 = arith.index_cast %add3A_1328 : i32 to index
        %get3A_1382 = arith.constant 48 : index
        %get3A_1383 = tpu.vector_load %arg8[%get3A_1380, %get3A_1381, %get3A_1382] {strides = array<i32>} : memref<8x80x64xi32, #tpu.memory_space<vmem>>, vector<16xi32>,
        %bitcast3A_1384 = vector.bitcast %get3A_1379 : vector<16xi32> to vector<32xbf16>
        %bitcast3A_1385 = vector.bitcast %get3A_1383 : vector<16xi32> to vector<32xbf16>
        %mul3A_1386 = arith.mulf %bitcast3A_1384, %bitcast3A_1385 : vector<32xbf16>
        %unpack3A_1387 = tpu.unpack_subelements %mul3A_1386, 0 {pack_format = #tpu.pack_format<interleaved>} : vector<32xbf16> -> vector<16xf32>
        %unpack3A_1388 = tpu.unpack_subelements %mul3A_1386, 1 {pack_format = #tpu.pack_format<interleaved>} : vector<32xbf16> -> vector<16xf32>
        %add3A_1389 = arith.addf %add3A_1375, %unpack3A_1387 : vector<16xf32>
        %add3A_1390 = arith.addf %add3A_1389, %unpack3A_1388 : vector<16xf32>
        %xor3A_1391 = arith.constant 8 : i32
        %xor3A_1392 = vector.broadcast %xor3A_1391 : i32 to vector<16xi32>
        %xor3A_1393 = arith.xori %iota3A, %xor3A_1392 : vector<16xi32>
        %broadcast_in_dim3A_1394 = vector.shape_cast %xor3A_1393 : vector<16xi32> to vector<16x1xi32>
        %gather3A_1395 = vector.shape_cast %broadcast_in_dim3A_1394 : vector<16x1xi32> to vector<16xi32>
        %gather3A_1396 = tpu.dynamic_gather %add3A_1390[%gather3A_1395] in [0] : vector<16xf32>, vector<16xi32> -> vector<16xf32>
        %add3A_1397 = arith.addf %add3A_1390, %gather3A_1396 : vector<16xf32>
        %xor3A_1398 = arith.constant 4 : i32
        %xor3A_1399 = vector.broadcast %xor3A_1398 : i32 to vector<16xi32>
        %xor3A_1400 = arith.xori %iota3A, %xor3A_1399 : vector<16xi32>
        %broadcast_in_dim3A_1401 = vector.shape_cast %xor3A_1400 : vector<16xi32> to vector<16x1xi32>
        %gather3A_1402 = vector.shape_cast %broadcast_in_dim3A_1401 : vector<16x1xi32> to vector<16xi32>
        %gather3A_1403 = tpu.dynamic_gather %add3A_1397[%gather3A_1402] in [0] : vector<16xf32>, vector<16xi32> -> vector<16xf32>
        %add3A_1404 = arith.addf %add3A_1397, %gather3A_1403 : vector<16xf32>
        %xor3A_1405 = arith.constant 2 : i32
        %xor3A_1406 = vector.broadcast %xor3A_1405 : i32 to vector<16xi32>
        %xor3A_1407 = arith.xori %iota3A, %xor3A_1406 : vector<16xi32>
        %broadcast_in_dim3A_1408 = vector.shape_cast %xor3A_1407 : vector<16xi32> to vector<16x1xi32>
        %gather3A_1409 = vector.shape_cast %broadcast_in_dim3A_1408 : vector<16x1xi32> to vector<16xi32>
        %gather3A_1410 = tpu.dynamic_gather %add3A_1404[%gather3A_1409] in [0] : vector<16xf32>, vector<16xi32> -> vector<16xf32>
        %add3A_1411 = arith.addf %add3A_1404, %gather3A_1410 : vector<16xf32>
        %xor3A_1412 = arith.constant 1 : i32
        %xor3A_1413 = vector.broadcast %xor3A_1412 : i32 to vector<16xi32>
        %xor3A_1414 = arith.xori %iota3A, %xor3A_1413 : vector<16xi32>
        %broadcast_in_dim3A_1415 = vector.shape_cast %xor3A_1414 : vector<16xi32> to vector<16x1xi32>
        %gather3A_1416 = vector.shape_cast %broadcast_in_dim3A_1415 : vector<16x1xi32> to vector<16xi32>
        %gather3A_1417 = tpu.dynamic_gather %add3A_1411[%gather3A_1416] in [0] : vector<16xf32>, vector<16xi32> -> vector<16xf32>
        %add3A_1418 = arith.addf %add3A_1411, %gather3A_1417 : vector<16xf32>
        %eq3A_1419 = arith.constant 12 : i32
        %eq3A_1420 = vector.broadcast %eq3A_1419 : i32 to vector<16xi32>
        %eq3A_1421 = arith.cmpi eq, %iota3A, %eq3A_1420 : vector<16xi32>
        %select_n3A_1422 = arith.select %eq3A_1421, %add3A_1418, %select_n3A_1326 : vector<16xi1>, vector<16xf32>
        %add3A_1423 = arith.constant 13 : i32
        %add3A_1424 = arith.addi %mul3A_181, %add3A_1423 : i32
        %broadcast_in_dim3A_1425 = arith.constant 0.000000e+00 : f32
        %broadcast_in_dim3A_1426 = vector.broadcast %broadcast_in_dim3A_1425 : f32 to vector<16xf32>
        %get3A_1427 = arith.index_cast %rem3A_149 : i32 to index
        %get3A_1428 = arith.index_cast %add3A_1424 : i32 to index
        %get3A_1429 = arith.constant 0 : index
        %get3A_1430 = tpu.vector_load %arg7[%get3A_1427, %get3A_1428, %get3A_1429] {strides = array<i32>} : memref<8x80x64xi32, #tpu.memory_space<vmem>>, vector<16xi32>,
        %get3A_1431 = arith.index_cast %rem3A_149 : i32 to index
        %get3A_1432 = arith.index_cast %add3A_1424 : i32 to index
        %get3A_1433 = arith.constant 0 : index
        %get3A_1434 = tpu.vector_load %arg8[%get3A_1431, %get3A_1432, %get3A_1433] {strides = array<i32>} : memref<8x80x64xi32, #tpu.memory_space<vmem>>, vector<16xi32>,
        %bitcast3A_1435 = vector.bitcast %get3A_1430 : vector<16xi32> to vector<32xbf16>
        %bitcast3A_1436 = vector.bitcast %get3A_1434 : vector<16xi32> to vector<32xbf16>
        %mul3A_1437 = arith.mulf %bitcast3A_1435, %bitcast3A_1436 : vector<32xbf16>
        %unpack3A_1438 = tpu.unpack_subelements %mul3A_1437, 0 {pack_format = #tpu.pack_format<interleaved>} : vector<32xbf16> -> vector<16xf32>
        %unpack3A_1439 = tpu.unpack_subelements %mul3A_1437, 1 {pack_format = #tpu.pack_format<interleaved>} : vector<32xbf16> -> vector<16xf32>
        %add3A_1440 = arith.addf %broadcast_in_dim3A_1426, %unpack3A_1438 : vector<16xf32>
        %add3A_1441 = arith.addf %add3A_1440, %unpack3A_1439 : vector<16xf32>
        %get3A_1442 = arith.index_cast %rem3A_149 : i32 to index
        %get3A_1443 = arith.index_cast %add3A_1424 : i32 to index
        %get3A_1444 = arith.constant 16 : index
        %get3A_1445 = tpu.vector_load %arg7[%get3A_1442, %get3A_1443, %get3A_1444] {strides = array<i32>} : memref<8x80x64xi32, #tpu.memory_space<vmem>>, vector<16xi32>,
        %get3A_1446 = arith.index_cast %rem3A_149 : i32 to index
        %get3A_1447 = arith.index_cast %add3A_1424 : i32 to index
        %get3A_1448 = arith.constant 16 : index
        %get3A_1449 = tpu.vector_load %arg8[%get3A_1446, %get3A_1447, %get3A_1448] {strides = array<i32>} : memref<8x80x64xi32, #tpu.memory_space<vmem>>, vector<16xi32>,
        %bitcast3A_1450 = vector.bitcast %get3A_1445 : vector<16xi32> to vector<32xbf16>
        %bitcast3A_1451 = vector.bitcast %get3A_1449 : vector<16xi32> to vector<32xbf16>
        %mul3A_1452 = arith.mulf %bitcast3A_1450, %bitcast3A_1451 : vector<32xbf16>
        %unpack3A_1453 = tpu.unpack_subelements %mul3A_1452, 0 {pack_format = #tpu.pack_format<interleaved>} : vector<32xbf16> -> vector<16xf32>
        %unpack3A_1454 = tpu.unpack_subelements %mul3A_1452, 1 {pack_format = #tpu.pack_format<interleaved>} : vector<32xbf16> -> vector<16xf32>
        %add3A_1455 = arith.addf %add3A_1441, %unpack3A_1453 : vector<16xf32>
        %add3A_1456 = arith.addf %add3A_1455, %unpack3A_1454 : vector<16xf32>
        %get3A_1457 = arith.index_cast %rem3A_149 : i32 to index
        %get3A_1458 = arith.index_cast %add3A_1424 : i32 to index
        %get3A_1459 = arith.constant 32 : index
        %get3A_1460 = tpu.vector_load %arg7[%get3A_1457, %get3A_1458, %get3A_1459] {strides = array<i32>} : memref<8x80x64xi32, #tpu.memory_space<vmem>>, vector<16xi32>,
        %get3A_1461 = arith.index_cast %rem3A_149 : i32 to index
        %get3A_1462 = arith.index_cast %add3A_1424 : i32 to index
        %get3A_1463 = arith.constant 32 : index
        %get3A_1464 = tpu.vector_load %arg8[%get3A_1461, %get3A_1462, %get3A_1463] {strides = array<i32>} : memref<8x80x64xi32, #tpu.memory_space<vmem>>, vector<16xi32>,
        %bitcast3A_1465 = vector.bitcast %get3A_1460 : vector<16xi32> to vector<32xbf16>
        %bitcast3A_1466 = vector.bitcast %get3A_1464 : vector<16xi32> to vector<32xbf16>
        %mul3A_1467 = arith.mulf %bitcast3A_1465, %bitcast3A_1466 : vector<32xbf16>
        %unpack3A_1468 = tpu.unpack_subelements %mul3A_1467, 0 {pack_format = #tpu.pack_format<interleaved>} : vector<32xbf16> -> vector<16xf32>
        %unpack3A_1469 = tpu.unpack_subelements %mul3A_1467, 1 {pack_format = #tpu.pack_format<interleaved>} : vector<32xbf16> -> vector<16xf32>
        %add3A_1470 = arith.addf %add3A_1456, %unpack3A_1468 : vector<16xf32>
        %add3A_1471 = arith.addf %add3A_1470, %unpack3A_1469 : vector<16xf32>
        %get3A_1472 = arith.index_cast %rem3A_149 : i32 to index
        %get3A_1473 = arith.index_cast %add3A_1424 : i32 to index
        %get3A_1474 = arith.constant 48 : index
        %get3A_1475 = tpu.vector_load %arg7[%get3A_1472, %get3A_1473, %get3A_1474] {strides = array<i32>} : memref<8x80x64xi32, #tpu.memory_space<vmem>>, vector<16xi32>,
        %get3A_1476 = arith.index_cast %rem3A_149 : i32 to index
        %get3A_1477 = arith.index_cast %add3A_1424 : i32 to index
        %get3A_1478 = arith.constant 48 : index
        %get3A_1479 = tpu.vector_load %arg8[%get3A_1476, %get3A_1477, %get3A_1478] {strides = array<i32>} : memref<8x80x64xi32, #tpu.memory_space<vmem>>, vector<16xi32>,
        %bitcast3A_1480 = vector.bitcast %get3A_1475 : vector<16xi32> to vector<32xbf16>
        %bitcast3A_1481 = vector.bitcast %get3A_1479 : vector<16xi32> to vector<32xbf16>
        %mul3A_1482 = arith.mulf %bitcast3A_1480, %bitcast3A_1481 : vector<32xbf16>
        %unpack3A_1483 = tpu.unpack_subelements %mul3A_1482, 0 {pack_format = #tpu.pack_format<interleaved>} : vector<32xbf16> -> vector<16xf32>
        %unpack3A_1484 = tpu.unpack_subelements %mul3A_1482, 1 {pack_format = #tpu.pack_format<interleaved>} : vector<32xbf16> -> vector<16xf32>
        %add3A_1485 = arith.addf %add3A_1471, %unpack3A_1483 : vector<16xf32>
        %add3A_1486 = arith.addf %add3A_1485, %unpack3A_1484 : vector<16xf32>
        %xor3A_1487 = arith.constant 8 : i32
        %xor3A_1488 = vector.broadcast %xor3A_1487 : i32 to vector<16xi32>
        %xor3A_1489 = arith.xori %iota3A, %xor3A_1488 : vector<16xi32>
        %broadcast_in_dim3A_1490 = vector.shape_cast %xor3A_1489 : vector<16xi32> to vector<16x1xi32>
        %gather3A_1491 = vector.shape_cast %broadcast_in_dim3A_1490 : vector<16x1xi32> to vector<16xi32>
        %gather3A_1492 = tpu.dynamic_gather %add3A_1486[%gather3A_1491] in [0] : vector<16xf32>, vector<16xi32> -> vector<16xf32>
        %add3A_1493 = arith.addf %add3A_1486, %gather3A_1492 : vector<16xf32>
        %xor3A_1494 = arith.constant 4 : i32
        %xor3A_1495 = vector.broadcast %xor3A_1494 : i32 to vector<16xi32>
        %xor3A_1496 = arith.xori %iota3A, %xor3A_1495 : vector<16xi32>
        %broadcast_in_dim3A_1497 = vector.shape_cast %xor3A_1496 : vector<16xi32> to vector<16x1xi32>
        %gather3A_1498 = vector.shape_cast %broadcast_in_dim3A_1497 : vector<16x1xi32> to vector<16xi32>
        %gather3A_1499 = tpu.dynamic_gather %add3A_1493[%gather3A_1498] in [0] : vector<16xf32>, vector<16xi32> -> vector<16xf32>
        %add3A_1500 = arith.addf %add3A_1493, %gather3A_1499 : vector<16xf32>
        %xor3A_1501 = arith.constant 2 : i32
        %xor3A_1502 = vector.broadcast %xor3A_1501 : i32 to vector<16xi32>
        %xor3A_1503 = arith.xori %iota3A, %xor3A_1502 : vector<16xi32>
        %broadcast_in_dim3A_1504 = vector.shape_cast %xor3A_1503 : vector<16xi32> to vector<16x1xi32>
        %gather3A_1505 = vector.shape_cast %broadcast_in_dim3A_1504 : vector<16x1xi32> to vector<16xi32>
        %gather3A_1506 = tpu.dynamic_gather %add3A_1500[%gather3A_1505] in [0] : vector<16xf32>, vector<16xi32> -> vector<16xf32>
        %add3A_1507 = arith.addf %add3A_1500, %gather3A_1506 : vector<16xf32>
        %xor3A_1508 = arith.constant 1 : i32
        %xor3A_1509 = vector.broadcast %xor3A_1508 : i32 to vector<16xi32>
        %xor3A_1510 = arith.xori %iota3A, %xor3A_1509 : vector<16xi32>
        %broadcast_in_dim3A_1511 = vector.shape_cast %xor3A_1510 : vector<16xi32> to vector<16x1xi32>
        %gather3A_1512 = vector.shape_cast %broadcast_in_dim3A_1511 : vector<16x1xi32> to vector<16xi32>
        %gather3A_1513 = tpu.dynamic_gather %add3A_1507[%gather3A_1512] in [0] : vector<16xf32>, vector<16xi32> -> vector<16xf32>
        %add3A_1514 = arith.addf %add3A_1507, %gather3A_1513 : vector<16xf32>
        %eq3A_1515 = arith.constant 13 : i32
        %eq3A_1516 = vector.broadcast %eq3A_1515 : i32 to vector<16xi32>
        %eq3A_1517 = arith.cmpi eq, %iota3A, %eq3A_1516 : vector<16xi32>
        %select_n3A_1518 = arith.select %eq3A_1517, %add3A_1514, %select_n3A_1422 : vector<16xi1>, vector<16xf32>
        %add3A_1519 = arith.constant 14 : i32
        %add3A_1520 = arith.addi %mul3A_181, %add3A_1519 : i32
        %broadcast_in_dim3A_1521 = arith.constant 0.000000e+00 : f32
        %broadcast_in_dim3A_1522 = vector.broadcast %broadcast_in_dim3A_1521 : f32 to vector<16xf32>
        %get3A_1523 = arith.index_cast %rem3A_149 : i32 to index
        %get3A_1524 = arith.index_cast %add3A_1520 : i32 to index
        %get3A_1525 = arith.constant 0 : index
        %get3A_1526 = tpu.vector_load %arg7[%get3A_1523, %get3A_1524, %get3A_1525] {strides = array<i32>} : memref<8x80x64xi32, #tpu.memory_space<vmem>>, vector<16xi32>,
        %get3A_1527 = arith.index_cast %rem3A_149 : i32 to index
        %get3A_1528 = arith.index_cast %add3A_1520 : i32 to index
        %get3A_1529 = arith.constant 0 : index
        %get3A_1530 = tpu.vector_load %arg8[%get3A_1527, %get3A_1528, %get3A_1529] {strides = array<i32>} : memref<8x80x64xi32, #tpu.memory_space<vmem>>, vector<16xi32>,
        %bitcast3A_1531 = vector.bitcast %get3A_1526 : vector<16xi32> to vector<32xbf16>
        %bitcast3A_1532 = vector.bitcast %get3A_1530 : vector<16xi32> to vector<32xbf16>
        %mul3A_1533 = arith.mulf %bitcast3A_1531, %bitcast3A_1532 : vector<32xbf16>
        %unpack3A_1534 = tpu.unpack_subelements %mul3A_1533, 0 {pack_format = #tpu.pack_format<interleaved>} : vector<32xbf16> -> vector<16xf32>
        %unpack3A_1535 = tpu.unpack_subelements %mul3A_1533, 1 {pack_format = #tpu.pack_format<interleaved>} : vector<32xbf16> -> vector<16xf32>
        %add3A_1536 = arith.addf %broadcast_in_dim3A_1522, %unpack3A_1534 : vector<16xf32>
        %add3A_1537 = arith.addf %add3A_1536, %unpack3A_1535 : vector<16xf32>
        %get3A_1538 = arith.index_cast %rem3A_149 : i32 to index
        %get3A_1539 = arith.index_cast %add3A_1520 : i32 to index
        %get3A_1540 = arith.constant 16 : index
        %get3A_1541 = tpu.vector_load %arg7[%get3A_1538, %get3A_1539, %get3A_1540] {strides = array<i32>} : memref<8x80x64xi32, #tpu.memory_space<vmem>>, vector<16xi32>,
        %get3A_1542 = arith.index_cast %rem3A_149 : i32 to index
        %get3A_1543 = arith.index_cast %add3A_1520 : i32 to index
        %get3A_1544 = arith.constant 16 : index
        %get3A_1545 = tpu.vector_load %arg8[%get3A_1542, %get3A_1543, %get3A_1544] {strides = array<i32>} : memref<8x80x64xi32, #tpu.memory_space<vmem>>, vector<16xi32>,
        %bitcast3A_1546 = vector.bitcast %get3A_1541 : vector<16xi32> to vector<32xbf16>
        %bitcast3A_1547 = vector.bitcast %get3A_1545 : vector<16xi32> to vector<32xbf16>
        %mul3A_1548 = arith.mulf %bitcast3A_1546, %bitcast3A_1547 : vector<32xbf16>
        %unpack3A_1549 = tpu.unpack_subelements %mul3A_1548, 0 {pack_format = #tpu.pack_format<interleaved>} : vector<32xbf16> -> vector<16xf32>
        %unpack3A_1550 = tpu.unpack_subelements %mul3A_1548, 1 {pack_format = #tpu.pack_format<interleaved>} : vector<32xbf16> -> vector<16xf32>
        %add3A_1551 = arith.addf %add3A_1537, %unpack3A_1549 : vector<16xf32>
        %add3A_1552 = arith.addf %add3A_1551, %unpack3A_1550 : vector<16xf32>
        %get3A_1553 = arith.index_cast %rem3A_149 : i32 to index
        %get3A_1554 = arith.index_cast %add3A_1520 : i32 to index
        %get3A_1555 = arith.constant 32 : index
        %get3A_1556 = tpu.vector_load %arg7[%get3A_1553, %get3A_1554, %get3A_1555] {strides = array<i32>} : memref<8x80x64xi32, #tpu.memory_space<vmem>>, vector<16xi32>,
        %get3A_1557 = arith.index_cast %rem3A_149 : i32 to index
        %get3A_1558 = arith.index_cast %add3A_1520 : i32 to index
        %get3A_1559 = arith.constant 32 : index
        %get3A_1560 = tpu.vector_load %arg8[%get3A_1557, %get3A_1558, %get3A_1559] {strides = array<i32>} : memref<8x80x64xi32, #tpu.memory_space<vmem>>, vector<16xi32>,
        %bitcast3A_1561 = vector.bitcast %get3A_1556 : vector<16xi32> to vector<32xbf16>
        %bitcast3A_1562 = vector.bitcast %get3A_1560 : vector<16xi32> to vector<32xbf16>
        %mul3A_1563 = arith.mulf %bitcast3A_1561, %bitcast3A_1562 : vector<32xbf16>
        %unpack3A_1564 = tpu.unpack_subelements %mul3A_1563, 0 {pack_format = #tpu.pack_format<interleaved>} : vector<32xbf16> -> vector<16xf32>
        %unpack3A_1565 = tpu.unpack_subelements %mul3A_1563, 1 {pack_format = #tpu.pack_format<interleaved>} : vector<32xbf16> -> vector<16xf32>
        %add3A_1566 = arith.addf %add3A_1552, %unpack3A_1564 : vector<16xf32>
        %add3A_1567 = arith.addf %add3A_1566, %unpack3A_1565 : vector<16xf32>
        %get3A_1568 = arith.index_cast %rem3A_149 : i32 to index
        %get3A_1569 = arith.index_cast %add3A_1520 : i32 to index
        %get3A_1570 = arith.constant 48 : index
        %get3A_1571 = tpu.vector_load %arg7[%get3A_1568, %get3A_1569, %get3A_1570] {strides = array<i32>} : memref<8x80x64xi32, #tpu.memory_space<vmem>>, vector<16xi32>,
        %get3A_1572 = arith.index_cast %rem3A_149 : i32 to index
        %get3A_1573 = arith.index_cast %add3A_1520 : i32 to index
        %get3A_1574 = arith.constant 48 : index
        %get3A_1575 = tpu.vector_load %arg8[%get3A_1572, %get3A_1573, %get3A_1574] {strides = array<i32>} : memref<8x80x64xi32, #tpu.memory_space<vmem>>, vector<16xi32>,
        %bitcast3A_1576 = vector.bitcast %get3A_1571 : vector<16xi32> to vector<32xbf16>
        %bitcast3A_1577 = vector.bitcast %get3A_1575 : vector<16xi32> to vector<32xbf16>
        %mul3A_1578 = arith.mulf %bitcast3A_1576, %bitcast3A_1577 : vector<32xbf16>
        %unpack3A_1579 = tpu.unpack_subelements %mul3A_1578, 0 {pack_format = #tpu.pack_format<interleaved>} : vector<32xbf16> -> vector<16xf32>
        %unpack3A_1580 = tpu.unpack_subelements %mul3A_1578, 1 {pack_format = #tpu.pack_format<interleaved>} : vector<32xbf16> -> vector<16xf32>
        %add3A_1581 = arith.addf %add3A_1567, %unpack3A_1579 : vector<16xf32>
        %add3A_1582 = arith.addf %add3A_1581, %unpack3A_1580 : vector<16xf32>
        %xor3A_1583 = arith.constant 8 : i32
        %xor3A_1584 = vector.broadcast %xor3A_1583 : i32 to vector<16xi32>
        %xor3A_1585 = arith.xori %iota3A, %xor3A_1584 : vector<16xi32>
        %broadcast_in_dim3A_1586 = vector.shape_cast %xor3A_1585 : vector<16xi32> to vector<16x1xi32>
        %gather3A_1587 = vector.shape_cast %broadcast_in_dim3A_1586 : vector<16x1xi32> to vector<16xi32>
        %gather3A_1588 = tpu.dynamic_gather %add3A_1582[%gather3A_1587] in [0] : vector<16xf32>, vector<16xi32> -> vector<16xf32>
        %add3A_1589 = arith.addf %add3A_1582, %gather3A_1588 : vector<16xf32>
        %xor3A_1590 = arith.constant 4 : i32
        %xor3A_1591 = vector.broadcast %xor3A_1590 : i32 to vector<16xi32>
        %xor3A_1592 = arith.xori %iota3A, %xor3A_1591 : vector<16xi32>
        %broadcast_in_dim3A_1593 = vector.shape_cast %xor3A_1592 : vector<16xi32> to vector<16x1xi32>
        %gather3A_1594 = vector.shape_cast %broadcast_in_dim3A_1593 : vector<16x1xi32> to vector<16xi32>
        %gather3A_1595 = tpu.dynamic_gather %add3A_1589[%gather3A_1594] in [0] : vector<16xf32>, vector<16xi32> -> vector<16xf32>
        %add3A_1596 = arith.addf %add3A_1589, %gather3A_1595 : vector<16xf32>
        %xor3A_1597 = arith.constant 2 : i32
        %xor3A_1598 = vector.broadcast %xor3A_1597 : i32 to vector<16xi32>
        %xor3A_1599 = arith.xori %iota3A, %xor3A_1598 : vector<16xi32>
        %broadcast_in_dim3A_1600 = vector.shape_cast %xor3A_1599 : vector<16xi32> to vector<16x1xi32>
        %gather3A_1601 = vector.shape_cast %broadcast_in_dim3A_1600 : vector<16x1xi32> to vector<16xi32>
        %gather3A_1602 = tpu.dynamic_gather %add3A_1596[%gather3A_1601] in [0] : vector<16xf32>, vector<16xi32> -> vector<16xf32>
        %add3A_1603 = arith.addf %add3A_1596, %gather3A_1602 : vector<16xf32>
        %xor3A_1604 = arith.constant 1 : i32
        %xor3A_1605 = vector.broadcast %xor3A_1604 : i32 to vector<16xi32>
        %xor3A_1606 = arith.xori %iota3A, %xor3A_1605 : vector<16xi32>
        %broadcast_in_dim3A_1607 = vector.shape_cast %xor3A_1606 : vector<16xi32> to vector<16x1xi32>
        %gather3A_1608 = vector.shape_cast %broadcast_in_dim3A_1607 : vector<16x1xi32> to vector<16xi32>
        %gather3A_1609 = tpu.dynamic_gather %add3A_1603[%gather3A_1608] in [0] : vector<16xf32>, vector<16xi32> -> vector<16xf32>
        %add3A_1610 = arith.addf %add3A_1603, %gather3A_1609 : vector<16xf32>
        %eq3A_1611 = arith.constant 14 : i32
        %eq3A_1612 = vector.broadcast %eq3A_1611 : i32 to vector<16xi32>
        %eq3A_1613 = arith.cmpi eq, %iota3A, %eq3A_1612 : vector<16xi32>
        %select_n3A_1614 = arith.select %eq3A_1613, %add3A_1610, %select_n3A_1518 : vector<16xi1>, vector<16xf32>
        %add3A_1615 = arith.constant 15 : i32
        %add3A_1616 = arith.addi %mul3A_181, %add3A_1615 : i32
        %broadcast_in_dim3A_1617 = arith.constant 0.000000e+00 : f32
        %broadcast_in_dim3A_1618 = vector.broadcast %broadcast_in_dim3A_1617 : f32 to vector<16xf32>
        %get3A_1619 = arith.index_cast %rem3A_149 : i32 to index
        %get3A_1620 = arith.index_cast %add3A_1616 : i32 to index
        %get3A_1621 = arith.constant 0 : index
        %get3A_1622 = tpu.vector_load %arg7[%get3A_1619, %get3A_1620, %get3A_1621] {strides = array<i32>} : memref<8x80x64xi32, #tpu.memory_space<vmem>>, vector<16xi32>,
        %get3A_1623 = arith.index_cast %rem3A_149 : i32 to index
        %get3A_1624 = arith.index_cast %add3A_1616 : i32 to index
        %get3A_1625 = arith.constant 0 : index
        %get3A_1626 = tpu.vector_load %arg8[%get3A_1623, %get3A_1624, %get3A_1625] {strides = array<i32>} : memref<8x80x64xi32, #tpu.memory_space<vmem>>, vector<16xi32>,
        %bitcast3A_1627 = vector.bitcast %get3A_1622 : vector<16xi32> to vector<32xbf16>
        %bitcast3A_1628 = vector.bitcast %get3A_1626 : vector<16xi32> to vector<32xbf16>
        %mul3A_1629 = arith.mulf %bitcast3A_1627, %bitcast3A_1628 : vector<32xbf16>
        %unpack3A_1630 = tpu.unpack_subelements %mul3A_1629, 0 {pack_format = #tpu.pack_format<interleaved>} : vector<32xbf16> -> vector<16xf32>
        %unpack3A_1631 = tpu.unpack_subelements %mul3A_1629, 1 {pack_format = #tpu.pack_format<interleaved>} : vector<32xbf16> -> vector<16xf32>
        %add3A_1632 = arith.addf %broadcast_in_dim3A_1618, %unpack3A_1630 : vector<16xf32>
        %add3A_1633 = arith.addf %add3A_1632, %unpack3A_1631 : vector<16xf32>
        %get3A_1634 = arith.index_cast %rem3A_149 : i32 to index
        %get3A_1635 = arith.index_cast %add3A_1616 : i32 to index
        %get3A_1636 = arith.constant 16 : index
        %get3A_1637 = tpu.vector_load %arg7[%get3A_1634, %get3A_1635, %get3A_1636] {strides = array<i32>} : memref<8x80x64xi32, #tpu.memory_space<vmem>>, vector<16xi32>,
        %get3A_1638 = arith.index_cast %rem3A_149 : i32 to index
        %get3A_1639 = arith.index_cast %add3A_1616 : i32 to index
        %get3A_1640 = arith.constant 16 : index
        %get3A_1641 = tpu.vector_load %arg8[%get3A_1638, %get3A_1639, %get3A_1640] {strides = array<i32>} : memref<8x80x64xi32, #tpu.memory_space<vmem>>, vector<16xi32>,
        %bitcast3A_1642 = vector.bitcast %get3A_1637 : vector<16xi32> to vector<32xbf16>
        %bitcast3A_1643 = vector.bitcast %get3A_1641 : vector<16xi32> to vector<32xbf16>
        %mul3A_1644 = arith.mulf %bitcast3A_1642, %bitcast3A_1643 : vector<32xbf16>
        %unpack3A_1645 = tpu.unpack_subelements %mul3A_1644, 0 {pack_format = #tpu.pack_format<interleaved>} : vector<32xbf16> -> vector<16xf32>
        %unpack3A_1646 = tpu.unpack_subelements %mul3A_1644, 1 {pack_format = #tpu.pack_format<interleaved>} : vector<32xbf16> -> vector<16xf32>
        %add3A_1647 = arith.addf %add3A_1633, %unpack3A_1645 : vector<16xf32>
        %add3A_1648 = arith.addf %add3A_1647, %unpack3A_1646 : vector<16xf32>
        %get3A_1649 = arith.index_cast %rem3A_149 : i32 to index
        %get3A_1650 = arith.index_cast %add3A_1616 : i32 to index
        %get3A_1651 = arith.constant 32 : index
        %get3A_1652 = tpu.vector_load %arg7[%get3A_1649, %get3A_1650, %get3A_1651] {strides = array<i32>} : memref<8x80x64xi32, #tpu.memory_space<vmem>>, vector<16xi32>,
        %get3A_1653 = arith.index_cast %rem3A_149 : i32 to index
        %get3A_1654 = arith.index_cast %add3A_1616 : i32 to index
        %get3A_1655 = arith.constant 32 : index
        %get3A_1656 = tpu.vector_load %arg8[%get3A_1653, %get3A_1654, %get3A_1655] {strides = array<i32>} : memref<8x80x64xi32, #tpu.memory_space<vmem>>, vector<16xi32>,
        %bitcast3A_1657 = vector.bitcast %get3A_1652 : vector<16xi32> to vector<32xbf16>
        %bitcast3A_1658 = vector.bitcast %get3A_1656 : vector<16xi32> to vector<32xbf16>
        %mul3A_1659 = arith.mulf %bitcast3A_1657, %bitcast3A_1658 : vector<32xbf16>
        %unpack3A_1660 = tpu.unpack_subelements %mul3A_1659, 0 {pack_format = #tpu.pack_format<interleaved>} : vector<32xbf16> -> vector<16xf32>
        %unpack3A_1661 = tpu.unpack_subelements %mul3A_1659, 1 {pack_format = #tpu.pack_format<interleaved>} : vector<32xbf16> -> vector<16xf32>
        %add3A_1662 = arith.addf %add3A_1648, %unpack3A_1660 : vector<16xf32>
        %add3A_1663 = arith.addf %add3A_1662, %unpack3A_1661 : vector<16xf32>
        %get3A_1664 = arith.index_cast %rem3A_149 : i32 to index
        %get3A_1665 = arith.index_cast %add3A_1616 : i32 to index
        %get3A_1666 = arith.constant 48 : index
        %get3A_1667 = tpu.vector_load %arg7[%get3A_1664, %get3A_1665, %get3A_1666] {strides = array<i32>} : memref<8x80x64xi32, #tpu.memory_space<vmem>>, vector<16xi32>,
        %get3A_1668 = arith.index_cast %rem3A_149 : i32 to index
        %get3A_1669 = arith.index_cast %add3A_1616 : i32 to index
        %get3A_1670 = arith.constant 48 : index
        %get3A_1671 = tpu.vector_load %arg8[%get3A_1668, %get3A_1669, %get3A_1670] {strides = array<i32>} : memref<8x80x64xi32, #tpu.memory_space<vmem>>, vector<16xi32>,
        %bitcast3A_1672 = vector.bitcast %get3A_1667 : vector<16xi32> to vector<32xbf16>
        %bitcast3A_1673 = vector.bitcast %get3A_1671 : vector<16xi32> to vector<32xbf16>
        %mul3A_1674 = arith.mulf %bitcast3A_1672, %bitcast3A_1673 : vector<32xbf16>
        %unpack3A_1675 = tpu.unpack_subelements %mul3A_1674, 0 {pack_format = #tpu.pack_format<interleaved>} : vector<32xbf16> -> vector<16xf32>
        %unpack3A_1676 = tpu.unpack_subelements %mul3A_1674, 1 {pack_format = #tpu.pack_format<interleaved>} : vector<32xbf16> -> vector<16xf32>
        %add3A_1677 = arith.addf %add3A_1663, %unpack3A_1675 : vector<16xf32>
        %add3A_1678 = arith.addf %add3A_1677, %unpack3A_1676 : vector<16xf32>
        %xor3A_1679 = arith.constant 8 : i32
        %xor3A_1680 = vector.broadcast %xor3A_1679 : i32 to vector<16xi32>
        %xor3A_1681 = arith.xori %iota3A, %xor3A_1680 : vector<16xi32>
        %broadcast_in_dim3A_1682 = vector.shape_cast %xor3A_1681 : vector<16xi32> to vector<16x1xi32>
        %gather3A_1683 = vector.shape_cast %broadcast_in_dim3A_1682 : vector<16x1xi32> to vector<16xi32>
        %gather3A_1684 = tpu.dynamic_gather %add3A_1678[%gather3A_1683] in [0] : vector<16xf32>, vector<16xi32> -> vector<16xf32>
        %add3A_1685 = arith.addf %add3A_1678, %gather3A_1684 : vector<16xf32>
        %xor3A_1686 = arith.constant 4 : i32
        %xor3A_1687 = vector.broadcast %xor3A_1686 : i32 to vector<16xi32>
        %xor3A_1688 = arith.xori %iota3A, %xor3A_1687 : vector<16xi32>
        %broadcast_in_dim3A_1689 = vector.shape_cast %xor3A_1688 : vector<16xi32> to vector<16x1xi32>
        %gather3A_1690 = vector.shape_cast %broadcast_in_dim3A_1689 : vector<16x1xi32> to vector<16xi32>
        %gather3A_1691 = tpu.dynamic_gather %add3A_1685[%gather3A_1690] in [0] : vector<16xf32>, vector<16xi32> -> vector<16xf32>
        %add3A_1692 = arith.addf %add3A_1685, %gather3A_1691 : vector<16xf32>
        %xor3A_1693 = arith.constant 2 : i32
        %xor3A_1694 = vector.broadcast %xor3A_1693 : i32 to vector<16xi32>
        %xor3A_1695 = arith.xori %iota3A, %xor3A_1694 : vector<16xi32>
        %broadcast_in_dim3A_1696 = vector.shape_cast %xor3A_1695 : vector<16xi32> to vector<16x1xi32>
        %gather3A_1697 = vector.shape_cast %broadcast_in_dim3A_1696 : vector<16x1xi32> to vector<16xi32>
        %gather3A_1698 = tpu.dynamic_gather %add3A_1692[%gather3A_1697] in [0] : vector<16xf32>, vector<16xi32> -> vector<16xf32>
        %add3A_1699 = arith.addf %add3A_1692, %gather3A_1698 : vector<16xf32>
        %xor3A_1700 = arith.constant 1 : i32
        %xor3A_1701 = vector.broadcast %xor3A_1700 : i32 to vector<16xi32>
        %xor3A_1702 = arith.xori %iota3A, %xor3A_1701 : vector<16xi32>
        %broadcast_in_dim3A_1703 = vector.shape_cast %xor3A_1702 : vector<16xi32> to vector<16x1xi32>
        %gather3A_1704 = vector.shape_cast %broadcast_in_dim3A_1703 : vector<16x1xi32> to vector<16xi32>
        %gather3A_1705 = tpu.dynamic_gather %add3A_1699[%gather3A_1704] in [0] : vector<16xf32>, vector<16xi32> -> vector<16xf32>
        %add3A_1706 = arith.addf %add3A_1699, %gather3A_1705 : vector<16xf32>
        %eq3A_1707 = arith.constant 15 : i32
        %eq3A_1708 = vector.broadcast %eq3A_1707 : i32 to vector<16xi32>
        %eq3A_1709 = arith.cmpi eq, %iota3A, %eq3A_1708 : vector<16xi32>
        %select_n3A_1710 = arith.select %eq3A_1709, %add3A_1706, %select_n3A_1614 : vector<16xi1>, vector<16xf32>
        %mul3A_1711 = arith.constant 80 : i32
        %mul3A_1712 = arith.muli %scan3A_148, %mul3A_1711 : i32
        %add3A_1713 = arith.addi %mul3A_1712, %mul3A_181 : i32
        %swap3A = arith.index_cast %add3A_1713 : i32 to index
        %swap3A_1714 = tpu.vector_load %arg9[%swap3A] {strides = array<i32>} : memref<10000xf32, #tpu.memory_space<vmem>>, vector<16xf32>,
        tpu.vector_store %arg9[%swap3A], %select_n3A_1710 {strides = array<i32>} : memref<10000xf32, #tpu.memory_space<vmem>>, vector<16xf32>,
      }
      %scan3A_177 = arith.constant 5 : i32
    }
    %scan3A_147 = arith.constant 125 : i32
    "tpu.region"() ({
      %run_scoped3A_148 = tpu.sem_alloc : memref<!tpu.dma_semaphore, #tpu.memory_space<semaphore_mem>>
      %dma_start3A_149 = tpu.memref_slice %arg4[%mul3A_2] : memref<320000xf32, #tpu.memory_space<hbm>> -> memref<10000xf32, #tpu.memory_space<hbm>>
      %dma_start3A_150 = tpu.memref_slice %arg4[%mul3A_2] : memref<320000xf32, #tpu.memory_space<hbm>> -> memref<10000xf32, #tpu.memory_space<hbm>>
      tpu.enqueue_dma source(%arg9 : memref<10000xf32, #tpu.memory_space<vmem>>) target(%dma_start3A_150 : memref<10000xf32, #tpu.memory_space<hbm>>) target_semaphore(%run_scoped3A_148 : memref<!tpu.dma_semaphore, #tpu.memory_space<semaphore_mem>>)
      %dma_wait3A = tpu.memref_slice %arg4[%mul3A_2] : memref<320000xf32, #tpu.memory_space<hbm>> -> memref<10000xf32, #tpu.memory_space<hbm>>
      %dma_wait3A_151 = tpu.memref_slice %arg4[%mul3A_2] : memref<320000xf32, #tpu.memory_space<hbm>> -> memref<10000xf32, #tpu.memory_space<hbm>>
      tpu.wait_dma2 semaphore(%run_scoped3A_148 : memref<!tpu.dma_semaphore, #tpu.memory_space<semaphore_mem>>) src(%arg9 : memref<10000xf32, #tpu.memory_space<vmem>>) dst(%dma_wait3A_151 : memref<10000xf32, #tpu.memory_space<hbm>>)
      tpu.yield
    }) : () -> ()
    return
  }
}

module attributes {stable_mosaic.version = 14 : i64} {
  func.func @_prescale_body(%arg0: i32, %arg1: memref<2000x128xf32, #tpu.memory_space<vmem>>, %arg2: memref<2000x1xf32, #tpu.memory_space<vmem>>, %arg3: memref<1000x128xi32, #tpu.memory_space<vmem>>) attributes {dimension_semantics = [#tpu.dimension_semantics<arbitrary>], iteration_bounds = array<i64: 5>, scalar_prefetch = 0 : i64, scratch_operands = 0 : i64, tpu.core_type = #tpu.core_type<tc>, window_params = [{transform_indices = @transform_0, window_bounds = array<i64: 2000, 128>}, {transform_indices = @transform_1, window_bounds = array<i64: 2000, 1>}, {transform_indices = @transform_2, window_bounds = array<i64: 1000, 128>}]} {
    %get3A = arith.constant 0 : index
    %get3A_0 = arith.constant 0 : index
    %get3A_1 = vector.load %arg1[%get3A, %get3A_0] : memref<2000x128xf32, #tpu.memory_space<vmem>>, vector<2000x128xf32>
    %get3A_2 = arith.constant 0 : index
    %get3A_3 = arith.constant 0 : index
    %get3A_4 = vector.load %arg2[%get3A_2, %get3A_3] : memref<2000x1xf32, #tpu.memory_space<vmem>>, vector<2000x1xf32>
    %div3A = arith.constant 1.000000e+00 : f32
    %div3A_5 = vector.broadcast %div3A : f32 to vector<2000x1xf32>
    %div3A_6 = arith.divf %div3A_5, %get3A_4 : vector<2000x1xf32>
    %mul3A = vector.broadcast %div3A_6 : vector<2000x1xf32> to vector<2000x128xf32>
    %mul3A_7 = arith.mulf %get3A_1, %mul3A : vector<2000x128xf32>
    %convert_element_type3A = arith.truncf %mul3A_7 : vector<2000x128xf32> to vector<2000x128xbf16>
    %reshape3A = vector.shape_cast %convert_element_type3A : vector<2000x128xbf16> to vector<1000x2x128xbf16>
    %slice3A = vector.extract_strided_slice %reshape3A {offsets = [0, 0, 0], sizes = [1000, 1, 128], strides = [1, 1, 1]} : vector<1000x2x128xbf16> to vector<1000x1x128xbf16>
    %squeeze3A = vector.shape_cast %slice3A : vector<1000x1x128xbf16> to vector<1000x128xbf16>
    %slice3A_8 = vector.extract_strided_slice %reshape3A {offsets = [0, 1, 0], sizes = [1000, 1, 128], strides = [1, 1, 1]} : vector<1000x2x128xbf16> to vector<1000x1x128xbf16>
    %squeeze3A_9 = vector.shape_cast %slice3A_8 : vector<1000x1x128xbf16> to vector<1000x128xbf16>
    %slice3A_10 = vector.extract_strided_slice %squeeze3A {offsets = [0, 0], sizes = [1000, 64], strides = [1, 1]} : vector<1000x128xbf16> to vector<1000x64xbf16>
    %bitcast_convert_type3A = tpu.bitcast %slice3A_10 : vector<1000x64xbf16> -> vector<1000x64xi16>
    %convert_element_type3A_11 = arith.extui %bitcast_convert_type3A : vector<1000x64xi16> to vector<1000x64xi32>
    %slice3A_12 = vector.extract_strided_slice %squeeze3A {offsets = [0, 64], sizes = [1000, 64], strides = [1, 1]} : vector<1000x128xbf16> to vector<1000x64xbf16>
    %bitcast_convert_type3A_13 = tpu.bitcast %slice3A_12 : vector<1000x64xbf16> -> vector<1000x64xi16>
    %convert_element_type3A_14 = arith.extui %bitcast_convert_type3A_13 : vector<1000x64xi16> to vector<1000x64xi32>
    %shift_left3A = arith.constant 16 : i32
    %shift_left3A_15 = vector.broadcast %shift_left3A : i32 to vector<1000x64xi32>
    %shift_left3A_16 = arith.shli %convert_element_type3A_14, %shift_left3A_15 : vector<1000x64xi32>
    %or3A = arith.ori %convert_element_type3A_11, %shift_left3A_16 : vector<1000x64xi32>
    %bitcast_convert_type3A_17 = tpu.bitcast %or3A : vector<1000x64xi32> -> vector<1000x64xi32>
    %slice3A_18 = vector.extract_strided_slice %squeeze3A_9 {offsets = [0, 0], sizes = [1000, 64], strides = [1, 1]} : vector<1000x128xbf16> to vector<1000x64xbf16>
    %bitcast_convert_type3A_19 = tpu.bitcast %slice3A_18 : vector<1000x64xbf16> -> vector<1000x64xi16>
    %convert_element_type3A_20 = arith.extui %bitcast_convert_type3A_19 : vector<1000x64xi16> to vector<1000x64xi32>
    %slice3A_21 = vector.extract_strided_slice %squeeze3A_9 {offsets = [0, 64], sizes = [1000, 64], strides = [1, 1]} : vector<1000x128xbf16> to vector<1000x64xbf16>
    %bitcast_convert_type3A_22 = tpu.bitcast %slice3A_21 : vector<1000x64xbf16> -> vector<1000x64xi16>
    %convert_element_type3A_23 = arith.extui %bitcast_convert_type3A_22 : vector<1000x64xi16> to vector<1000x64xi32>
    %shift_left3A_24 = arith.constant 16 : i32
    %shift_left3A_25 = vector.broadcast %shift_left3A_24 : i32 to vector<1000x64xi32>
    %shift_left3A_26 = arith.shli %convert_element_type3A_23, %shift_left3A_25 : vector<1000x64xi32>
    %or3A_27 = arith.ori %convert_element_type3A_20, %shift_left3A_26 : vector<1000x64xi32>
    %bitcast_convert_type3A_28 = tpu.bitcast %or3A_27 : vector<1000x64xi32> -> vector<1000x64xi32>
    %concatenate3A = tpu.concatenate %bitcast_convert_type3A_17, %bitcast_convert_type3A_28 in 1 : vector<1000x64xi32>, vector<1000x64xi32> -> vector<1000x128xi32>
    %swap3A = arith.constant 0 : index
    %swap3A_29 = arith.constant 0 : index
    %swap3A_30 = vector.load %arg3[%swap3A, %swap3A_29] : memref<1000x128xi32, #tpu.memory_space<vmem>>, vector<1000x128xi32>
    tpu.vector_store %arg3[%swap3A, %swap3A_29], %concatenate3A {strides = array<i32>} : memref<1000x128xi32, #tpu.memory_space<vmem>>, vector<1000x128xi32>,
    return
  }
  func.func @transform_0(%arg0: i32) -> (i32, i32) {
    %c0_i32 = arith.constant 0 : i32
    %c0_i32_0 = arith.constant 0 : i32
    return %arg0, %c0_i32 : i32, i32
  }
  func.func @transform_1(%arg0: i32) -> (i32, i32) {
    %c0_i32 = arith.constant 0 : i32
    %c0_i32_0 = arith.constant 0 : i32
    return %arg0, %c0_i32 : i32, i32
  }
  func.func @transform_2(%arg0: i32) -> (i32, i32) {
    %c0_i32 = arith.constant 0 : i32
    %c0_i32_0 = arith.constant 0 : i32
    return %arg0, %c0_i32 : i32, i32
  }
}

</mosaic_0001>

<sc_bundles>
// kernel: kernel.4.cloned.1.call-start
scs
__scs_entry_jumppad:
0x0: {  	(pc) =	sbr.rel $0x88, $3  }
0x1: {  	(tag) =	ssettag $0x0;
	lr =	simm.s32 $0x1  }
0x2: {  	[smem:$0x3F9E] =	sst lr;
	_ =	strace $0xD0000000  }
0x3: {  	_ = 	snop  }
0x4: {  	_ = 	snop  }
0x5: {  	_ = 	snop  }
0x6: {  	_ = 	snop  }
0x7: {  	_ = 	snop  }
__scs_overlays_trampoline_lowered:
0x8: {  	[smem:$0x3FAD] =	sst s0  }
0x9: {  	[smem:$0x3FAE] =	sst s1  }
0xa: {  	[smem:$0x3FAF] =	sst s2  }
0xb: {  	[smem:$0x3FB0] =	sst s3  }
0xc: {  	[smem:$0x3FB1] =	sst s4  }
0xd: {  	[smem:$0x3FB2] =	sst s5  }
0xe: {  	[smem:$0x3FB3] =	sst s6  }
0xf: {  	[smem:$0x3FB4] =	sst s7  }
0x10: {  	[smem:$0x3FB5] =	sst s8  }
0x11: {  	[smem:$0x3FB6] =	sst s9;
	s0 =	simm.s32 @!p0 $0x0  }
0x12: {  	s1 =	sld [smem:$0x3F9C];
	s0 =	simm.s32 @p0 $0x1  }
0x13: {  	[smem:$0x3FB7] =	sst s0;
	s0 =	simm.s32 @!p1 $0x0  }
0x14: {  	s2 =	sld [smem:$0x3F9B];
	s0 =	simm.s32 @p1 $0x1  }
0x15: {  	[smem:$0x3FB8] =	sst s0;
	s0 =	simm.s32 @!p2 $0x0  }
0x16: {  	s3 =	sld [smem:$0x3FDB];
	s0 =	simm.s32 @p2 $0x1  }
0x17: {  	s4 =	simm.s32 $0x1BF5;
	[smem:$0x3FBA] =	sst s0  }
0x18: {  	s0 =	sld [smem:$0x3F9D];
	_ =	swait.ge [sflag:s4], $0x0  }
0x19: {  	s7 =	sld [smem:$0x3F9E]  }
0x1a: {  	s8 =	sadd.s32 $0xFFFFE003, lr  }
0x1b: {  	s9 =	sadd.s32 $0xFFFFFEF7, lr;
	s5 =	simm.s32 $0xFFFFFFFF;
	p2 =	slt.u32 s8, $0xFFFFF086  }
0x1c: {  	p1 =	slt.u32 s9, $0xF7A;
	s5 =	simm.s32 @!p2 $0x0  }
0x1d: {  	s5 =	simm.s32 @p1 $0x1;
	p0 =	seq.s32 s7, s2  }
0x1e: {  	s7 =	smul.u32 @!p0 $0xF7A, s2;
	p2 =	seq.s32 @!p0 s5, $0x0  }
0x1f: {  	s9 =	smul.u32 $0xF7A, s1;
	s8 =	simm.s32 @!p0 $0x1BF5;
	p2 =	por !p2, p0  }
0x20: {  	[sflag:s8] =	ssyncset.s32 @!p0 $0xFFFFF086;
	s6 =	sadd.s32 @!p0 s3, s7;
	s7 =	simm.s32 @!p0 $0x108  }
0x21: {  	s3 =	sadd.s32 s3, s9;
	s6 =	sadd.s32 @!p0 $0x88, s6;
	s7 =	simm.s32 @p2 $0x1082  }
0x22: {  	[simem:s7], [sflag:s8] =	dma.local @!p0 [hbm:s6], $0xF7A  }
0x23: {  	s9 =	sor.u32 $0xD0000000, s2;
	s6 =	simm.s32 $0x108;
	_ =	swait.ge @!p0 [sflag:s8], $0x0  }
0x24: {  	s3 =	sadd.s32 $0x88, s3;
	s6 =	simm.s32 @!p1 $0x1082;
	[sflag:s4] =	ssyncset.s32 $0xFFFFF086  }
0x25: {  	[simem:s6], [sflag:s4] =	dma.local [hbm:s3], $0xF7A  }
0x26: {  	[smem:$0x3F9E] =	sst s1;
	(tag) =	ssettag s2;
	_ =	strace s9  }
0x27: {  	s1 =	sld [smem:$0x3FAE]  }
0x28: {  	s2 =	sld [smem:$0x3FAF]  }
0x29: {  	s4 =	sld [smem:$0x3FB1]  }
0x2a: {  	p0 =	seq.s32 s5, $0x0;
	s5 =	sld [smem:$0x3FB2]  }
0x2b: {  	s6 =	sld [smem:$0x3FB3]  }
0x2c: {  	s7 =	sld [smem:$0x3FB4]  }
0x2d: {  	s3 =	simm.s32 $0x108;
	s8 =	sld [smem:$0x3FB5]  }
0x2e: {  	s3 =	simm.s32 @!p0 $0x1082;
	s9 =	sld [smem:$0x3FB6]  }
0x2f: {  	lr =	sadd.s32 s0, s3;
	s0 =	sld [smem:$0x3FAD]  }
0x30: {  	s3 =	sld [smem:$0x3FB0]  }
0x31: {  	[smem:$0x3FB9] =	sst s10  }
0x32: {  	s10 =	sld [smem:$0x3FB7];
	_ =	sdelay $0x3  }
0x33: {  	p0 =	seq.s32 s10, $0x1;
	s10 =	sld [smem:$0x3FB9];
	_ =	sdelay $0x3  }
0x34: {  	[smem:$0x3FB9] =	sst s10  }
0x35: {  	s10 =	sld [smem:$0x3FB8];
	_ =	sdelay $0x3  }
0x36: {  	p1 =	seq.s32 s10, $0x1;
	s10 =	sld [smem:$0x3FB9];
	_ =	sdelay $0x3  }
0x37: {  	[smem:$0x3FB9] =	sst s10  }
0x38: {  	s10 =	sld [smem:$0x3FBA]  }
0x39: {  	_ = 	snop;
	(pc) =	sbr.ind lr, $3  }
0x3a: {  	_ = 	snop  }
0x3b: {  	_ = 	snop  }
0x3c: {  	p2 =	seq.s32 s10, $0x1;
	s10 =	sld [smem:$0x3FB9]  }
0x3d: {  	_ =	shalt  }
0x3e: {  	_ =	shalt  }
0x3f: {  	_ =	shalt  }
0x40: {  	_ =	shalt  }
0x41: {  	_ =	shalt  }
0x42: {  	_ =	shalt  }
0x43: {  	_ =	shalt  }
0x44: {  	_ =	shalt  }
0x45: {  	_ =	shalt  }
0x46: {  	_ =	shalt  }
0x47: {  	_ =	shalt  }
0x48: {  	_ =	shalt  }
0x49: {  	_ =	shalt  }
0x4a: {  	_ =	shalt  }
0x4b: {  	_ =	shalt  }
0x4c: {  	_ =	shalt  }
0x4d: {  	_ =	shalt  }
0x4e: {  	_ =	shalt  }
0x4f: {  	_ =	shalt  }
0x50: {  	_ =	shalt  }
0x51: {  	_ =	shalt  }
0x52: {  	_ =	shalt  }
0x53: {  	_ =	shalt  }
0x54: {  	_ =	shalt  }
0x55: {  	_ =	shalt  }
0x56: {  	_ =	shalt  }
0x57: {  	_ =	shalt  }
0x58: {  	_ =	shalt  }
0x59: {  	_ =	shalt  }
0x5a: {  	_ =	shalt  }
0x5b: {  	_ =	shalt  }
0x5c: {  	_ =	shalt  }
0x5d: {  	_ =	shalt  }
0x5e: {  	_ =	shalt  }
0x5f: {  	_ =	shalt  }
0x60: {  	_ =	shalt  }
0x61: {  	_ =	shalt  }
0x62: {  	_ =	shalt  }
0x63: {  	_ =	shalt  }
0x64: {  	_ =	shalt  }
0x65: {  	_ =	shalt  }
0x66: {  	_ =	shalt  }
0x67: {  	_ =	shalt  }
0x68: {  	_ =	shalt  }
0x69: {  	_ =	shalt  }
0x6a: {  	_ =	shalt  }
0x6b: {  	_ =	shalt  }
0x6c: {  	_ =	shalt  }
0x6d: {  	_ =	shalt  }
0x6e: {  	_ =	shalt  }
0x6f: {  	_ =	shalt  }
0x70: {  	_ =	shalt  }
0x71: {  	_ =	shalt  }
0x72: {  	_ =	shalt  }
0x73: {  	_ =	shalt  }
0x74: {  	_ =	shalt  }
0x75: {  	_ =	shalt  }
0x76: {  	_ =	shalt  }
0x77: {  	_ =	shalt  }
0x78: {  	_ =	shalt  }
0x79: {  	_ =	shalt  }
0x7a: {  	_ =	shalt  }
0x7b: {  	_ =	shalt  }
0x7c: {  	_ =	shalt  }
0x7d: {  	_ =	shalt  }
0x7e: {  	_ =	shalt  }
0x7f: {  	_ =	shalt  }
0x80: {  	_ =	shalt  }
0x81: {  	_ =	shalt  }
0x82: {  	_ =	shalt  }
0x83: {  	_ =	shalt  }
0x84: {  	_ =	shalt  }
0x85: {  	_ =	shalt  }
0x86: {  	_ =	shalt  }
0x87: {  	_ =	shalt  }
.Lfunc_end0:
.L_simem_size_0:
called_computation_lowered:
.L_overlay_start_0:
0x88: {  	s2 =	sld [smem:$0x3FD9]  }
0x89: {  	s3 =	sld [smem:$0x3FFE];
	_ =	sdelay $0x1  }
0x8a: {  	s1 =	srdreg.scid  }
0x8b: {  	s0 =	sand.u32 $0x1, s1  }
0x8c: {  	s17 =	sshll.u32 s0, $0xA;
	s2 =	sadd.s32 s3, s2  }
0x8d: {  	s2 =	sadd.s32 s2, s17  }
0x8e: {  	[smem:$0x3FC5] =	sst s2  }
0x8f: {  	_ = 	snop  }
0x90: {  	s2 =	sld [smem:$0x3FD0];
	(tm) =	ssettm $0x1  }
0x91: {  	s18 =	sld [smem:$0x3FFB];
	_ =	sdelay $0x3  }
0x92: {  	_ =	strace s18  }
0x93: {  	s3 =	sld [smem:$0x3FFC];
	_ =	sdelay $0x3  }
0x94: {  	_ =	strace s3  }
0x95: {  	s3 =	sld [smem:$0x3FFD];
	_ =	sdelay $0x3  }
0x96: {  	_ =	strace s3  }
0x97: {  	_ =	strace $0x8FFFFFFF  }
0x98: {  	s19 =	sld [smem:$0x3FDB];
	_ =	sdelay $0x1  }
0x99: {  	s4 =	simm.s32 $_scs_section_size  }
0x9a: {  	s5 =	simm.s32 $_size__tile_overlayer_lowered;
	s6 =	simm.s32 $_tile_overlayer_lowered  }
0x9b: {  	s22 =	simm.s32 $0x1BFF;
	s21 =	sshll.u32 s6, $0x1;
	s3 =	sadd.s32 s4, s19  }
0x9c: {  	s7 =	simm.s32 $0x0;
	s20 =	sshll.u32 s5, $0x1;
	s5 =	sadd.s32 s21, s3  }
0x9d: {  	[timem:s7], [sflag:s22] =	dma.local [hbm:s5], s20  }
0x9e: {  	_ =	swait.ge [sflag:s22], s20  }
0x9f: {  	s4 =	ssub.s32 $0x0, s20;
	[sflag:s22] =	ssyncset.done $0x0  }
0xa0: {  	[sflag:s22] =	ssyncadd.s32 s4;
	_ =	sdelay $0x1  }
0xa1: {  	s23 =	simm.s32 $0x1B8B  }
0xa2: {  	_ =	swait.ge [sflag:s23], $0x1  }
0xa3: {  	[sflag:s23] =	ssyncset.done $0x0  }
0xa4: {  	s25 =	simm.s32 $0x1B8E;
	s24 =	sld [smem:$0x3FFE];
	[sflag:s23] =	ssyncadd.s32 $0xFFFFFFFF  }
0xa5: {  	s26 =	simm.s32 $execute0_lowered;
	[smem:$0x3FD2] =	sst s25  }
0xa6: {  	s5 =	sshll.u32 s26, $0x1;
	_ =	strace $0x80000046;
	[dreg:$0x1] =	wrdreg $0xFFFFFFFF  }
0xa7: {  	s28 =	simm.s32 $_size_execute0_lowered;
	s3 =	sadd.s32 s3, s5;
	[dreg:$0x0] =	wrdreg $0x0  }
0xa8: {  	s5 =	sshll.u32 s28, $0x1;
	[dreg:$0x2] =	wrdreg s3  }
0xa9: {  	[dreg:$0x3] =	wrdreg s5  }
0xaa: {  	[dreg:$0x4] =	wrdreg $0xC0  }
0xab: {  	_ =	task [dreg:s7], $0x5FFFF  }
0xac: {  	[dreg:$0x1] =	wrdreg $0xFFFFFFFF  }
0xad: {  	[dreg:$0x0] =	wrdreg $0x60  }
0xae: {  	[dreg:$0x2] =	wrdreg s24  }
0xaf: {  	[dreg:$0x3] =	wrdreg s2  }
0xb0: {  	[dreg:$0x4] =	wrdreg $0x9  }
0xb1: {  	_ =	task.clear_ibuf [dreg:s7], $0x5FFFF;
	_ =	strace $0x90000046  }
0xb2: {  	s29 =	simm.s32 $0x9;
	_ =	strace $0x80000048  }
0xb3: {  	_ =	swait.ge [sflag:s29], $0x1  }
0xb4: {  	[sflag:s29] =	ssyncadd.s32 $0xFFFFFFFF  }
0xb5: {  	_ =	strace $0x90000048  }
0xb6: {  	_ =	sfence  }
0xb7: {  	s30 =	sld [smem:$0x0];
	_ =	sdelay $0x2  }
0xb8: {  	s31 =	sshll.u32 s1, $0xD;
	s1 =	sshrl.u32 s1, $0x2  }
0xb9: {  	s3 =	sand.u32 $0x4000, s31;
	s1 =	sadd.s32 s1, s30  }
0xba: {  	s0 =	sor.u32 s3, s0;
	s1 =	sshll.u32 s1, $0x11  }
0xbb: {  	s0 =	sor.u32 s1, s0  }
0xbc: {  	s0 =	sadd.s32 $0x8F2B, s0  }
0xbd: {  	[sflag:s0] =	ssyncadd.remote.s32 $0x1  }
0xbe: {  	_ =	sfence.sel $0xFFFF  }
0xbf: {  	[dreg:$0x0] =	wrdreg $0xFFFFFFFF;
	(pc) =	sbr.abs _section_cstart, $3  }
0xc0: {  	[dreg:$0x1] =	wrdreg $0xFFFFFFFF  }
0xc1: {  	_ =	task.clear_ibuf [dreg:s7], $0x2FFFF;
	_ =	strace $0x9FFFFFFF  }
0xc2: {  	(tm) =	ssettm $0x7FFFFFFF  }
0xc3: {  	_ =	shalt  }
tec
execute0_lowered:
.L_overlay_start_1:
0x0: {  	(tag) =	ssettag $0x1  }
0x1: {  	v0 =	vimm.s32 $0xFEDCBA98;
	v1 =	vimm.s32 $0x76543210  }
0x2: {  	v2 =	vimm.s32 $0xBA98FEDC;
	v3 =	vimm.s32 $0x32107654;
	v4 =	vimm.s32 $0xDCFE98BA  }
0x3: {  	s0 =	rddreg [dreg:$0x0];
	v5 =	vimm.s32 $0x54761032;
	v6 =	vimm.s32 $0xEFCDAB89;
	v7 =	vimm.s32 $0x67452301  }
0x4: {  	s1 =	rddreg [dreg:$0x1];
	vm0 =	vmmov $0x1;
	vm1 =	vmmov $0x3;
	vm2 =	vmmov $0x7  }
0x5: {  	s3 =	srdreg.scid;
	s5 =	stileid.u32;
	vm3 =	vmmov $0xf;
	vm4 =	vmmov $0x1f;
	vm5 =	vmmov $0x3f  }
0x6: {  	s2 =	simm.s32 $0x0;
	s8 =	simm.s32 $0x2;
	s9 =	simm.s32 $0x2710;
	vm6 =	vmmov $0x7f;
	vm7 =	vmmov $0xff;
	vm8 =	vmmov $0x1ff  }
0x7: {  	s10 =	simm.s32 $0x50;
	s28 =	simm.s32 $0x13E20;
	s29 =	simm.s32 $0x190;
	vm9 =	vmmov $0x3ff;
	vm10 =	vmmov $0x7ff;
	vm11 =	vmmov $0xfff  }
0x8: {  	s30 =	simm.s32 $0xB220;
	s31 =	simm.s32 $0x28A0;
	s11 =	simm.s32 $0xC620;
	v0 =	vunpack.c.l.s4.s8 v0;
	v1 =	vunpack.c.l.s4.s8 v1;
	v2 =	vunpack.c.l.s4.s8 v2  }
0x9: {  	s12 =	simm.s32 $0x28F0;
	s13 =	simm.s32 $0x16620;
	s14 =	simm.s32 $0x1;
	v3 =	vunpack.c.l.s4.s8 v3;
	v4 =	vunpack.c.l.s4.s8 v4;
	v5 =	vunpack.c.l.s4.s8 v5  }
0xa: {  	s15 =	simm.s32 $0x18E20;
	s4 =	sand.u32 $0x1, s3;
	s24 =	sshll.u32 s5, $0x1;
	v6 =	vunpack.c.l.s4.s8 v6;
	v7 =	vunpack.c.l.s4.s8 v7;
	v0 =	vunpack.c.0.s8.s32 v0  }
0xb: {  	s16 =	simm.s32 $0x0;
	s3 =	sor.u32 s4, s24;
	s4 =	ssub.s32 $0x2, s4;
	v2 =	vunpack.c.0.s8.s32 v2;
	v3 =	vunpack.c.0.s8.s32 v3;
	v4 =	vunpack.c.0.s8.s32 v4  }
0xc: {  	[smem:$0x7FF] =	sst s2;
	s25 =	smul.u32 $0x2710, s3;
	s26 =	sshrl.u32 s4, $0x1;
	v5 =	vunpack.c.0.s8.s32 v5;
	v6 =	vunpack.c.0.s8.s32 v6;
	v7 =	vunpack.c.0.s8.s32 v7  }
0xd: {  	vm12 =	vmmov $0x1fff;
	_ =	strace $0x80000047;
	s3 =	sadd.s32 $0x14400, s0;
	v1 =	vunpack.c.0.s8.s32 v1;
	s7 =	ssub.s32 s4, s26;
	v2 =	vcombine.low v3, v2  }
0xe: {  	s26 =	simm.s32 $0x2850;
	s6 =	sshrl.u32 s25, $0x3;
	s7 =	smax.u32 s7, $0x1;
	v3 =	vcombine.low v5, v4;
	v4 =	vcombine.low v7, v6;
	v0 =	vand.u32 $0xF, v0  }
0xf: {  	vm13 =	vmmov $0x3fff;
	vm14 =	vmmov $0x7fff;
	s0 =	sadd.s32 s6, s0;
	s6 =	sadd.s32 s1, s6;
	v0 =	vcombine.low v0, v1;
	s1 =	simm.s32 $0x1E0  }
0x10: {  	s4 =	sadd.s32 $0xA00, s0;
	s5 =	sadd.s32 $0xA640, s0;
	v1 =	vand.u32 $0xF, v2;
	v2 =	vand.u32 $0xF, v3;
	v3 =	vand.u32 $0xF, v4;
	s0 =	simm.s32 $0x15220  }
.LBB2_1:
0x11: {  	[tilespmem:s2], [sflag:$0x2] =	stream.linear.gather [hbm4b:s4+s2], $0x2710, $0x38;
	[tilespmem:$0x1B530] =	vst v63  }
0x12: {  	_ =	swait.ge [sflag:s8], $0x2710  }
0x13: {  	[sflag:s8] =	ssyncset.done $0x0  }
0x14: {  	[sflag:s8] =	ssyncadd.s32 $0xFFFFD8F0  }
0x15: {  	[tilespmem:s9], [sflag:$0x2] =	stream.linear.gather [hbm4b:s5+s2], $0x2710, $0x38;
	[tilespmem:$0x1B530] =	vst v63  }
0x16: {  	_ =	swait.ge [sflag:s8], $0x2710  }
0x17: {  	[sflag:s8] =	ssyncset.done $0x0  }
0x18: {  	s17 =	simm.s32 $0x4E20;
	[sflag:s8] =	ssyncadd.s32 $0xFFFFD8F0  }
0x19: {  	[tilespmem:s17], [sflag:$0x1] =	stream.indirect.gather [hbm4b:s3+s10], $0x40, s2, s10, $0xb8;
	[tilespmem:$0x1B530] =	vst v63  }
0x1a: {  	s21 =	simm.s32 $0xEE20  }
0x1b: {  	[tilespmem:s21], [sflag:$0x1] =	stream.indirect.gather [hbm4b:s3+s10], $0x40, s9, s10, $0xb8;
	[tilespmem:$0x1B530] =	vst v63  }
0x1c: {  	s22 =	simm.s32 $0x6220  }
0x1d: {  	[tilespmem:s22], [sflag:$0x1] =	stream.indirect.gather [hbm4b:s3+s10], $0x40, s10, s10, $0xb8;
	[tilespmem:$0x1B530] =	vst v63  }
0x1e: {  	s23 =	simm.s32 $0x2760;
	s18 =	simm.s32 $0x10220  }
0x1f: {  	[tilespmem:s18], [sflag:$0x1] =	stream.indirect.gather [hbm4b:s3+s10], $0x40, s23, s10, $0xb8;
	[tilespmem:$0x1B530] =	vst v63  }
0x20: {  	s24 =	simm.s32 $0xA0;
	s25 =	simm.s32 $0x7620  }
0x21: {  	[tilespmem:s25], [sflag:$0x1] =	stream.indirect.gather [hbm4b:s3+s10], $0x40, s24, s10, $0xb8;
	[tilespmem:$0x1B530] =	vst v63  }
0x22: {  	s19 =	simm.s32 $0x11620;
	s18 =	simm.s32 $0x27B0  }
0x23: {  	[tilespmem:s19], [sflag:$0x1] =	stream.indirect.gather [hbm4b:s3+s10], $0x40, s18, s10, $0xb8;
	[tilespmem:$0x1B530] =	vst v63  }
0x24: {  	s20 =	simm.s32 $0xF0;
	s21 =	simm.s32 $0x8A20  }
0x25: {  	[tilespmem:s21], [sflag:$0x1] =	stream.indirect.gather [hbm4b:s3+s10], $0x40, s20, s10, $0xb8;
	[tilespmem:$0x1B530] =	vst v63  }
0x26: {  	s22 =	simm.s32 $0x2800;
	s23 =	simm.s32 $0x12A20  }
0x27: {  	[tilespmem:s23], [sflag:$0x1] =	stream.indirect.gather [hbm4b:s3+s10], $0x40, s22, s10, $0xb8;
	[tilespmem:$0x1B530] =	vst v63  }
0x28: {  	s24 =	simm.s32 $0x140;
	s25 =	simm.s32 $0x9E20  }
0x29: {  	[tilespmem:s25], [sflag:$0x1] =	stream.indirect.gather [hbm4b:s3+s10], $0x40, s24, s10, $0xb8;
	[tilespmem:$0x1B530] =	vst v63  }
0x2a: {  	_ = 	snop  }
0x2b: {  	[tilespmem:s28], [sflag:$0x1] =	stream.indirect.gather [hbm4b:s3+s10], $0x40, s26, s10, $0xb8;
	[tilespmem:$0x1B530] =	vst v63  }
0x2c: {  	_ = 	snop  }
0x2d: {  	[tilespmem:s30], [sflag:$0x1] =	stream.indirect.gather [hbm4b:s3+s10], $0x40, s29, s10, $0xb8;
	[tilespmem:$0x1B530] =	vst v63  }
0x2e: {  	_ = 	snop  }
0x2f: {  	[tilespmem:s0], [sflag:$0x1] =	stream.indirect.gather [hbm4b:s3+s10], $0x40, s31, s10, $0xb8;
	[tilespmem:$0x1B530] =	vst v63  }
0x30: {  	_ = 	snop  }
0x31: {  	[tilespmem:s11], [sflag:$0x1] =	stream.indirect.gather [hbm4b:s3+s10], $0x40, s1, s10, $0xb8;
	[tilespmem:$0x1B530] =	vst v63  }
0x32: {  	s17 =	simm.s32 $0x0;
	s19 =	simm.s32 $0x0;
	s21 =	simm.s32 $0x18E20  }
0x33: {  	[tilespmem:s13], [sflag:$0x1] =	stream.indirect.gather [hbm4b:s3+s10], $0x40, s12, s10, $0xb8;
	[tilespmem:$0x1B530] =	vst v63  }
.LBB2_2:
0x34: {  	s18 =	sand.u32 $0x7, s17;
	_ =	swait.ge [sflag:s14], $0x1400;
	p0 =	sgt.u32 s19, $0x75  }
0x35: {  	s18 =	smul.u32 $0x5000, s18;
	[sflag:s14] =	ssyncset.done $0x0;
	s20 =	sadd.s32 @!p0 $0x7, s19  }
0x36: {  	[sflag:s14] =	ssyncadd.s32 $0xFFFFEC00;
	s22 =	sand.u32 @!p0 $0x7, s20;
	s20 =	smul.u32 @!p0 $0x50, s20  }
0x37: {  	s18 =	sshrl.u32 s18, $0x2;
	_ =	swait.ge [sflag:s14], $0x1400;
	s22 =	smul.u32 @!p0 $0x1400, s22  }
0x38: {  	s23 =	sadd.s32 $0x5020, s18;
	s18 =	sadd.s32 $0xF020, s18;
	[sflag:s14] =	ssyncset.done $0x0  }
0x39: {  	s25 =	simm.s32 @!p0 $0x50;
	[sflag:s14] =	ssyncadd.s32 $0xFFFFEC00;
	s24 =	sadd.s32 @!p0 $0x4E20, s22;
	v5 =	vmov s18  }
0x3a: {  	v4 =	vmov s23;
	[tilespmem:s24], [sflag:$0x1] =	stream.indirect.gather @!p0 [hbm4b:s3+s25], $0x40, s20, s25, $0xb8;
	[tilespmem:$0x1B530] =	vst v63  }
0x3b: {  	s18 =	sadd.s32 @!p0 $0xEE20, s22;
	s20 =	sadd.s32 @!p0 $0x2710, s20  }
0x3c: {  	[tilespmem:s18], [sflag:$0x1] =	stream.indirect.gather @!p0 [hbm4b:s3+s25], $0x40, s20, s25, $0xb8;
	[tilespmem:$0x1B530] =	vst v63  }
0x3d: {  	s25 =	simm.s32 $0x0  }
0x3e: {  	v6 =	vld.idx.msk [tilespmem:v5+s25+$0x1F0 ss:$0x1], $0xffff  }
0x3f: {  	v7 =	vld.idx.msk [tilespmem:v4+s25+$0x1F0 ss:$0x1], $0xffff  }
0x40: {  	v8 =	vld.idx.msk [tilespmem:v5+s25+$0x1B0 ss:$0x1], $0xffff  }
0x41: {  	v9 =	vld.idx.msk [tilespmem:v4+s25+$0x1B0 ss:$0x1], $0xffff  }
0x42: {  	v10 =	vld.idx.msk [tilespmem:v5+s25+$0x170 ss:$0x1], $0xffff  }
0x43: {  	v11 =	vld.idx.msk [tilespmem:v4+s25+$0x170 ss:$0x1], $0xffff  }
0x44: {  	v12 =	vld.idx.msk [tilespmem:v5+s25+$0x1E0 ss:$0x1], $0xffff  }
0x45: {  	v13 =	vld.idx.msk [tilespmem:v4+s25+$0x1E0 ss:$0x1], $0xffff  }
0x46: {  	v14 =	vld.idx.msk [tilespmem:v5+s25+$0x130 ss:$0x1], $0xffff  }
0x47: {  	v15 =	vld.idx.msk [tilespmem:v4+s25+$0x130 ss:$0x1], $0xffff  }
0x48: {  	v16 =	vld.idx.msk [tilespmem:v5+s25+$0x1A0 ss:$0x1], $0xffff  }
0x49: {  	v17 =	vld.idx.msk [tilespmem:v4+s25+$0x1A0 ss:$0x1], $0xffff  }
0x4a: {  	v18 =	vld.idx.msk [tilespmem:v5+s25+$0xF0 ss:$0x1], $0xffff  }
0x4b: {  	v19 =	vld.idx.msk [tilespmem:v4+s25+$0xF0 ss:$0x1], $0xffff  }
0x4c: {  	v20 =	vld.idx.msk [tilespmem:v5+s25+$0x160 ss:$0x1], $0xffff  }
0x4d: {  	v21 =	vld.idx.msk [tilespmem:v4+s25+$0x160 ss:$0x1], $0xffff  }
0x4e: {  	v22 =	vld.idx.msk [tilespmem:v5+s25+$0x1D0 ss:$0x1], $0xffff  }
0x4f: {  	v23 =	vld.idx.msk [tilespmem:v4+s25+$0x1D0 ss:$0x1], $0xffff  }
0x50: {  	v24 =	vld.idx.msk [tilespmem:v5+s25+$0x1C0 ss:$0x1], $0xffff  }
0x51: {  	v25 =	vld.idx.msk [tilespmem:v4+s25+$0x1C0 ss:$0x1], $0xffff  }
0x52: {  	v26 =	vld.idx.msk [tilespmem:v5+s25+$0xB0 ss:$0x1], $0xffff  }
0x53: {  	v27 =	vld.idx.msk [tilespmem:v4+s25+$0xB0 ss:$0x1], $0xffff  }
0x54: {  	v28 =	vld.idx.msk [tilespmem:v5+s25+$0x120 ss:$0x1], $0xffff  }
0x55: {  	v29 =	vld.idx.msk [tilespmem:v4+s25+$0x120 ss:$0x1], $0xffff  }
0x56: {  	v30 =	vld.idx.msk [tilespmem:v4+s25+$0x180 ss:$0x1], $0xffff;
	v6 =	vmul.bf16 v6, v7;
	v8 =	vmul.bf16 v8, v9  }
0x57: {  	v33 =	vld.idx.msk [tilespmem:v4+s25+$0x190 ss:$0x1], $0xffff;
	v9 =	vmul.bf16 v24, v25;
	v10 =	vmul.bf16 v10, v11  }
0x58: {  	v54 =	vld.idx.msk [tilespmem:v5+s25+$0x70 ss:$0x1], $0xffff;
	v11 =	vmul.bf16 v22, v23;
	v12 =	vmul.bf16 v12, v13  }
0x59: {  	v55 =	vld.idx.msk [tilespmem:v5+s25+$0xA0 ss:$0x1], $0xffff;
	v16 =	vmul.bf16 v16, v17;
	v20 =	vmul.bf16 v20, v21  }
0x5a: {  	v24 =	vld.idx.msk [tilespmem:v5+s25+$0x180 ss:$0x1], $0xffff;
	v28 =	vmul.bf16 v28, v29;
	v25 =	vunpack.i.u.bf16.f32 v6;
	v32 =	vunpack.i.l.bf16.f32 v9  }
0x5b: {  	v62 =	vld.idx.msk [tilespmem:v5+s25+$0xFFFFFF70 ss:$0x1], $0xffff;
	v31 =	vunpack.i.u.bf16.f32 v8;
	v34 =	vunpack.i.l.bf16.f32 v8;
	v8 =	vadd.f32 $0.0e+00, v32  }
0x5c: {  	v48 =	vld.idx.msk [tilespmem:v4+s25+$0xFFFFFF70 ss:$0x1], $0xffff;
	v6 =	vunpack.i.l.bf16.f32 v6;
	v9 =	vunpack.i.u.bf16.f32 v9;
	v35 =	vunpack.i.u.bf16.f32 v10  }
0x5d: {  	v7 =	vld.idx.msk [tilespmem:v5+s25+$0x190 ss:$0x1], $0xffff;
	v36 =	vunpack.i.l.bf16.f32 v10;
	v10 =	vunpack.i.l.bf16.f32 v11;
	v8 =	vadd.f32 v8, v9  }
0x5e: {  	v22 =	vld.idx.msk [tilespmem:v4+s25+$0x70 ss:$0x1], $0xffff;
	v13 =	vunpack.i.u.bf16.f32 v12;
	v12 =	vunpack.i.l.bf16.f32 v12;
	v9 =	vmul.bf16 v14, v15  }
0x5f: {  	v17 =	vld.idx.msk [tilespmem:v4+s25+$0x150 ss:$0x1], $0xffff;
	v11 =	vunpack.i.u.bf16.f32 v11;
	v15 =	vmul.bf16 v24, v30;
	v10 =	vadd.f32 v10, v8  }
0x60: {  	v29 =	vunpack.i.u.bf16.f32 v28;
	v28 =	vunpack.i.l.bf16.f32 v28;
	v24 =	vld.idx.msk [tilespmem:v5+s25+$0x150 ss:$0x1], $0xffff;
	v8 =	vunpack.i.u.bf16.f32 v9  }
0x61: {  	v57 =	vld.idx.msk [tilespmem:v5+s25+$0x60 ss:$0x1], $0xffff;
	v30 =	vunpack.i.l.bf16.f32 v9;
	v9 =	vunpack.i.l.bf16.f32 v15;
	v10 =	vadd.f32 v10, v11  }
0x62: {  	v23 =	vld.idx.msk [tilespmem:v5+s25+$0xE0 ss:$0x1], $0xffff;
	v7 =	vmul.bf16 v7, v33;
	v11 =	vmul.bf16 v18, v19;
	v18 =	vadd.f32 $0.0e+00, v9  }
0x63: {  	v22 =	vmul.bf16 v54, v22;
	v15 =	vunpack.i.u.bf16.f32 v15;
	v10 =	vadd.f32 v12, v10;
	v12 =	vld.idx.msk [tilespmem:v5+s25+$0x140 ss:$0x1], $0xffff  }
0x64: {  	v33 =	vmul.bf16 v62, v48;
	v21 =	vunpack.i.l.bf16.f32 v7;
	v15 =	vadd.f32 v18, v15;
	v18 =	vld.idx.msk [tilespmem:v4+s25+$0x140 ss:$0x1], $0xffff  }
0x65: {  	v7 =	vunpack.i.u.bf16.f32 v7;
	v19 =	vunpack.i.u.bf16.f32 v16;
	v17 =	vmul.bf16 v24, v17;
	v24 =	vld.idx.msk [tilespmem:v4+s25+$0x60 ss:$0x1], $0xffff  }
0x66: {  	v14 =	vld.idx.msk [tilespmem:v4+s25+$0xE0 ss:$0x1], $0xffff;
	v16 =	vunpack.i.l.bf16.f32 v16;
	v9 =	vunpack.i.u.bf16.f32 v11;
	v10 =	vadd.f32 v10, v13  }
0x67: {  	v11 =	vunpack.i.l.bf16.f32 v11;
	v13 =	vmul.bf16 v26, v27;
	v15 =	vadd.f32 v21, v15;
	v21 =	vld.idx.msk [tilespmem:v4+s25+$0xA0 ss:$0x1], $0xffff  }
0x68: {  	v26 =	vunpack.i.u.bf16.f32 v20;
	v27 =	vld.idx.msk [tilespmem:v5+s25+$0x110 ss:$0x1], $0xffff;
	v20 =	vunpack.i.l.bf16.f32 v20;
	v6 =	vadd.f32 v6, v10  }
0x69: {  	v10 =	vunpack.i.u.bf16.f32 v13;
	v7 =	vadd.f32 v15, v7;
	v15 =	vld.idx.msk [tilespmem:v4+s25+$0x110 ss:$0x1], $0xffff;
	v18 =	vmul.bf16 v12, v18  }
0x6a: {  	v37 =	vld.idx.msk [tilespmem:v5+s25+$0x30 ss:$0x1], $0xffff;
	v13 =	vunpack.i.l.bf16.f32 v13;
	v24 =	vmul.bf16 v57, v24;
	v6 =	vadd.f32 v6, v25  }
0x6b: {  	v39 =	vld.idx.msk [tilespmem:v4+s25+$0x100 ss:$0x1], $0xffff;
	v12 =	vunpack.i.u.bf16.f32 v22;
	v7 =	vadd.f32 v16, v7;
	v40 =	vunpack.i.l.bf16.f32 v18  }
0x6c: {  	v16 =	vld.idx.msk [tilespmem:v5+s25+$0x100 ss:$0x1], $0xffff;
	v18 =	vunpack.i.u.bf16.f32 v18;
	v21 =	vmul.bf16 v55, v21;
	v56 =	vperm.xlane v6, v0  }
0x6d: {  	v38 =	vld.idx.msk [tilespmem:v4+s25+$0x30 ss:$0x1], $0xffff;
	v7 =	vadd.f32 v7, v19;
	v19 =	vmul.bf16 v23, v14;
	v23 =	vadd.f32 $0.0e+00, v40  }
0x6e: {  	v41 =	vld.idx.msk [tilespmem:v4+s25+$0xFFFFFFF0 ss:$0x1], $0xffff;
	v14 =	vunpack.i.l.bf16.f32 v22;
	v15 =	vmul.bf16 v27, v15;
	v6 =	vadd.f32 v6, v56  }
0x6f: {  	v58 =	vld.idx.msk [tilespmem:v5+s25+$0xD0 ss:$0x1], $0xffff;
	v63 =	vunpack.i.u.bf16.f32 v21;
	v7 =	vadd.f32 v34, v7;
	v18 =	vadd.f32 v23, v18  }
0x70: {  	v60 =	vld.idx.msk [tilespmem:v5+s25+$0xFFFFFFB0 ss:$0x1], $0xffff;
	v59 =	vunpack.i.u.bf16.f32 v19;
	v23 =	vunpack.i.l.bf16.f32 v17;
	v22 =	vperm.xlane v6, v1  }
0x71: {  	v43 =	vld.idx.msk [tilespmem:v4+s25+$0xFFFFFFB0 ss:$0x1], $0xffff;
	v16 =	vmul.bf16 v16, v39;
	v7 =	vadd.f32 v7, v31;
	v18 =	vadd.f32 v23, v18  }
0x72: {  	v44 =	vld.idx.msk [tilespmem:v5+s25+$0x20 ss:$0x1], $0xffff;
	v42 =	vunpack.i.l.bf16.f32 v19;
	v17 =	vunpack.i.u.bf16.f32 v17;
	v6 =	vadd.f32 v6, v22  }
0x73: {  	v61 =	vld.idx.msk [tilespmem:v5+s25+$0xC0 ss:$0x1], $0xffff;
	v19 =	vperm.xlane v7, v0;
	v22 =	vunpack.i.l.bf16.f32 v16;
	v17 =	vadd.f32 v18, v17  }
0x74: {  	v25 =	vld.idx.msk [tilespmem:v5+s25+$0xFFFFFFF0 ss:$0x1], $0xffff;
	v21 =	vunpack.i.l.bf16.f32 v21;
	v27 =	vunpack.i.l.bf16.f32 v15;
	v22 =	vadd.f32 $0.0e+00, v22  }
0x75: {  	v31 =	vld.idx.msk [tilespmem:v4+s25+$0xD0 ss:$0x1], $0xffff;
	v16 =	vunpack.i.u.bf16.f32 v16;
	v7 =	vadd.f32 v7, v19;
	v17 =	vadd.f32 v20, v17  }
0x76: {  	v15 =	vunpack.i.u.bf16.f32 v15;
	v18 =	vperm.xlane v6, v2;
	v20 =	vld.idx.msk [tilespmem:v4+s25+$0xC0 ss:$0x1], $0xffff;
	v16 =	vadd.f32 v22, v16  }
0x77: {  	v49 =	vld.idx.msk [tilespmem:v5+s25+$0x80 ss:$0x1], $0xffff;
	v23 =	vmul.bf16 v37, v38;
	v22 =	vperm.xlane v7, v1;
	v17 =	vadd.f32 v17, v26  }
0x78: {  	v51 =	vld.idx.msk [tilespmem:v5+s25+$0xFFFFFFE0 ss:$0x1], $0xffff;
	v39 =	vmul.bf16 v60, v43;
	v6 =	vadd.f32 v6, v18;
	v16 =	vadd.f32 v27, v16  }
0x79: {  	v19 =	vunpack.i.u.bf16.f32 v23;
	v18 =	vld.idx.msk [tilespmem:v4+s25+$0x20 ss:$0x1], $0xffff;
	v7 =	vadd.f32 v7, v22;
	v17 =	vadd.f32 v36, v17  }
0x7a: {  	v31 =	vmul.bf16 v58, v31;
	v26 =	vld.idx.msk [tilespmem:v5+s25+$0x90 ss:$0x1], $0xffff;
	v22 =	vmul.bf16 v25, v41;
	v15 =	vadd.f32 v16, v15  }
0x7b: {  	v27 =	vld.idx.msk [tilespmem:v4+s25+$0x90 ss:$0x1], $0xffff;
	v20 =	vmul.bf16 v61, v20;
	v16 =	vperm.xlane v7, v2;
	v25 =	vadd.f32 v17, v35  }
0x7c: {  	v45 =	vld.idx.msk [tilespmem:v5+s25+$0xFFFFFF30 ss:$0x1], $0xffff;
	v23 =	vunpack.i.l.bf16.f32 v23;
	v34 =	vunpack.i.l.bf16.f32 v31;
	v15 =	vadd.f32 v28, v15  }
0x7d: {  	v28 =	vunpack.i.l.bf16.f32 v20;
	v7 =	vadd.f32 v7, v16;
	v16 =	vld.idx.msk [tilespmem:v4+s25+$0x80 ss:$0x1], $0xffff;
	v50 =	vperm.xlane v25, v0  }
0x7e: {  	v46 =	vld.idx.msk [tilespmem:v5+s25+$0x10 ss:$0x1], $0xffff;
	v17 =	vunpack.i.u.bf16.f32 v22;
	v22 =	vunpack.i.l.bf16.f32 v22;
	v28 =	vadd.f32 $0.0e+00, v28  }
0x7f: {  	v20 =	vunpack.i.u.bf16.f32 v20;
	v15 =	vadd.f32 v15, v29;
	v29 =	vld.idx.msk [tilespmem:v4+s25+$0xFFFFFFE0 ss:$0x1], $0xffff;
	v25 =	vadd.f32 v25, v50  }
0x80: {  	v52 =	vld.idx.msk [tilespmem:v4+s25+$0x10 ss:$0x1], $0xffff;
	v18 =	vmul.bf16 v44, v18;
	v26 =	vmul.bf16 v26, v27;
	v20 =	vadd.f32 v28, v20  }
0x81: {  	v47 =	vld.idx.msk [tilespmem:v5+s25+$0x0 ss:$0x1], $0xffff;
	v15 =	vadd.f32 v30, v15;
	v30 =	vunpack.i.u.bf16.f32 v24;
	v37 =	vperm.xlane v25, v1  }
0x82: {  	v32 =	vld.idx.msk [tilespmem:v5+s25+$0x50 ss:$0x1], $0xffff;
	v20 =	vadd.f32 v34, v20;
	v34 =	vunpack.i.l.bf16.f32 v24;
	v16 =	vmul.bf16 v49, v16  }
0x83: {  	v62 =	vld.idx.msk [tilespmem:v5+s25+$0xFFFFFFD0 ss:$0x1], $0xffff;
	v24 =	vunpack.i.u.bf16.f32 v31;
	v8 =	vadd.f32 v15, v8;
	v25 =	vadd.f32 v25, v37  }
0x84: {  	v31 =	vld.idx.msk [tilespmem:v5+s25+$0xFFFFFFA0 ss:$0x1], $0xffff;
	v20 =	vadd.f32 v20, v24;
	v29 =	vmul.bf16 v51, v29;
	v35 =	vunpack.i.l.bf16.f32 v16  }
0x85: {  	v15 =	vld.idx.msk [tilespmem:v4+s25+$0xFFFFFF30 ss:$0x1], $0xffff;
	v24 =	vperm.xlane v8, v0;
	v16 =	vunpack.i.u.bf16.f32 v16;
	v35 =	vadd.f32 $0.0e+00, v35  }
0x86: {  	v37 =	vld.idx.msk [tilespmem:v4+s25+$0xFFFFFFA0 ss:$0x1], $0xffff;
	v27 =	vperm.xlane v25, v2;
	v20 =	vadd.f32 v42, v20;
	v36 =	vunpack.i.u.bf16.f32 v29  }
0x87: {  	v48 =	vld.idx.msk [tilespmem:v5+s25+$0xFFFFFEB0 ss:$0x1], $0xffff;
	v29 =	vunpack.i.l.bf16.f32 v29;
	v42 =	vmul.bf16 v46, v52;
	v24 =	vadd.f32 v8, v24  }
0x88: {  	v55 =	vld.idx.msk [tilespmem:v4+s25+$0x40 ss:$0x1], $0xffff;
	v16 =	vadd.f32 v35, v16;
	v8 =	vadd.f32 v25, v27;
	v27 =	vunpack.i.l.bf16.f32 v26  }
0x89: {  	v25 =	vld.idx.msk [tilespmem:v5+s25+$0x40 ss:$0x1], $0xffff;
	v53 =	vadd.f32 v20, v59;
	v20 =	vunpack.i.u.bf16.f32 v39;
	v26 =	vunpack.i.u.bf16.f32 v26  }
0x8a: {  	v59 =	vld.idx.msk [tilespmem:v4+s25+$0x0 ss:$0x1], $0xffff;
	v15 =	vmul.bf16 v45, v15;
	v54 =	vperm.xlane v24, v1;
	v16 =	vadd.f32 v27, v16  }
0x8b: {  	v57 =	vld.idx.msk [tilespmem:v4+s25+$0xFFFFFEF0 ss:$0x1], $0xffff;
	v31 =	vmul.bf16 v31, v37;
	v11 =	vadd.f32 v11, v53;
	v53 =	vunpack.i.l.bf16.f32 v42  }
0x8c: {  	v61 =	vld.idx.msk [tilespmem:v4+s25+$0xFFFFFF60 ss:$0x1], $0xffff;
	v42 =	vunpack.i.u.bf16.f32 v42;
	v56 =	vadd.f32 v24, v54;
	v16 =	vadd.f32 v16, v26  }
0x8d: {  	v28 =	vld.idx.msk [tilespmem:v4+s25+$0x50 ss:$0x1], $0xffff;
	v24 =	vunpack.i.l.bf16.f32 v39;
	v39 =	vunpack.i.u.bf16.f32 v18;
	v58 =	vadd.f32 v11, v9  }
0x8e: {  	v50 =	vld.idx.msk [tilespmem:v5+s25+$0xFFFFFFC0 ss:$0x1], $0xffff;
	v9 =	vperm.xlane v56, v2;
	v25 =	vmul.bf16 v25, v55;
	v21 =	vadd.f32 v21, v16  }
0x8f: {  	v27 =	vld.idx.msk [tilespmem:v5+s25+$0xFFFFFEF0 ss:$0x1], $0xffff;
	v18 =	vunpack.i.l.bf16.f32 v18;
	v38 =	vmul.bf16 v47, v59;
	v60 =	vperm.xlane v58, v0  }
0x90: {  	v49 =	vld.idx.msk [tilespmem:v5+s25+$0xFFFFFF90 ss:$0x1], $0xffff;
	v45 =	vunpack.i.u.bf16.f32 v31;
	v9 =	vadd.f32 v56, v9;
	v21 =	vadd.f32 v21, v63  }
0x91: {  	v51 =	vld.idx.msk [tilespmem:v5+s25+$0xFFFFFF50 ss:$0x1], $0xffff;
	v43 =	vunpack.i.l.bf16.f32 v25;
	v47 =	vunpack.i.l.bf16.f32 v38;
	v41 =	vadd.f32 v58, v60  }
0x92: {  	v26 =	vld.idx.msk [tilespmem:v5+s25+$0xFFFFFF60 ss:$0x1], $0xffff;
	v38 =	vunpack.i.u.bf16.f32 v38;
	v43 =	vadd.f32 $0.0e+00, v43;
	v13 =	vadd.f32 v13, v21  }
0x93: {  	v56 =	vld.idx.msk [tilespmem:v5+s25+$0xFFFFFF80 ss:$0x1], $0xffff;
	v47 =	vadd.f32 $0.0e+00, v47;
	v21 =	vunpack.i.u.bf16.f32 v25;
	v25 =	vmul.bf16 v32, v28  }
0x94: {  	v27 =	vmul.bf16 v27, v57;
	v57 =	vld.idx.msk [tilespmem:v4+s25+$0xFFFFFF80 ss:$0x1], $0xffff;
	v21 =	vadd.f32 v43, v21;
	v10 =	vadd.f32 v13, v10  }
0x95: {  	v63 =	vld.idx.msk [tilespmem:v4+s25+$0xFFFFFFD0 ss:$0x1], $0xffff;
	v28 =	vperm.xlane v41, v1;
	v13 =	vunpack.i.u.bf16.f32 v25;
	v25 =	vunpack.i.l.bf16.f32 v25  }
0x96: {  	v38 =	vadd.f32 v47, v38;
	v47 =	vld.idx.msk [tilespmem:v5+s25+$0xFFFFFE30 ss:$0x1], $0xffff;
	v21 =	vadd.f32 v25, v21;
	v25 =	vperm.xlane v10, v0  }
0x97: {  	v31 =	vunpack.i.l.bf16.f32 v31;
	v11 =	vunpack.i.u.bf16.f32 v33;
	v43 =	vld.idx.msk [tilespmem:v5+s25+$0xFFFFFF20 ss:$0x1], $0xffff;
	v28 =	vadd.f32 v41, v28  }
0x98: {  	v26 =	vmul.bf16 v26, v61;
	v13 =	vadd.f32 v21, v13;
	v21 =	vadd.f32 v10, v25;
	v25 =	vld.idx.msk [tilespmem:v4+s25+$0xFFFFFFC0 ss:$0x1], $0xffff  }
0x99: {  	v16 =	vunpack.i.l.bf16.f32 v33;
	v41 =	vld.idx.msk [tilespmem:v4+s25+$0xFFFFFF20 ss:$0x1], $0xffff;
	v55 =	vadd.f32 v53, v38;
	v40 =	vmul.bf16 v56, v57  }
0x9a: {  	v44 =	vunpack.i.u.bf16.f32 v26;
	v38 =	vld.idx.msk [tilespmem:v4+s25+$0xFFFFFE30 ss:$0x1], $0xffff;
	v33 =	vmul.bf16 v62, v63;
	v52 =	vperm.xlane v28, v2  }
0x9b: {  	v46 =	vld.idx.msk [tilespmem:v5+s25+$0xFFFFFF10 ss:$0x1], $0xffff;
	v26 =	vunpack.i.l.bf16.f32 v26;
	v37 =	vadd.f32 v55, v42;
	v61 =	vunpack.i.l.bf16.f32 v40  }
0x9c: {  	v35 =	vld.idx.msk [tilespmem:v4+s25+$0xFFFFFEA0 ss:$0x1], $0xffff;
	v40 =	vunpack.i.u.bf16.f32 v40;
	v59 =	vunpack.i.l.bf16.f32 v33;
	v10 =	vadd.f32 v28, v52  }
0x9d: {  	v32 =	vld.idx.msk [tilespmem:v4+s25+$0xFFFFFEB0 ss:$0x1], $0xffff;
	v37 =	vadd.f32 v18, v37;
	v18 =	vunpack.i.u.bf16.f32 v27;
	v25 =	vmul.bf16 v50, v25  }
0x9e: {  	v28 =	vld.idx.msk [tilespmem:v4+s25+$0xFFFFFF90 ss:$0x1], $0xffff;
	v34 =	vadd.f32 v34, v13;
	v13 =	vunpack.i.u.bf16.f32 v15;
	v15 =	vunpack.i.l.bf16.f32 v15  }
0x9f: {  	v52 =	vld.idx.msk [tilespmem:v4+s25+$0xFFFFFF10 ss:$0x1], $0xffff;
	v41 =	vmul.bf16 v43, v41;
	v38 =	vmul.bf16 v47, v38;
	v50 =	vunpack.i.l.bf16.f32 v25  }
0xa0: {  	v57 =	vld.idx.msk [tilespmem:v5+s25+$0xFFFFFF40 ss:$0x1], $0xffff;
	v54 =	vperm.xlane v21, v1;
	v30 =	vadd.f32 v34, v30;
	v50 =	vadd.f32 $0.0e+00, v50  }
0xa1: {  	v56 =	vld.idx.msk [tilespmem:v4+s25+$0xFFFFFEC0 ss:$0x1], $0xffff;
	v37 =	vadd.f32 v37, v39;
	v47 =	vunpack.i.u.bf16.f32 v41;
	v25 =	vunpack.i.u.bf16.f32 v25  }
0xa2: {  	v42 =	vld.idx.msk [tilespmem:v4+s25+$0xFFFFFE70 ss:$0x1], $0xffff;
	v41 =	vunpack.i.l.bf16.f32 v41;
	v14 =	vadd.f32 v14, v30;
	v25 =	vadd.f32 v50, v25  }
0xa3: {  	v39 =	vld.idx.msk [tilespmem:v4+s25+$0xFFFFFEE0 ss:$0x1], $0xffff;
	v21 =	vadd.f32 v21, v54;
	v23 =	vadd.f32 v23, v37;
	v28 =	vmul.bf16 v49, v28  }
0xa4: {  	v34 =	vld.idx.msk [tilespmem:v5+s25+$0xFFFFFE70 ss:$0x1], $0xffff;
	v46 =	vmul.bf16 v46, v52;
	v14 =	vadd.f32 v14, v12;
	v25 =	vadd.f32 v59, v25  }
0xa5: {  	v37 =	vld.idx.msk [tilespmem:v5+s25+$0xFFFFFEA0 ss:$0x1], $0xffff;
	v30 =	vperm.xlane v21, v2;
	v19 =	vadd.f32 v23, v19;
	v23 =	vunpack.i.u.bf16.f32 v33  }
0xa6: {  	v54 =	vld.idx.msk [tilespmem:v4+s25+$0xFFFFFE60 ss:$0x1], $0xffff;
	v63 =	vunpack.i.l.bf16.f32 v28;
	v58 =	vperm.xlane v14, v0;
	v23 =	vadd.f32 v25, v23  }
0xa7: {  	v49 =	vld.idx.msk [tilespmem:v5+s25+$0xFFFFFE60 ss:$0x1], $0xffff;
	v12 =	vadd.f32 v21, v30;
	v50 =	vadd.f32 $0.0e+00, v61;
	v25 =	vperm.xlane v19, v0  }
0xa8: {  	v21 =	vunpack.i.l.bf16.f32 v27;
	v27 =	vld.idx.msk [tilespmem:v4+s25+$0xFFFFFF50 ss:$0x1], $0xffff;
	v14 =	vadd.f32 v14, v58;
	v23 =	vadd.f32 v29, v23  }
0xa9: {  	v33 =	vld.idx.msk [tilespmem:v5+s25+$0xFFFFFE20 ss:$0x1], $0xffff;
	v28 =	vunpack.i.u.bf16.f32 v28;
	v19 =	vadd.f32 v19, v25;
	v29 =	vadd.f32 v50, v40  }
0xaa: {  	v34 =	vmul.bf16 v34, v42;
	v58 =	vld.idx.msk [tilespmem:v4+s25+$0xFFFFFF40 ss:$0x1], $0xffff;
	v60 =	vperm.xlane v14, v1;
	v36 =	vadd.f32 v23, v36  }
0xab: {  	v35 =	vmul.bf16 v37, v35;
	v25 =	vld.idx.msk [tilespmem:v4+s25+$0xFFFFFE20 ss:$0x1], $0xffff;
	v53 =	vperm.xlane v19, v1;
	v29 =	vadd.f32 v63, v29  }
0xac: {  	v30 =	vld.idx.msk [tilespmem:v5+s25+$0xFFFFFEE0 ss:$0x1], $0xffff;
	v49 =	vmul.bf16 v49, v54;
	v14 =	vadd.f32 v14, v60;
	v36 =	vadd.f32 v22, v36  }
0xad: {  	v55 =	vld.idx.msk [tilespmem:v5+s25+$0xFFFFFEC0 ss:$0x1], $0xffff;
	v27 =	vmul.bf16 v51, v27;
	v19 =	vadd.f32 v19, v53;
	v28 =	vadd.f32 v29, v28  }
0xae: {  	v59 =	vld.idx.msk [tilespmem:v5+s25+$0xFFFFFF00 ss:$0x1], $0xffff;
	v62 =	vperm.xlane v14, v2;
	v23 =	vmul.bf16 v48, v32;
	v48 =	vunpack.i.l.bf16.f32 v38  }
0xaf: {  	v29 =	vld.idx.msk [tilespmem:v5+s25+$0xFFFFFED0 ss:$0x1], $0xffff;
	v36 =	vadd.f32 v36, v17;
	v17 =	vperm.xlane v19, v2;
	v28 =	vadd.f32 v31, v28  }
0xb0: {  	v32 =	vmul.bf16 v57, v58;
	v14 =	vadd.f32 v14, v62;
	v25 =	vmul.bf16 v33, v25;
	v31 =	vld.idx.msk [tilespmem:v4+s25+$0xFFFFFF00 ss:$0x1], $0xffff  }
0xb1: {  	v53 =	vld.idx.msk [tilespmem:v4+s25+$0xFFFFFED0 ss:$0x1], $0xffff;
	v17 =	vadd.f32 v19, v17;
	v19 =	vmul.bf16 v30, v39;
	v28 =	vadd.f32 v28, v45  }
0xb2: {  	v43 =	vld.idx.msk [tilespmem:v4+s25+$0xFFFFFE50 ss:$0x1], $0xffff;
	v33 =	vunpack.i.l.bf16.f32 v35;
	v52 =	vunpack.i.l.bf16.f32 v25;
	v60 =	vperm.xlane v36, v0  }
0xb3: {  	v51 =	vld.idx.msk [tilespmem:v4+s25+$0xFFFFFE10 ss:$0x1], $0xffff;
	v40 =	vunpack.i.u.bf16.f32 v19;
	v42 =	vunpack.i.l.bf16.f32 v19;
	v19 =	vadd.f32 v24, v28  }
0xb4: {  	v30 =	vld.idx.msk [tilespmem:v5+s25+$0xFFFFFE90 ss:$0x1], $0xffff;
	v45 =	vunpack.i.u.bf16.f32 v27;
	v36 =	vadd.f32 v36, v60;
	v28 =	vunpack.i.l.bf16.f32 v32  }
0xb5: {  	v39 =	vld.idx.msk [tilespmem:v4+s25+$0xFFFFFE90 ss:$0x1], $0xffff;
	v31 =	vmul.bf16 v59, v31;
	v28 =	vadd.f32 $0.0e+00, v28;
	v19 =	vadd.f32 v19, v20  }
0xb6: {  	v29 =	vmul.bf16 v29, v53;
	v53 =	vld.idx.msk [tilespmem:v4+s25+$0xFFFFFE80 ss:$0x1], $0xffff;
	v32 =	vunpack.i.u.bf16.f32 v32;
	v50 =	vperm.xlane v36, v1  }
0xb7: {  	v24 =	vld.idx.msk [tilespmem:v5+s25+$0xFFFFFE10 ss:$0x1], $0xffff;
	v61 =	vunpack.i.l.bf16.f32 v31;
	v28 =	vadd.f32 v28, v32;
	v62 =	vperm.xlane v19, v0  }
0xb8: {  	v27 =	vunpack.i.l.bf16.f32 v27;
	v59 =	vld.idx.msk [tilespmem:v5+s25+$0xFFFFFE00 ss:$0x1], $0xffff;
	v36 =	vadd.f32 v36, v50;
	v50 =	vadd.f32 $0.0e+00, v61  }
0xb9: {  	v20 =	vld.idx.msk [tilespmem:v5+s25+$0xFFFFFE50 ss:$0x1], $0xffff;
	v31 =	vunpack.i.u.bf16.f32 v31;
	v27 =	vadd.f32 v27, v28;
	v28 =	vadd.f32 v19, v62  }
0xba: {  	v60 =	vunpack.i.l.bf16.f32 v46;
	v32 =	vld.idx.msk [tilespmem:v5+s25+$0xFFFFFE80 ss:$0x1], $0xffff;
	v63 =	vperm.xlane v36, v2;
	v31 =	vadd.f32 v50, v31  }
0xbb: {  	v46 =	vunpack.i.u.bf16.f32 v46;
	v62 =	vld.idx.msk [tilespmem:v4+s25+$0xFFFFFE00 ss:$0x1], $0xffff;
	v27 =	vadd.f32 v27, v45;
	v61 =	vperm.xlane v28, v1  }
0xbc: {  	v54 =	vunpack.i.u.bf16.f32 v29;
	v19 =	vadd.f32 v36, v63;
	v31 =	vadd.f32 v60, v31;
	v63 =	vld.idx.msk [tilespmem:v5+s25+$0xFFFFFE40 ss:$0x1], $0xffff  }
0xbd: {  	v30 =	vmul.bf16 v30, v39;
	v26 =	vadd.f32 v26, v27;
	v27 =	vadd.f32 v28, v61;
	v28 =	vld.idx.msk [tilespmem:v4+s25+$0xFFFFFE40 ss:$0x1], $0xffff  }
0xbe: {  	v29 =	vunpack.i.l.bf16.f32 v29;
	v24 =	vmul.bf16 v24, v51;
	v31 =	vadd.f32 v31, v46  }
0xbf: {  	v57 =	vunpack.i.l.bf16.f32 v30;
	v32 =	vmul.bf16 v32, v53;
	v26 =	vadd.f32 v26, v44  }
0xc0: {  	v20 =	vmul.bf16 v20, v43;
	v36 =	vmul.bf16 v59, v62;
	v31 =	vadd.f32 v41, v31  }
0xc1: {  	v62 =	vunpack.i.l.bf16.f32 v32;
	v16 =	vadd.f32 v16, v26;
	v26 =	vmul.bf16 v55, v56  }
0xc2: {  	v60 =	vunpack.i.l.bf16.f32 v36;
	v31 =	vadd.f32 v31, v47;
	v28 =	vmul.bf16 v63, v28  }
0xc3: {  	v58 =	vunpack.i.l.bf16.f32 v24;
	v44 =	vadd.f32 $0.0e+00, v60;
	v47 =	vadd.f32 $0.0e+00, v62  }
0xc4: {  	v59 =	vunpack.i.u.bf16.f32 v26;
	v26 =	vunpack.i.l.bf16.f32 v26;
	v61 =	vunpack.i.l.bf16.f32 v28  }
0xc5: {  	v36 =	vunpack.i.u.bf16.f32 v36;
	v26 =	vadd.f32 $0.0e+00, v26;
	v46 =	vadd.f32 $0.0e+00, v61  }
0xc6: {  	v11 =	vadd.f32 v16, v11;
	v36 =	vadd.f32 v44, v36;
	v28 =	vunpack.i.u.bf16.f32 v28  }
0xc7: {  	v32 =	vunpack.i.u.bf16.f32 v32;
	v26 =	vadd.f32 v26, v59;
	v28 =	vadd.f32 v46, v28  }
0xc8: {  	v63 =	vunpack.i.l.bf16.f32 v20;
	v32 =	vadd.f32 v47, v32;
	v36 =	vadd.f32 v58, v36  }
0xc9: {  	v24 =	vunpack.i.u.bf16.f32 v24;
	v26 =	vadd.f32 v29, v26;
	v28 =	vadd.f32 v63, v28  }
0xca: {  	v20 =	vunpack.i.u.bf16.f32 v20;
	v32 =	vadd.f32 v57, v32;
	v24 =	vadd.f32 v36, v24  }
0xcb: {  	v26 =	vadd.f32 v26, v54;
	v20 =	vadd.f32 v28, v20;
	v28 =	vunpack.i.u.bf16.f32 v30  }
0xcc: {  	v29 =	vunpack.i.l.bf16.f32 v49;
	v24 =	vadd.f32 v52, v24;
	v28 =	vadd.f32 v32, v28  }
0xcd: {  	v25 =	vunpack.i.u.bf16.f32 v25;
	v26 =	vadd.f32 v42, v26;
	v20 =	vadd.f32 v29, v20  }
0xce: {  	v24 =	vadd.f32 v24, v25;
	v29 =	vunpack.i.u.bf16.f32 v49;
	v28 =	vadd.f32 v33, v28  }
0xcf: {  	v25 =	vunpack.i.u.bf16.f32 v35;
	v26 =	vadd.f32 v26, v40;
	v20 =	vadd.f32 v20, v29  }
0xd0: {  	v24 =	vadd.f32 v48, v24;
	v29 =	vunpack.i.l.bf16.f32 v34;
	v25 =	vadd.f32 v28, v25  }
0xd1: {  	v22 =	vunpack.i.l.bf16.f32 v23;
	v21 =	vadd.f32 v21, v26;
	v20 =	vadd.f32 v29, v20  }
0xd2: {  	v28 =	vunpack.i.u.bf16.f32 v38;
	v29 =	vunpack.i.u.bf16.f32 v34;
	v22 =	vadd.f32 v22, v25  }
0xd3: {  	v23 =	vunpack.i.u.bf16.f32 v23;
	v24 =	vadd.f32 v24, v28;
	v20 =	vadd.f32 v20, v29  }
0xd4: {  	v15 =	vadd.f32 v15, v31;
	v22 =	vadd.f32 v22, v23  }
0xd5: {  	v18 =	vadd.f32 v21, v18;
	v25 =	vperm.xlane v24, v0;
	v26 =	vperm.xlane v20, v0  }
0xd6: {  	v13 =	vadd.f32 v15, v13;
	v23 =	vperm.xlane v27, v2;
	v21 =	vperm.xlane v22, v0  }
0xd7: {  	v15 =	vadd.f32 v24, v25;
	v16 =	vadd.f32 v20, v26;
	v20 =	vperm.xlane v18, v0  }
0xd8: {  	v24 =	vperm.xlane v11, v0;
	v21 =	vadd.f32 v22, v21;
	v22 =	vperm.xlane v13, v0  }
0xd9: {  	v25 =	vperm.xlane v15, v1;
	v26 =	vperm.xlane v16, v1;
	v18 =	vadd.f32 v18, v20  }
0xda: {  	v11 =	vadd.f32 v11, v24;
	v20 =	vperm.xlane v21, v1;
	v13 =	vadd.f32 v13, v22  }
0xdb: {  	v15 =	vadd.f32 v15, v25;
	v16 =	vadd.f32 v16, v26;
	v22 =	vperm.xlane v18, v1  }
0xdc: {  	v24 =	vperm.xlane v11, v1;
	v20 =	vadd.f32 v21, v20;
	v21 =	vperm.xlane v13, v1  }
0xdd: {  	v25 =	vperm.xlane v15, v2;
	v26 =	vperm.xlane v16, v2;
	v18 =	vadd.f32 v18, v22  }
0xde: {  	v11 =	vadd.f32 v11, v24;
	v22 =	vperm.xlane v20, v2;
	v13 =	vadd.f32 v13, v21  }
0xdf: {  	v15 =	vadd.f32 v15, v25;
	v16 =	vadd.f32 v16, v26;
	v21 =	vperm.xlane v18, v2  }
0xe0: {  	v24 =	vperm.xlane v11, v2;
	v20 =	vadd.f32 v20, v22;
	v22 =	vperm.xlane v13, v2  }
0xe1: {  	v25 =	vperm.xlane v15, v3;
	v26 =	vperm.xlane v16, v3;
	v18 =	vadd.f32 v18, v21  }
0xe2: {  	v11 =	vadd.f32 v11, v24;
	v21 =	vperm.xlane v20, v3;
	v13 =	vadd.f32 v13, v22  }
0xe3: {  	v15 =	vadd.f32 v15, v25;
	v16 =	vadd.f32 v16, v26;
	v22 =	vperm.xlane v18, v3  }
0xe4: {  	v23 =	vadd.f32 v27, v23;
	v20 =	vadd.f32 v20, v21;
	v21 =	vperm.xlane v13, v3  }
0xe5: {  	v15 =	vsel vm0, v15, v16;
	v16 =	vadd.f32 v18, v22;
	v18 =	vperm.xlane v11, v3  }
0xe6: {  	v15 =	vsel vm1, v15, v20;
	v13 =	vadd.f32 v13, v21;
	v20 =	vperm.xlane v23, v3  }
0xe7: {  	v15 =	vsel vm2, v15, v16;
	v11 =	vadd.f32 v11, v18;
	v16 =	vperm.xlane v19, v3  }
0xe8: {  	v18 =	vperm.xlane v17, v3;
	v13 =	vsel vm3, v15, v13;
	v15 =	vadd.f32 v23, v20  }
0xe9: {  	v11 =	vsel vm4, v13, v11;
	v13 =	vadd.f32 v19, v16;
	v16 =	vperm.xlane v14, v3  }
0xea: {  	v11 =	vsel vm5, v11, v15;
	v15 =	vadd.f32 v17, v18;
	v17 =	vperm.xlane v12, v3  }
0xeb: {  	v11 =	vsel vm6, v11, v13;
	v13 =	vadd.f32 v14, v16;
	v14 =	vperm.xlane v10, v3  }
0xec: {  	v11 =	vsel vm7, v11, v15;
	v12 =	vadd.f32 v12, v17;
	v15 =	vperm.xlane v9, v3  }
0xed: {  	v11 =	vsel vm8, v11, v13;
	v10 =	vadd.f32 v10, v14;
	v13 =	vperm.xlane v8, v3  }
0xee: {  	v11 =	vsel vm9, v11, v12;
	v9 =	vadd.f32 v9, v15;
	v12 =	vperm.xlane v7, v3  }
0xef: {  	v10 =	vsel vm10, v11, v10;
	v8 =	vadd.f32 v8, v13;
	v11 =	vperm.xlane v6, v3  }
0xf0: {  	v9 =	vsel vm11, v10, v9;
	v7 =	vadd.f32 v7, v12  }
0xf1: {  	v8 =	vsel vm12, v9, v8;
	v6 =	vadd.f32 v6, v11  }
0xf2: {  	v7 =	vsel vm13, v8, v7  }
0xf3: {  	v6 =	vsel vm14, v7, v6  }
0xf4: {  	s20 =	simm.s32 $0x400;
	[tilespmem:s21+$0x0] =	vst v6  }
0xf5: {  	v6 =	vld.idx.msk [tilespmem:v5+s20+$0x1F0 ss:$0x1], $0xffff  }
0xf6: {  	v7 =	vld.idx.msk [tilespmem:v4+s20+$0x1F0 ss:$0x1], $0xffff  }
0xf7: {  	v8 =	vld.idx.msk [tilespmem:v5+s20+$0x1B0 ss:$0x1], $0xffff  }
0xf8: {  	v9 =	vld.idx.msk [tilespmem:v4+s20+$0x1B0 ss:$0x1], $0xffff  }
0xf9: {  	v10 =	vld.idx.msk [tilespmem:v5+s20+$0x170 ss:$0x1], $0xffff  }
0xfa: {  	v11 =	vld.idx.msk [tilespmem:v4+s20+$0x170 ss:$0x1], $0xffff  }
0xfb: {  	v12 =	vld.idx.msk [tilespmem:v5+s20+$0x1E0 ss:$0x1], $0xffff  }
0xfc: {  	v13 =	vld.idx.msk [tilespmem:v4+s20+$0x1E0 ss:$0x1], $0xffff  }
0xfd: {  	v14 =	vld.idx.msk [tilespmem:v5+s20+$0x130 ss:$0x1], $0xffff  }
0xfe: {  	v15 =	vld.idx.msk [tilespmem:v4+s20+$0x130 ss:$0x1], $0xffff  }
0xff: {  	v16 =	vld.idx.msk [tilespmem:v5+s20+$0x1A0 ss:$0x1], $0xffff  }
0x100: {  	v17 =	vld.idx.msk [tilespmem:v4+s20+$0x1A0 ss:$0x1], $0xffff  }
0x101: {  	v18 =	vld.idx.msk [tilespmem:v5+s20+$0xF0 ss:$0x1], $0xffff  }
0x102: {  	v19 =	vld.idx.msk [tilespmem:v4+s20+$0xF0 ss:$0x1], $0xffff  }
0x103: {  	v20 =	vld.idx.msk [tilespmem:v5+s20+$0x160 ss:$0x1], $0xffff  }
0x104: {  	v21 =	vld.idx.msk [tilespmem:v4+s20+$0x160 ss:$0x1], $0xffff  }
0x105: {  	v22 =	vld.idx.msk [tilespmem:v5+s20+$0x1D0 ss:$0x1], $0xffff  }
0x106: {  	v23 =	vld.idx.msk [tilespmem:v4+s20+$0x1D0 ss:$0x1], $0xffff  }
0x107: {  	v24 =	vld.idx.msk [tilespmem:v5+s20+$0x1C0 ss:$0x1], $0xffff  }
0x108: {  	v25 =	vld.idx.msk [tilespmem:v4+s20+$0x1C0 ss:$0x1], $0xffff  }
0x109: {  	v26 =	vld.idx.msk [tilespmem:v5+s20+$0xB0 ss:$0x1], $0xffff  }
0x10a: {  	v28 =	vld.idx.msk [tilespmem:v5+s20+$0x120 ss:$0x1], $0xffff  }
0x10b: {  	v29 =	vld.idx.msk [tilespmem:v4+s20+$0x120 ss:$0x1], $0xffff  }
0x10c: {  	v30 =	vld.idx.msk [tilespmem:v5+s20+$0x190 ss:$0x1], $0xffff  }
0x10d: {  	v31 =	vld.idx.msk [tilespmem:v4+s20+$0x190 ss:$0x1], $0xffff  }
0x10e: {  	v38 =	vld.idx.msk [tilespmem:v5+s20+$0x60 ss:$0x1], $0xffff  }
0x10f: {  	v34 =	vld.idx.msk [tilespmem:v4+s20+$0x60 ss:$0x1], $0xffff;
	v6 =	vmul.bf16 v6, v7;
	v8 =	vmul.bf16 v8, v9  }
0x110: {  	v27 =	vld.idx.msk [tilespmem:v4+s20+$0xB0 ss:$0x1], $0xffff;
	v9 =	vmul.bf16 v24, v25;
	v10 =	vmul.bf16 v10, v11  }
0x111: {  	v52 =	vld.idx.msk [tilespmem:v5+s20+$0x70 ss:$0x1], $0xffff;
	v22 =	vmul.bf16 v22, v23;
	v12 =	vmul.bf16 v12, v13  }
0x112: {  	v54 =	vld.idx.msk [tilespmem:v4+s20+$0xE0 ss:$0x1], $0xffff;
	v16 =	vmul.bf16 v16, v17;
	v18 =	vmul.bf16 v18, v19  }
0x113: {  	v7 =	vld.idx.msk [tilespmem:v5+s20+$0x180 ss:$0x1], $0xffff;
	v30 =	vmul.bf16 v30, v31;
	v20 =	vmul.bf16 v20, v21  }
0x114: {  	v24 =	vld.idx.msk [tilespmem:v4+s20+$0x180 ss:$0x1], $0xffff;
	v28 =	vmul.bf16 v28, v29;
	v34 =	vmul.bf16 v38, v34;
	v25 =	vunpack.i.u.bf16.f32 v6  }
0x115: {  	v56 =	vld.idx.msk [tilespmem:v5+s20+$0x140 ss:$0x1], $0xffff;
	v48 =	vunpack.i.u.bf16.f32 v8;
	v51 =	vunpack.i.l.bf16.f32 v9;
	v6 =	vunpack.i.l.bf16.f32 v6  }
0x116: {  	v57 =	vld.idx.msk [tilespmem:v4+s20+$0xA0 ss:$0x1], $0xffff;
	v53 =	vunpack.i.l.bf16.f32 v8;
	v9 =	vunpack.i.u.bf16.f32 v9;
	v8 =	vadd.f32 $0.0e+00, v51  }
0x117: {  	v23 =	vld.idx.msk [tilespmem:v5+s20+$0xE0 ss:$0x1], $0xffff;
	v33 =	vunpack.i.u.bf16.f32 v10;
	v36 =	vunpack.i.l.bf16.f32 v10;
	v10 =	vunpack.i.l.bf16.f32 v22  }
0x118: {  	v59 =	vld.idx.msk [tilespmem:v4+s20+$0xFFFFFFF0 ss:$0x1], $0xffff;
	v13 =	vunpack.i.u.bf16.f32 v12;
	v12 =	vunpack.i.l.bf16.f32 v12;
	v8 =	vadd.f32 v8, v9  }
0x119: {  	v61 =	vld.idx.msk [tilespmem:v4+s20+$0xC0 ss:$0x1], $0xffff;
	v17 =	vunpack.i.u.bf16.f32 v22;
	v9 =	vmul.bf16 v14, v15;
	v7 =	vmul.bf16 v7, v24  }
0x11a: {  	v55 =	vunpack.i.u.bf16.f32 v16;
	v16 =	vunpack.i.l.bf16.f32 v16;
	v14 =	vld.idx.msk [tilespmem:v5+s20+$0x150 ss:$0x1], $0xffff;
	v10 =	vadd.f32 v10, v8  }
0x11b: {  	v15 =	vld.idx.msk [tilespmem:v4+s20+$0x150 ss:$0x1], $0xffff;
	v8 =	vunpack.i.u.bf16.f32 v9;
	v24 =	vunpack.i.l.bf16.f32 v9;
	v9 =	vunpack.i.l.bf16.f32 v7  }
0x11c: {  	v11 =	vld.idx.msk [tilespmem:v4+s20+$0x70 ss:$0x1], $0xffff;
	v21 =	vunpack.i.l.bf16.f32 v30;
	v23 =	vmul.bf16 v23, v54;
	v19 =	vadd.f32 $0.0e+00, v9  }
0x11d: {  	v31 =	vld.idx.msk [tilespmem:v4+s20+$0x140 ss:$0x1], $0xffff;
	v35 =	vunpack.i.u.bf16.f32 v34;
	v7 =	vunpack.i.u.bf16.f32 v7;
	v10 =	vadd.f32 v10, v17  }
0x11e: {  	v22 =	vld.idx.msk [tilespmem:v5+s20+$0x30 ss:$0x1], $0xffff;
	v34 =	vunpack.i.l.bf16.f32 v34;
	v41 =	vunpack.i.u.bf16.f32 v23;
	v7 =	vadd.f32 v19, v7  }
0x11f: {  	v23 =	vunpack.i.l.bf16.f32 v23;
	v9 =	vunpack.i.u.bf16.f32 v18;
	v17 =	vld.idx.msk [tilespmem:v4+s20+$0x30 ss:$0x1], $0xffff;
	v10 =	vadd.f32 v12, v10  }
0x120: {  	v29 =	vld.idx.msk [tilespmem:v5+s20+$0x100 ss:$0x1], $0xffff;
	v15 =	vmul.bf16 v14, v15;
	v12 =	vunpack.i.l.bf16.f32 v18;
	v7 =	vadd.f32 v21, v7  }
0x121: {  	v19 =	vld.idx.msk [tilespmem:v5+s20+$0xA0 ss:$0x1], $0xffff;
	v21 =	vunpack.i.u.bf16.f32 v20;
	v20 =	vunpack.i.l.bf16.f32 v20;
	v10 =	vadd.f32 v10, v13  }
0x122: {  	v18 =	vld.idx.msk [tilespmem:v5+s20+$0x110 ss:$0x1], $0xffff;
	v13 =	vmul.bf16 v26, v27;
	v26 =	vunpack.i.u.bf16.f32 v30;
	v30 =	vmul.bf16 v56, v31  }
0x123: {  	v27 =	vld.idx.msk [tilespmem:v4+s20+$0x110 ss:$0x1], $0xffff;
	v31 =	vunpack.i.u.bf16.f32 v28;
	v28 =	vunpack.i.l.bf16.f32 v28;
	v7 =	vadd.f32 v7, v26  }
0x124: {  	v26 =	vld.idx.msk [tilespmem:v5+s20+$0xFFFFFFF0 ss:$0x1], $0xffff;
	v17 =	vmul.bf16 v22, v17;
	v6 =	vadd.f32 v6, v10;
	v10 =	vunpack.i.u.bf16.f32 v13  }
0x125: {  	v22 =	vld.idx.msk [tilespmem:v5+s20+$0xC0 ss:$0x1], $0xffff;
	v13 =	vunpack.i.l.bf16.f32 v13;
	v49 =	vunpack.i.l.bf16.f32 v30;
	v7 =	vadd.f32 v16, v7  }
0x126: {  	v30 =	vunpack.i.u.bf16.f32 v30;
	v16 =	vld.idx.msk [tilespmem:v4+s20+$0x100 ss:$0x1], $0xffff;
	v50 =	vadd.f32 $0.0e+00, v49;
	v6 =	vadd.f32 v6, v25  }
0x127: {  	v56 =	vld.idx.msk [tilespmem:v5+s20+$0x20 ss:$0x1], $0xffff;
	v19 =	vmul.bf16 v19, v57;
	v25 =	vmul.bf16 v52, v11;
	v7 =	vadd.f32 v7, v55  }
0x128: {  	v52 =	vld.idx.msk [tilespmem:v4+s20+$0xD0 ss:$0x1], $0xffff;
	v30 =	vadd.f32 v50, v30;
	v18 =	vmul.bf16 v18, v27;
	v58 =	vperm.xlane v6, v0  }
0x129: {  	v27 =	vld.idx.msk [tilespmem:v4+s20+$0x20 ss:$0x1], $0xffff;
	v11 =	vunpack.i.u.bf16.f32 v25;
	v14 =	vunpack.i.l.bf16.f32 v25;
	v26 =	vmul.bf16 v26, v59  }
0x12a: {  	v25 =	vld.idx.msk [tilespmem:v5+s20+$0xD0 ss:$0x1], $0xffff;
	v22 =	vmul.bf16 v22, v61;
	v7 =	vadd.f32 v53, v7;
	v53 =	vunpack.i.l.bf16.f32 v15  }
0x12b: {  	v6 =	vadd.f32 v6, v58;
	v16 =	vmul.bf16 v29, v16;
	v29 =	vadd.f32 v53, v30  }
0x12c: {  	v15 =	vunpack.i.u.bf16.f32 v15;
	v63 =	vunpack.i.l.bf16.f32 v18;
	v7 =	vadd.f32 v7, v48  }
0x12d: {  	v39 =	vld.idx.msk [tilespmem:v5+s20+$0xFFFFFFA0 ss:$0x1], $0xffff;
	v51 =	vperm.xlane v6, v1;
	v60 =	vunpack.i.l.bf16.f32 v16;
	v15 =	vadd.f32 v29, v15  }
0x12e: {  	v49 =	vld.idx.msk [tilespmem:v5+s20+$0xFFFFFF70 ss:$0x1], $0xffff;
	v16 =	vunpack.i.u.bf16.f32 v16;
	v27 =	vmul.bf16 v56, v27;
	v55 =	vperm.xlane v7, v0  }
0x12f: {  	v50 =	vld.idx.msk [tilespmem:v4+s20+$0xFFFFFF70 ss:$0x1], $0xffff;
	v43 =	vadd.f32 $0.0e+00, v60;
	v25 =	vmul.bf16 v25, v52;
	v15 =	vadd.f32 v20, v15  }
0x130: {  	v53 =	vld.idx.msk [tilespmem:v4+s20+$0x10 ss:$0x1], $0xffff;
	v6 =	vadd.f32 v6, v51;
	v20 =	vunpack.i.u.bf16.f32 v17;
	v7 =	vadd.f32 v7, v55  }
0x131: {  	v52 =	vld.idx.msk [tilespmem:v5+s20+$0x10 ss:$0x1], $0xffff;
	v51 =	vunpack.i.u.bf16.f32 v19;
	v16 =	vadd.f32 v43, v16;
	v15 =	vadd.f32 v15, v21  }
0x132: {  	v57 =	vld.idx.msk [tilespmem:v5+s20+$0x80 ss:$0x1], $0xffff;
	v19 =	vunpack.i.l.bf16.f32 v19;
	v29 =	vperm.xlane v6, v2;
	v62 =	vperm.xlane v7, v1  }
0x133: {  	v58 =	vld.idx.msk [tilespmem:v4+s20+$0x80 ss:$0x1], $0xffff;
	v21 =	vunpack.i.l.bf16.f32 v17;
	v16 =	vadd.f32 v63, v16;
	v15 =	vadd.f32 v36, v15  }
0x134: {  	v48 =	vld.idx.msk [tilespmem:v4+s20+$0x90 ss:$0x1], $0xffff;
	v17 =	vunpack.i.u.bf16.f32 v18;
	v6 =	vadd.f32 v6, v29;
	v7 =	vadd.f32 v7, v62  }
0x135: {  	v29 =	vld.idx.msk [tilespmem:v5+s20+$0x90 ss:$0x1], $0xffff;
	v36 =	vmul.bf16 v49, v50;
	v16 =	vadd.f32 v16, v17;
	v15 =	vadd.f32 v15, v33  }
0x136: {  	v42 =	vld.idx.msk [tilespmem:v4+s20+$0xFFFFFEF0 ss:$0x1], $0xffff;
	v18 =	vunpack.i.u.bf16.f32 v26;
	v37 =	vmul.bf16 v52, v53;
	v17 =	vperm.xlane v7, v2  }
0x137: {  	v56 =	vld.idx.msk [tilespmem:v5+s20+$0x0 ss:$0x1], $0xffff;
	v16 =	vadd.f32 v28, v16;
	v28 =	vunpack.i.l.bf16.f32 v22;
	v59 =	vperm.xlane v15, v0  }
0x138: {  	v60 =	vld.idx.msk [tilespmem:v4+s20+$0xFFFFFFE0 ss:$0x1], $0xffff;
	v33 =	vmul.bf16 v57, v58;
	v28 =	vadd.f32 $0.0e+00, v28;
	v7 =	vadd.f32 v7, v17  }
0x139: {  	v17 =	vld.idx.msk [tilespmem:v5+s20+$0xFFFFFFE0 ss:$0x1], $0xffff;
	v16 =	vadd.f32 v16, v31;
	v31 =	vunpack.i.u.bf16.f32 v22;
	v15 =	vadd.f32 v15, v59  }
0x13a: {  	v58 =	vld.idx.msk [tilespmem:v4+s20+$0x0 ss:$0x1], $0xffff;
	v22 =	vunpack.i.l.bf16.f32 v26;
	v45 =	vmul.bf16 v29, v48;
	v28 =	vadd.f32 v28, v31  }
0x13b: {  	v54 =	vld.idx.msk [tilespmem:v5+s20+$0xFFFFFFB0 ss:$0x1], $0xffff;
	v31 =	vunpack.i.l.bf16.f32 v25;
	v16 =	vadd.f32 v24, v16;
	v62 =	vperm.xlane v15, v1  }
0x13c: {  	v30 =	vld.idx.msk [tilespmem:v4+s20+$0xFFFFFFB0 ss:$0x1], $0xffff;
	v28 =	vadd.f32 v31, v28;
	v31 =	vunpack.i.l.bf16.f32 v33;
	v33 =	vunpack.i.u.bf16.f32 v33  }
0x13d: {  	v40 =	vld.idx.msk [tilespmem:v4+s20+$0xFFFFFF20 ss:$0x1], $0xffff;
	v8 =	vadd.f32 v16, v8;
	v16 =	vunpack.i.u.bf16.f32 v25;
	v31 =	vadd.f32 $0.0e+00, v31  }
0x13e: {  	v25 =	vld.idx.msk [tilespmem:v4+s20+$0xFFFFFFA0 ss:$0x1], $0xffff;
	v15 =	vadd.f32 v15, v62;
	v16 =	vadd.f32 v28, v16;
	v17 =	vmul.bf16 v17, v60  }
0x13f: {  	v46 =	vld.idx.msk [tilespmem:v5+s20+$0xFFFFFE30 ss:$0x1], $0xffff;
	v28 =	vperm.xlane v8, v0;
	v31 =	vadd.f32 v31, v33;
	v33 =	vmul.bf16 v56, v58  }
0x140: {  	v47 =	vld.idx.msk [tilespmem:v4+s20+$0xFFFFFE30 ss:$0x1], $0xffff;
	v29 =	vperm.xlane v15, v2;
	v16 =	vadd.f32 v23, v16;
	v44 =	vunpack.i.u.bf16.f32 v17  }
0x141: {  	v49 =	vunpack.i.l.bf16.f32 v17;
	v23 =	vadd.f32 v8, v28;
	v28 =	vmul.bf16 v54, v30;
	v30 =	vld.idx.msk [tilespmem:v5+s20+$0x40 ss:$0x1], $0xffff  }
0x142: {  	v54 =	vunpack.i.l.bf16.f32 v45;
	v8 =	vadd.f32 v15, v29;
	v15 =	vld.idx.msk [tilespmem:v4+s20+$0x40 ss:$0x1], $0xffff;
	v16 =	vadd.f32 v16, v41  }
0x143: {  	v38 =	vld.idx.msk [tilespmem:v5+s20+$0xFFFFFF20 ss:$0x1], $0xffff;
	v45 =	vunpack.i.u.bf16.f32 v45;
	v32 =	vadd.f32 v54, v31;
	v25 =	vmul.bf16 v39, v25  }
0x144: {  	v61 =	vld.idx.msk [tilespmem:v5+s20+$0x50 ss:$0x1], $0xffff;
	v55 =	vperm.xlane v23, v1;
	v29 =	vunpack.i.u.bf16.f32 v28;
	v12 =	vadd.f32 v12, v16  }
0x145: {  	v41 =	vld.idx.msk [tilespmem:v5+s20+$0xFFFFFEF0 ss:$0x1], $0xffff;
	v31 =	vunpack.i.l.bf16.f32 v28;
	v28 =	vunpack.i.u.bf16.f32 v27;
	v32 =	vadd.f32 v32, v45  }
0x146: {  	v26 =	vld.idx.msk [tilespmem:v4+s20+$0x50 ss:$0x1], $0xffff;
	v27 =	vunpack.i.l.bf16.f32 v27;
	v53 =	vunpack.i.u.bf16.f32 v25;
	v57 =	vadd.f32 v12, v9  }
0x147: {  	v43 =	vld.idx.msk [tilespmem:v4+s20+$0xFFFFFFD0 ss:$0x1], $0xffff;
	v16 =	vadd.f32 v23, v55;
	v19 =	vadd.f32 v19, v32;
	v15 =	vmul.bf16 v30, v15  }
0x148: {  	v63 =	vld.idx.msk [tilespmem:v4+s20+$0xFFFFFF30 ss:$0x1], $0xffff;
	v25 =	vunpack.i.l.bf16.f32 v25;
	v12 =	vunpack.i.u.bf16.f32 v36;
	v30 =	vperm.xlane v57, v0  }
0x149: {  	v52 =	vld.idx.msk [tilespmem:v5+s20+$0xFFFFFE70 ss:$0x1], $0xffff;
	v9 =	vperm.xlane v16, v2;
	v19 =	vadd.f32 v19, v51;
	v59 =	vunpack.i.l.bf16.f32 v15  }
0x14a: {  	v50 =	vld.idx.msk [tilespmem:v4+s20+$0xFFFFFEE0 ss:$0x1], $0xffff;
	v58 =	vmul.bf16 v41, v42;
	v30 =	vadd.f32 v57, v30;
	v17 =	vadd.f32 $0.0e+00, v59  }
0x14b: {  	v24 =	vld.idx.msk [tilespmem:v5+s20+$0xFFFFFF30 ss:$0x1], $0xffff;
	v15 =	vunpack.i.u.bf16.f32 v15;
	v13 =	vadd.f32 v13, v19;
	v19 =	vmul.bf16 v61, v26  }
0x14c: {  	v60 =	vld.idx.msk [tilespmem:v5+s20+$0xFFFFFFC0 ss:$0x1], $0xffff;
	v9 =	vadd.f32 v16, v9;
	v26 =	vperm.xlane v30, v1;
	v15 =	vadd.f32 v17, v15  }
0x14d: {  	v23 =	vld.idx.msk [tilespmem:v5+s20+$0xFFFFFF60 ss:$0x1], $0xffff;
	v10 =	vadd.f32 v13, v10;
	v13 =	vunpack.i.u.bf16.f32 v19;
	v17 =	vunpack.i.l.bf16.f32 v19  }
0x14e: {  	v32 =	vld.idx.msk [tilespmem:v4+s20+$0xFFFFFF60 ss:$0x1], $0xffff;
	v19 =	vadd.f32 v30, v26;
	v26 =	vunpack.i.l.bf16.f32 v33;
	v15 =	vadd.f32 v17, v15  }
0x14f: {  	v62 =	vld.idx.msk [tilespmem:v4+s20+$0xFFFFFFC0 ss:$0x1], $0xffff;
	v16 =	vunpack.i.l.bf16.f32 v36;
	v17 =	vperm.xlane v10, v0;
	v26 =	vadd.f32 $0.0e+00, v26  }
0x150: {  	v36 =	vld.idx.msk [tilespmem:v5+s20+$0xFFFFFFD0 ss:$0x1], $0xffff;
	v33 =	vunpack.i.u.bf16.f32 v33;
	v61 =	vperm.xlane v19, v2;
	v13 =	vadd.f32 v15, v13  }
0x151: {  	v30 =	vld.idx.msk [tilespmem:v5+s20+$0xFFFFFF90 ss:$0x1], $0xffff;
	v15 =	vadd.f32 v10, v17;
	v17 =	vmul.bf16 v24, v63;
	v26 =	vadd.f32 v26, v33  }
0x152: {  	v24 =	vld.idx.msk [tilespmem:v4+s20+$0xFFFFFF90 ss:$0x1], $0xffff;
	v10 =	vadd.f32 v19, v61;
	v19 =	vunpack.i.l.bf16.f32 v37;
	v63 =	vadd.f32 v34, v13  }
0x153: {  	v48 =	vld.idx.msk [tilespmem:v4+s20+$0xFFFFFEB0 ss:$0x1], $0xffff;
	v23 =	vmul.bf16 v23, v32;
	v56 =	vperm.xlane v15, v1;
	v19 =	vadd.f32 v19, v26  }
0x154: {  	v54 =	vld.idx.msk [tilespmem:v4+s20+$0xFFFFFEA0 ss:$0x1], $0xffff;
	v13 =	vunpack.i.u.bf16.f32 v17;
	v26 =	vunpack.i.u.bf16.f32 v37;
	v33 =	vadd.f32 v63, v35  }
0x155: {  	v59 =	vld.idx.msk [tilespmem:v4+s20+$0xFFFFFF80 ss:$0x1], $0xffff;
	v34 =	vadd.f32 v15, v56;
	v15 =	vunpack.i.l.bf16.f32 v17;
	v17 =	vadd.f32 v19, v26  }
0x156: {  	v36 =	vmul.bf16 v36, v43;
	v26 =	vld.idx.msk [tilespmem:v5+s20+$0xFFFFFF80 ss:$0x1], $0xffff;
	v19 =	vmul.bf16 v60, v62;
	v14 =	vadd.f32 v14, v33  }
0x157: {  	v45 =	vld.idx.msk [tilespmem:v5+s20+$0xFFFFFEB0 ss:$0x1], $0xffff;
	v24 =	vmul.bf16 v30, v24;
	v57 =	vperm.xlane v34, v2;
	v27 =	vadd.f32 v27, v17  }
0x158: {  	v55 =	vld.idx.msk [tilespmem:v5+s20+$0xFFFFFF10 ss:$0x1], $0xffff;
	v60 =	vunpack.i.l.bf16.f32 v19;
	v17 =	vunpack.i.u.bf16.f32 v58;
	v14 =	vadd.f32 v14, v11  }
0x159: {  	v41 =	vld.idx.msk [tilespmem:v5+s20+$0xFFFFFEE0 ss:$0x1], $0xffff;
	v62 =	vunpack.i.u.bf16.f32 v19;
	v61 =	vadd.f32 $0.0e+00, v60;
	v27 =	vadd.f32 v27, v28  }
0x15a: {  	v51 =	vld.idx.msk [tilespmem:v5+s20+$0xFFFFFEA0 ss:$0x1], $0xffff;
	v19 =	vunpack.i.l.bf16.f32 v58;
	v11 =	vadd.f32 v34, v57;
	v63 =	vperm.xlane v14, v0  }
0x15b: {  	v43 =	vld.idx.msk [tilespmem:v4+s20+$0xFFFFFF50 ss:$0x1], $0xffff;
	v33 =	vadd.f32 v61, v62;
	v39 =	vmul.bf16 v26, v59;
	v21 =	vadd.f32 v21, v27  }
0x15c: {  	v37 =	vld.idx.msk [tilespmem:v4+s20+$0xFFFFFE70 ss:$0x1], $0xffff;
	v26 =	vunpack.i.u.bf16.f32 v23;
	v27 =	vunpack.i.l.bf16.f32 v36;
	v14 =	vadd.f32 v14, v63  }
0x15d: {  	v56 =	vld.idx.msk [tilespmem:v4+s20+$0xFFFFFF10 ss:$0x1], $0xffff;
	v27 =	vadd.f32 v27, v33;
	v60 =	vunpack.i.l.bf16.f32 v39;
	v20 =	vadd.f32 v21, v20  }
0x15e: {  	v35 =	vld.idx.msk [tilespmem:v5+s20+$0xFFFFFED0 ss:$0x1], $0xffff;
	v21 =	vunpack.i.u.bf16.f32 v36;
	v34 =	vadd.f32 $0.0e+00, v60;
	v42 =	vperm.xlane v14, v1  }
0x15f: {  	v30 =	vld.idx.msk [tilespmem:v5+s20+$0xFFFFFE60 ss:$0x1], $0xffff;
	v32 =	vunpack.i.u.bf16.f32 v39;
	v21 =	vadd.f32 v27, v21;
	v27 =	vperm.xlane v20, v0  }
0x160: {  	v58 =	vld.idx.msk [tilespmem:v4+s20+$0xFFFFFE20 ss:$0x1], $0xffff;
	v33 =	vunpack.i.l.bf16.f32 v23;
	v23 =	vadd.f32 v34, v32;
	v14 =	vadd.f32 v14, v42  }
0x161: {  	v28 =	vld.idx.msk [tilespmem:v5+s20+$0xFFFFFF50 ss:$0x1], $0xffff;
	v61 =	vunpack.i.l.bf16.f32 v24;
	v21 =	vadd.f32 v49, v21;
	v20 =	vadd.f32 v20, v27  }
0x162: {  	v60 =	vmul.bf16 v38, v40;
	v38 =	vld.idx.msk [tilespmem:v5+s20+$0xFFFFFF00 ss:$0x1], $0xffff;
	v23 =	vadd.f32 v61, v23;
	v27 =	vperm.xlane v14, v2  }
0x163: {  	v24 =	vunpack.i.u.bf16.f32 v24;
	v49 =	vld.idx.msk [tilespmem:v5+s20+$0xFFFFFF40 ss:$0x1], $0xffff;
	v62 =	vadd.f32 v21, v44;
	v63 =	vperm.xlane v20, v1  }
0x164: {  	v24 =	vadd.f32 v23, v24;
	v23 =	vmul.bf16 v46, v47;
	v46 =	vld.idx.msk [tilespmem:v4+s20+$0xFFFFFF00 ss:$0x1], $0xffff;
	v14 =	vadd.f32 v14, v27  }
0x165: {  	v34 =	vunpack.i.u.bf16.f32 v60;
	v27 =	vld.idx.msk [tilespmem:v4+s20+$0xFFFFFF40 ss:$0x1], $0xffff;
	v59 =	vadd.f32 v22, v62;
	v20 =	vadd.f32 v20, v63  }
0x166: {  	v57 =	vld.idx.msk [tilespmem:v5+s20+$0xFFFFFE20 ss:$0x1], $0xffff;
	v36 =	vunpack.i.l.bf16.f32 v60;
	v21 =	vmul.bf16 v45, v48;
	v62 =	vadd.f32 v25, v24  }
0x167: {  	v39 =	vld.idx.msk [tilespmem:v4+s20+$0xFFFFFED0 ss:$0x1], $0xffff;
	v60 =	vmul.bf16 v28, v43;
	v61 =	vadd.f32 v59, v18;
	v18 =	vperm.xlane v20, v2  }
0x168: {  	v40 =	vld.idx.msk [tilespmem:v5+s20+$0xFFFFFE90 ss:$0x1], $0xffff;
	v22 =	vunpack.i.l.bf16.f32 v21;
	v25 =	vmul.bf16 v52, v37;
	v53 =	vadd.f32 v62, v53  }
0x169: {  	v32 =	vld.idx.msk [tilespmem:v4+s20+$0xFFFFFE60 ss:$0x1], $0xffff;
	v63 =	vperm.xlane v61, v0;
	v18 =	vadd.f32 v20, v18;
	v20 =	vmul.bf16 v41, v50  }
0x16a: {  	v43 =	vld.idx.msk [tilespmem:v4+s20+$0xFFFFFE10 ss:$0x1], $0xffff;
	v37 =	vunpack.i.u.bf16.f32 v60;
	v38 =	vmul.bf16 v38, v46;
	v59 =	vmul.bf16 v49, v27  }
0x16b: {  	v42 =	vld.idx.msk [tilespmem:v4+s20+$0xFFFFFE90 ss:$0x1], $0xffff;
	v27 =	vunpack.i.u.bf16.f32 v20;
	v28 =	vunpack.i.l.bf16.f32 v20;
	v20 =	vadd.f32 v31, v53  }
0x16c: {  	v44 =	vld.idx.msk [tilespmem:v5+s20+$0xFFFFFE50 ss:$0x1], $0xffff;
	v49 =	vunpack.i.l.bf16.f32 v60;
	v47 =	vadd.f32 v61, v63;
	v31 =	vunpack.i.l.bf16.f32 v59  }
0x16d: {  	v45 =	vld.idx.msk [tilespmem:v4+s20+$0xFFFFFE50 ss:$0x1], $0xffff;
	v62 =	vunpack.i.l.bf16.f32 v38;
	v31 =	vadd.f32 $0.0e+00, v31;
	v20 =	vadd.f32 v20, v29  }
0x16e: {  	v48 =	vld.idx.msk [tilespmem:v4+s20+$0xFFFFFEC0 ss:$0x1], $0xffff;
	v60 =	vadd.f32 $0.0e+00, v62;
	v61 =	vperm.xlane v47, v1;
	v29 =	vunpack.i.u.bf16.f32 v59  }
0x16f: {  	v46 =	vld.idx.msk [tilespmem:v5+s20+$0xFFFFFEC0 ss:$0x1], $0xffff;
	v38 =	vunpack.i.u.bf16.f32 v38;
	v29 =	vadd.f32 v31, v29;
	v63 =	vperm.xlane v20, v0  }
0x170: {  	v41 =	vld.idx.msk [tilespmem:v5+s20+$0xFFFFFE10 ss:$0x1], $0xffff;
	v59 =	vadd.f32 v60, v38;
	v38 =	vmul.bf16 v57, v58;
	v50 =	vadd.f32 v47, v61  }
0x171: {  	v31 =	vmul.bf16 v55, v56;
	v47 =	vld.idx.msk [tilespmem:v5+s20+$0xFFFFFE80 ss:$0x1], $0xffff;
	v62 =	vadd.f32 v49, v29;
	v52 =	vadd.f32 v20, v63  }
0x172: {  	v24 =	vunpack.i.l.bf16.f32 v23;
	v61 =	vperm.xlane v50, v2;
	v49 =	vld.idx.msk [tilespmem:v5+s20+$0xFFFFFE00 ss:$0x1], $0xffff;
	v29 =	vmul.bf16 v51, v54  }
0x173: {  	v51 =	vld.idx.msk [tilespmem:v5+s20+$0xFFFFFE40 ss:$0x1], $0xffff;
	v63 =	vunpack.i.l.bf16.f32 v31;
	v53 =	vadd.f32 v62, v37;
	v54 =	vperm.xlane v52, v1  }
0x174: {  	s22 =	simm.s32 $0x2000;
	s18 =	smov.u32 s21;
	v20 =	vadd.f32 v50, v61;
	v50 =	vld.idx.msk [tilespmem:v4+s20+$0xFFFFFE00 ss:$0x1], $0xffff;
	v37 =	vunpack.i.l.bf16.f32 v29;
	v55 =	vadd.f32 v63, v59  }
.LBB2_3:
0x175: {  	p0 =	sne.s32 s22, $0x4000;
	v56 =	vld.idx.msk [tilespmem:v4+s20+$0xFFFFFE40 ss:$0x1], $0xffff;
	v57 =	vunpack.i.u.bf16.f32 v31;
	v33 =	vadd.f32 v33, v53;
	v31 =	vadd.f32 v52, v54  }
0x176: {  	v35 =	vmul.bf16 v35, v39;
	v52 =	vunpack.i.l.bf16.f32 v38;
	v53 =	vld.idx.msk [tilespmem:v4+s20+$0xFFFFFE80 ss:$0x1], $0xffff;
	v39 =	vadd.f32 v55, v57  }
0x177: {  	v30 =	vmul.bf16 v30, v32;
	v32 =	vmul.bf16 v40, v42;
	v26 =	vadd.f32 v33, v26  }
0x178: {  	v33 =	vunpack.i.u.bf16.f32 v35;
	v35 =	vunpack.i.l.bf16.f32 v35;
	v36 =	vadd.f32 v36, v39  }
0x179: {  	v40 =	vunpack.i.l.bf16.f32 v32;
	v39 =	vmul.bf16 v41, v43;
	v16 =	vadd.f32 v16, v26  }
0x17a: {  	v41 =	vmul.bf16 v46, v48;
	v26 =	vmul.bf16 v44, v45;
	v34 =	vadd.f32 v36, v34  }
0x17b: {  	v36 =	vmul.bf16 v49, v50;
	v42 =	vunpack.i.l.bf16.f32 v39;
	v43 =	vmul.bf16 v51, v56  }
0x17c: {  	v45 =	vunpack.i.u.bf16.f32 v41;
	v41 =	vunpack.i.l.bf16.f32 v41;
	v44 =	vmul.bf16 v47, v53  }
0x17d: {  	v41 =	vadd.f32 $0.0e+00, v41;
	v46 =	vunpack.i.l.bf16.f32 v36;
	v47 =	vunpack.i.l.bf16.f32 v43  }
0x17e: {  	v46 =	vadd.f32 $0.0e+00, v46;
	v47 =	vadd.f32 $0.0e+00, v47;
	v48 =	vunpack.i.l.bf16.f32 v44  }
0x17f: {  	v36 =	vunpack.i.u.bf16.f32 v36;
	v43 =	vunpack.i.u.bf16.f32 v43;
	v48 =	vadd.f32 $0.0e+00, v48  }
0x180: {  	v44 =	vunpack.i.u.bf16.f32 v44;
	v36 =	vadd.f32 v46, v36;
	v43 =	vadd.f32 v47, v43  }
0x181: {  	v41 =	vadd.f32 v41, v45;
	v46 =	vunpack.i.l.bf16.f32 v26;
	v44 =	vadd.f32 v48, v44  }
0x182: {  	v39 =	vunpack.i.u.bf16.f32 v39;
	v36 =	vadd.f32 v42, v36;
	v42 =	vadd.f32 v46, v43  }
0x183: {  	v26 =	vunpack.i.u.bf16.f32 v26;
	v35 =	vadd.f32 v35, v41;
	v40 =	vadd.f32 v40, v44  }
0x184: {  	v32 =	vunpack.i.u.bf16.f32 v32;
	v36 =	vadd.f32 v36, v39;
	v26 =	vadd.f32 v42, v26  }
0x185: {  	v33 =	vadd.f32 v35, v33;
	v39 =	vunpack.i.l.bf16.f32 v30;
	v32 =	vadd.f32 v40, v32  }
0x186: {  	v35 =	vunpack.i.u.bf16.f32 v38;
	v36 =	vadd.f32 v52, v36;
	v26 =	vadd.f32 v39, v26  }
0x187: {  	v30 =	vunpack.i.u.bf16.f32 v30;
	v28 =	vadd.f32 v28, v33;
	v32 =	vadd.f32 v37, v32  }
0x188: {  	v29 =	vunpack.i.u.bf16.f32 v29;
	v33 =	vadd.f32 v36, v35;
	v26 =	vadd.f32 v26, v30  }
0x189: {  	v27 =	vadd.f32 v28, v27;
	v30 =	vunpack.i.l.bf16.f32 v25;
	v29 =	vadd.f32 v32, v29  }
0x18a: {  	v23 =	vunpack.i.u.bf16.f32 v23;
	v24 =	vadd.f32 v24, v33;
	v26 =	vadd.f32 v30, v26  }
0x18b: {  	v25 =	vunpack.i.u.bf16.f32 v25;
	v19 =	vadd.f32 v19, v27;
	v22 =	vadd.f32 v22, v29  }
0x18c: {  	v21 =	vunpack.i.u.bf16.f32 v21;
	v23 =	vadd.f32 v24, v23;
	v24 =	vadd.f32 v26, v25  }
0x18d: {  	v15 =	vadd.f32 v15, v34;
	v21 =	vadd.f32 v22, v21;
	v22 =	vperm.xlane v31, v2  }
0x18e: {  	v17 =	vadd.f32 v19, v17;
	v25 =	vperm.xlane v23, v0;
	v26 =	vperm.xlane v24, v0  }
0x18f: {  	v12 =	vadd.f32 v16, v12;
	v13 =	vadd.f32 v15, v13;
	v19 =	vperm.xlane v21, v0  }
0x190: {  	v15 =	vadd.f32 v23, v25;
	v16 =	vadd.f32 v24, v26;
	v23 =	vperm.xlane v17, v0  }
0x191: {  	v24 =	vperm.xlane v12, v0;
	v19 =	vadd.f32 v21, v19;
	v21 =	vperm.xlane v13, v0  }
0x192: {  	v25 =	vperm.xlane v15, v1;
	v26 =	vperm.xlane v16, v1;
	v17 =	vadd.f32 v17, v23  }
0x193: {  	v12 =	vadd.f32 v12, v24;
	v23 =	vperm.xlane v19, v1;
	v13 =	vadd.f32 v13, v21  }
0x194: {  	v15 =	vadd.f32 v15, v25;
	v16 =	vadd.f32 v16, v26;
	v21 =	vperm.xlane v17, v1  }
0x195: {  	v24 =	vperm.xlane v12, v1;
	v19 =	vadd.f32 v19, v23;
	v23 =	vperm.xlane v13, v1  }
0x196: {  	v25 =	vperm.xlane v15, v2;
	v26 =	vperm.xlane v16, v2;
	v17 =	vadd.f32 v17, v21  }
0x197: {  	v12 =	vadd.f32 v12, v24;
	v21 =	vperm.xlane v19, v2;
	v13 =	vadd.f32 v13, v23  }
0x198: {  	v15 =	vadd.f32 v15, v25;
	v16 =	vadd.f32 v16, v26;
	v23 =	vperm.xlane v17, v2  }
0x199: {  	v24 =	vperm.xlane v12, v2;
	v19 =	vadd.f32 v19, v21;
	v21 =	vperm.xlane v13, v2  }
0x19a: {  	v25 =	vperm.xlane v15, v3;
	v26 =	vperm.xlane v16, v3;
	v17 =	vadd.f32 v17, v23  }
0x19b: {  	v12 =	vadd.f32 v12, v24;
	v23 =	vperm.xlane v19, v3;
	v13 =	vadd.f32 v13, v21  }
0x19c: {  	v15 =	vadd.f32 v15, v25;
	v16 =	vadd.f32 v16, v26;
	v21 =	vperm.xlane v17, v3  }
0x19d: {  	v22 =	vadd.f32 v31, v22;
	v19 =	vadd.f32 v19, v23;
	v23 =	vperm.xlane v13, v3  }
0x19e: {  	v15 =	vsel vm0, v15, v16;
	v16 =	vadd.f32 v17, v21;
	v17 =	vperm.xlane v12, v3  }
0x19f: {  	v15 =	vsel vm1, v15, v19;
	v13 =	vadd.f32 v13, v23;
	v19 =	vperm.xlane v22, v3  }
0x1a0: {  	v15 =	vsel vm2, v15, v16;
	v12 =	vadd.f32 v12, v17;
	v16 =	vperm.xlane v20, v3  }
0x1a1: {  	v17 =	vperm.xlane v18, v3;
	v13 =	vsel vm3, v15, v13;
	v15 =	vadd.f32 v22, v19  }
0x1a2: {  	v12 =	vsel vm4, v13, v12;
	v13 =	vadd.f32 v20, v16;
	v16 =	vperm.xlane v14, v3  }
0x1a3: {  	v12 =	vsel vm5, v12, v15;
	v15 =	vadd.f32 v18, v17;
	v17 =	vperm.xlane v11, v3  }
0x1a4: {  	v12 =	vsel vm6, v12, v13;
	v13 =	vadd.f32 v14, v16;
	v14 =	vperm.xlane v10, v3  }
0x1a5: {  	v12 =	vsel vm7, v12, v15;
	v11 =	vadd.f32 v11, v17;
	v15 =	vperm.xlane v9, v3  }
0x1a6: {  	v12 =	vsel vm8, v12, v13;
	v10 =	vadd.f32 v10, v14;
	v13 =	vperm.xlane v8, v3  }
0x1a7: {  	v11 =	vsel vm9, v12, v11;
	v9 =	vadd.f32 v9, v15;
	v12 =	vperm.xlane v7, v3  }
0x1a8: {  	v10 =	vsel vm10, v11, v10;
	v8 =	vadd.f32 v8, v13;
	v11 =	vperm.xlane v6, v3  }
0x1a9: {  	v9 =	vsel vm11, v10, v9;
	v7 =	vadd.f32 v7, v12  }
0x1aa: {  	v8 =	vsel vm12, v9, v8;
	v6 =	vadd.f32 v6, v11  }
0x1ab: {  	v7 =	vsel vm13, v8, v7  }
0x1ac: {  	s18 =	sadd.s32 $0x10, s18;
	v6 =	vsel vm14, v7, v6  }
0x1ad: {  	s20 =	sshra.s32 s22, $0x2;
	[tilespmem:s18+$0x0] =	vst v6  }
0x1ae: {  	v6 =	vld.idx.msk [tilespmem:v5+s20+$0x1F0 ss:$0x1], $0xffff  }
0x1af: {  	v7 =	vld.idx.msk [tilespmem:v4+s20+$0x1F0 ss:$0x1], $0xffff  }
0x1b0: {  	v8 =	vld.idx.msk [tilespmem:v5+s20+$0x1B0 ss:$0x1], $0xffff  }
0x1b1: {  	v9 =	vld.idx.msk [tilespmem:v4+s20+$0x1B0 ss:$0x1], $0xffff  }
0x1b2: {  	v10 =	vld.idx.msk [tilespmem:v5+s20+$0x170 ss:$0x1], $0xffff  }
0x1b3: {  	v11 =	vld.idx.msk [tilespmem:v4+s20+$0x170 ss:$0x1], $0xffff  }
0x1b4: {  	v12 =	vld.idx.msk [tilespmem:v5+s20+$0x1E0 ss:$0x1], $0xffff  }
0x1b5: {  	v13 =	vld.idx.msk [tilespmem:v4+s20+$0x1E0 ss:$0x1], $0xffff  }
0x1b6: {  	v14 =	vld.idx.msk [tilespmem:v5+s20+$0x130 ss:$0x1], $0xffff  }
0x1b7: {  	v15 =	vld.idx.msk [tilespmem:v4+s20+$0x130 ss:$0x1], $0xffff  }
0x1b8: {  	v17 =	vld.idx.msk [tilespmem:v5+s20+$0x1A0 ss:$0x1], $0xffff  }
0x1b9: {  	v18 =	vld.idx.msk [tilespmem:v4+s20+$0x1A0 ss:$0x1], $0xffff  }
0x1ba: {  	v19 =	vld.idx.msk [tilespmem:v5+s20+$0xF0 ss:$0x1], $0xffff  }
0x1bb: {  	v20 =	vld.idx.msk [tilespmem:v4+s20+$0xF0 ss:$0x1], $0xffff  }
0x1bc: {  	v21 =	vld.idx.msk [tilespmem:v5+s20+$0x160 ss:$0x1], $0xffff  }
0x1bd: {  	v22 =	vld.idx.msk [tilespmem:v4+s20+$0x160 ss:$0x1], $0xffff  }
0x1be: {  	v16 =	vld.idx.msk [tilespmem:v5+s20+$0x1D0 ss:$0x1], $0xffff  }
0x1bf: {  	v23 =	vld.idx.msk [tilespmem:v4+s20+$0x1D0 ss:$0x1], $0xffff  }
0x1c0: {  	v24 =	vld.idx.msk [tilespmem:v5+s20+$0x1C0 ss:$0x1], $0xffff  }
0x1c1: {  	v25 =	vld.idx.msk [tilespmem:v4+s20+$0x1C0 ss:$0x1], $0xffff  }
0x1c2: {  	v26 =	vld.idx.msk [tilespmem:v5+s20+$0xB0 ss:$0x1], $0xffff  }
0x1c3: {  	v27 =	vld.idx.msk [tilespmem:v4+s20+$0xB0 ss:$0x1], $0xffff  }
0x1c4: {  	v28 =	vld.idx.msk [tilespmem:v5+s20+$0x120 ss:$0x1], $0xffff  }
0x1c5: {  	v29 =	vld.idx.msk [tilespmem:v4+s20+$0x120 ss:$0x1], $0xffff  }
0x1c6: {  	v6 =	vmul.bf16 v6, v7;
	v30 =	vld.idx.msk [tilespmem:v5+s20+$0x190 ss:$0x1], $0xffff  }
0x1c7: {  	v7 =	vmul.bf16 v8, v9;
	v8 =	vmul.bf16 v24, v25;
	v31 =	vld.idx.msk [tilespmem:v5+s20+$0x180 ss:$0x1], $0xffff  }
0x1c8: {  	v24 =	vunpack.i.u.bf16.f32 v6;
	v9 =	vld.idx.msk [tilespmem:v4+s20+$0x180 ss:$0x1], $0xffff  }
0x1c9: {  	v32 =	vunpack.i.u.bf16.f32 v7;
	v6 =	vunpack.i.l.bf16.f32 v6;
	v33 =	vunpack.i.l.bf16.f32 v8;
	v25 =	vld.idx.msk [tilespmem:v4+s20+$0x190 ss:$0x1], $0xffff  }
0x1ca: {  	v10 =	vmul.bf16 v10, v11;
	v35 =	vunpack.i.l.bf16.f32 v7;
	v11 =	vadd.f32 $0.0e+00, v33;
	v34 =	vld.idx.msk [tilespmem:v5+s20+$0x70 ss:$0x1], $0xffff  }
0x1cb: {  	v12 =	vmul.bf16 v12, v13;
	v23 =	vmul.bf16 v16, v23;
	v8 =	vunpack.i.u.bf16.f32 v8;
	v33 =	vld.idx.msk [tilespmem:v4+s20+$0x70 ss:$0x1], $0xffff  }
0x1cc: {  	v7 =	vunpack.i.u.bf16.f32 v10;
	v16 =	vunpack.i.l.bf16.f32 v10;
	v8 =	vadd.f32 v11, v8;
	v36 =	vld.idx.msk [tilespmem:v5+s20+$0xE0 ss:$0x1], $0xffff  }
0x1cd: {  	v13 =	vunpack.i.u.bf16.f32 v12;
	v10 =	vmul.bf16 v14, v15;
	v11 =	vunpack.i.l.bf16.f32 v23;
	v37 =	vld.idx.msk [tilespmem:v4+s20+$0xE0 ss:$0x1], $0xffff  }
0x1ce: {  	v12 =	vunpack.i.l.bf16.f32 v12;
	v9 =	vmul.bf16 v31, v9;
	v11 =	vadd.f32 v11, v8;
	v14 =	vld.idx.msk [tilespmem:v5+s20+$0x150 ss:$0x1], $0xffff  }
0x1cf: {  	v17 =	vmul.bf16 v17, v18;
	v18 =	vunpack.i.u.bf16.f32 v23;
	v8 =	vunpack.i.u.bf16.f32 v10;
	v31 =	vld.idx.msk [tilespmem:v4+s20+$0x150 ss:$0x1], $0xffff  }
0x1d0: {  	v15 =	vunpack.i.l.bf16.f32 v10;
	v10 =	vunpack.i.l.bf16.f32 v9;
	v11 =	vadd.f32 v11, v18;
	v23 =	vld.idx.msk [tilespmem:v5+s20+$0x30 ss:$0x1], $0xffff  }
0x1d1: {  	v19 =	vmul.bf16 v19, v20;
	v20 =	vunpack.i.u.bf16.f32 v17;
	v10 =	vadd.f32 $0.0e+00, v10;
	v18 =	vld.idx.msk [tilespmem:v4+s20+$0x30 ss:$0x1], $0xffff  }
0x1d2: {  	v25 =	vmul.bf16 v30, v25;
	v39 =	vunpack.i.u.bf16.f32 v9;
	v11 =	vadd.f32 v12, v11;
	v38 =	vld.idx.msk [tilespmem:v5+s20+$0x140 ss:$0x1], $0xffff  }
0x1d3: {  	v17 =	vunpack.i.l.bf16.f32 v17;
	v9 =	vunpack.i.u.bf16.f32 v19;
	v10 =	vadd.f32 v10, v39;
	v30 =	vld.idx.msk [tilespmem:v4+s20+$0x140 ss:$0x1], $0xffff  }
0x1d4: {  	v21 =	vmul.bf16 v21, v22;
	v22 =	vunpack.i.l.bf16.f32 v25;
	v11 =	vadd.f32 v11, v13;
	v39 =	vld.idx.msk [tilespmem:v5+s20+$0xA0 ss:$0x1], $0xffff  }
0x1d5: {  	v12 =	vunpack.i.l.bf16.f32 v19;
	v13 =	vmul.bf16 v26, v27;
	v19 =	vadd.f32 v22, v10;
	v40 =	vld.idx.msk [tilespmem:v4+s20+$0xA0 ss:$0x1], $0xffff  }
0x1d6: {  	v25 =	vunpack.i.u.bf16.f32 v25;
	v26 =	vunpack.i.u.bf16.f32 v21;
	v6 =	vadd.f32 v6, v11;
	v22 =	vld.idx.msk [tilespmem:v5+s20+$0x110 ss:$0x1], $0xffff  }
0x1d7: {  	v21 =	vunpack.i.l.bf16.f32 v21;
	v10 =	vunpack.i.u.bf16.f32 v13;
	v11 =	vadd.f32 v19, v25;
	v27 =	vld.idx.msk [tilespmem:v4+s20+$0x110 ss:$0x1], $0xffff  }
0x1d8: {  	v13 =	vunpack.i.l.bf16.f32 v13;
	v25 =	vmul.bf16 v28, v29;
	v6 =	vadd.f32 v6, v24;
	v19 =	vld.idx.msk [tilespmem:v5+s20+$0xFFFFFFF0 ss:$0x1], $0xffff  }
0x1d9: {  	v24 =	vmul.bf16 v34, v33;
	v29 =	vmul.bf16 v38, v30;
	v17 =	vadd.f32 v17, v11;
	v28 =	vld.idx.msk [tilespmem:v5+s20+$0x100 ss:$0x1], $0xffff  }
0x1da: {  	v33 =	vunpack.i.u.bf16.f32 v25;
	v25 =	vunpack.i.l.bf16.f32 v25;
	v34 =	vperm.xlane v6, v0;
	v30 =	vld.idx.msk [tilespmem:v4+s20+$0x100 ss:$0x1], $0xffff  }
0x1db: {  	v11 =	vunpack.i.u.bf16.f32 v24;
	v41 =	vunpack.i.l.bf16.f32 v29;
	v17 =	vadd.f32 v17, v20;
	v38 =	vld.idx.msk [tilespmem:v4+s20+$0xFFFFFFF0 ss:$0x1], $0xffff  }
0x1dc: {  	v20 =	vmul.bf16 v36, v37;
	v36 =	vadd.f32 $0.0e+00, v41;
	v6 =	vadd.f32 v6, v34;
	v42 =	vld.idx.msk [tilespmem:v5+s20+$0x60 ss:$0x1], $0xffff  }
0x1dd: {  	v31 =	vmul.bf16 v14, v31;
	v29 =	vunpack.i.u.bf16.f32 v29;
	v17 =	vadd.f32 v35, v17;
	v34 =	vld.idx.msk [tilespmem:v4+s20+$0x60 ss:$0x1], $0xffff  }
0x1de: {  	v14 =	vunpack.i.l.bf16.f32 v24;
	v29 =	vadd.f32 v36, v29;
	v35 =	vperm.xlane v6, v1;
	v24 =	vld.idx.msk [tilespmem:v5+s20+$0xD0 ss:$0x1], $0xffff  }
0x1df: {  	v41 =	vunpack.i.l.bf16.f32 v31;
	v37 =	vunpack.i.u.bf16.f32 v20;
	v17 =	vadd.f32 v17, v32;
	v36 =	vld.idx.msk [tilespmem:v4+s20+$0xD0 ss:$0x1], $0xffff  }
0x1e0: {  	v28 =	vmul.bf16 v28, v30;
	v29 =	vadd.f32 v41, v29;
	v6 =	vadd.f32 v6, v35;
	v32 =	vld.idx.msk [tilespmem:v5+s20+$0xFFFFFFB0 ss:$0x1], $0xffff  }
0x1e1: {  	v35 =	vunpack.i.l.bf16.f32 v20;
	v20 =	vunpack.i.u.bf16.f32 v31;
	v31 =	vperm.xlane v17, v0;
	v30 =	vld.idx.msk [tilespmem:v4+s20+$0xFFFFFFB0 ss:$0x1], $0xffff  }
0x1e2: {  	v43 =	vunpack.i.l.bf16.f32 v28;
	v20 =	vadd.f32 v29, v20;
	v29 =	vperm.xlane v6, v2;
	v41 =	vld.idx.msk [tilespmem:v5+s20+$0x20 ss:$0x1], $0xffff  }
0x1e3: {  	v18 =	vmul.bf16 v23, v18;
	v43 =	vadd.f32 $0.0e+00, v43;
	v17 =	vadd.f32 v17, v31;
	v23 =	vld.idx.msk [tilespmem:v5+s20+$0xC0 ss:$0x1], $0xffff  }
0x1e4: {  	v22 =	vmul.bf16 v22, v27;
	v28 =	vunpack.i.u.bf16.f32 v28;
	v21 =	vadd.f32 v21, v20;
	v31 =	vld.idx.msk [tilespmem:v4+s20+$0xC0 ss:$0x1], $0xffff  }
0x1e5: {  	v6 =	vadd.f32 v6, v29;
	v28 =	vadd.f32 v43, v28;
	v43 =	vperm.xlane v17, v1;
	v27 =	vld.idx.msk [tilespmem:v4+s20+$0x20 ss:$0x1], $0xffff  }
0x1e6: {  	v44 =	vunpack.i.l.bf16.f32 v22;
	v20 =	vunpack.i.u.bf16.f32 v18;
	v26 =	vadd.f32 v21, v26;
	v29 =	vld.idx.msk [tilespmem:v5+s20+$0x90 ss:$0x1], $0xffff  }
0x1e7: {  	v39 =	vmul.bf16 v39, v40;
	v28 =	vadd.f32 v44, v28;
	v17 =	vadd.f32 v17, v43;
	v45 =	vld.idx.msk [tilespmem:v4+s20+$0x90 ss:$0x1], $0xffff  }
0x1e8: {  	v21 =	vunpack.i.l.bf16.f32 v18;
	v18 =	vunpack.i.u.bf16.f32 v22;
	v16 =	vadd.f32 v16, v26;
	v40 =	vld.idx.msk [tilespmem:v5+s20+$0xFFFFFF70 ss:$0x1], $0xffff  }
0x1e9: {  	v43 =	vunpack.i.u.bf16.f32 v39;
	v18 =	vadd.f32 v28, v18;
	v22 =	vperm.xlane v17, v2;
	v26 =	vld.idx.msk [tilespmem:v4+s20+$0xFFFFFF70 ss:$0x1], $0xffff  }
0x1ea: {  	v19 =	vmul.bf16 v19, v38;
	v23 =	vmul.bf16 v23, v31;
	v16 =	vadd.f32 v16, v7;
	v28 =	vld.idx.msk [tilespmem:v5+s20+$0x80 ss:$0x1], $0xffff  }
0x1eb: {  	v38 =	vunpack.i.l.bf16.f32 v39;
	v25 =	vadd.f32 v25, v18;
	v7 =	vadd.f32 v17, v22;
	v31 =	vld.idx.msk [tilespmem:v4+s20+$0x80 ss:$0x1], $0xffff  }
0x1ec: {  	v18 =	vunpack.i.u.bf16.f32 v19;
	v22 =	vunpack.i.l.bf16.f32 v23;
	v39 =	vperm.xlane v16, v0;
	v17 =	vld.idx.msk [tilespmem:v5+s20+$0xFFFFFFE0 ss:$0x1], $0xffff  }
0x1ed: {  	v34 =	vmul.bf16 v42, v34;
	v42 =	vadd.f32 $0.0e+00, v22;
	v25 =	vadd.f32 v25, v33;
	v44 =	vld.idx.msk [tilespmem:v4+s20+$0xFFFFFFE0 ss:$0x1], $0xffff  }
0x1ee: {  	v24 =	vmul.bf16 v24, v36;
	v23 =	vunpack.i.u.bf16.f32 v23;
	v16 =	vadd.f32 v16, v39;
	v33 =	vld.idx.msk [tilespmem:v5+s20+$0x50 ss:$0x1], $0xffff  }
0x1ef: {  	v22 =	vunpack.i.l.bf16.f32 v19;
	v23 =	vadd.f32 v42, v23;
	v25 =	vadd.f32 v15, v25;
	v19 =	vld.idx.msk [tilespmem:v4+s20+$0x50 ss:$0x1], $0xffff  }
0x1f0: {  	v39 =	vunpack.i.l.bf16.f32 v24;
	v15 =	vunpack.i.u.bf16.f32 v34;
	v42 =	vperm.xlane v16, v1;
	v36 =	vld.idx.msk [tilespmem:v5+s20+$0xFFFFFF30 ss:$0x1], $0xffff  }
0x1f1: {  	v28 =	vmul.bf16 v28, v31;
	v23 =	vadd.f32 v39, v23;
	v8 =	vadd.f32 v25, v8;
	v46 =	vld.idx.msk [tilespmem:v4+s20+$0xFFFFFF30 ss:$0x1], $0xffff  }
0x1f2: {  	v24 =	vunpack.i.u.bf16.f32 v24;
	v34 =	vunpack.i.l.bf16.f32 v34;
	v16 =	vadd.f32 v16, v42;
	v39 =	vld.idx.msk [tilespmem:v5+s20+$0xFFFFFFA0 ss:$0x1], $0xffff  }
0x1f3: {  	v25 =	vunpack.i.l.bf16.f32 v28;
	v23 =	vadd.f32 v23, v24;
	v24 =	vperm.xlane v8, v0;
	v42 =	vld.idx.msk [tilespmem:v4+s20+$0xFFFFFFA0 ss:$0x1], $0xffff  }
0x1f4: {  	v31 =	vmul.bf16 v29, v45;
	v25 =	vadd.f32 $0.0e+00, v25;
	v29 =	vperm.xlane v16, v2;
	v47 =	vld.idx.msk [tilespmem:v5+s20+$0x10 ss:$0x1], $0xffff  }
0x1f5: {  	v28 =	vunpack.i.u.bf16.f32 v28;
	v23 =	vadd.f32 v35, v23;
	v24 =	vadd.f32 v8, v24;
	v45 =	vld.idx.msk [tilespmem:v4+s20+$0x10 ss:$0x1], $0xffff  }
0x1f6: {  	v30 =	vmul.bf16 v32, v30;
	v25 =	vadd.f32 v25, v28;
	v8 =	vadd.f32 v16, v29;
	v32 =	vld.idx.msk [tilespmem:v5+s20+$0x40 ss:$0x1], $0xffff  }
0x1f7: {  	v28 =	vunpack.i.l.bf16.f32 v31;
	v23 =	vadd.f32 v23, v37;
	v35 =	vperm.xlane v24, v1;
	v16 =	vld.idx.msk [tilespmem:v4+s20+$0x40 ss:$0x1], $0xffff  }
0x1f8: {  	v27 =	vmul.bf16 v41, v27;
	v29 =	vunpack.i.u.bf16.f32 v30;
	v25 =	vadd.f32 v28, v25;
	v37 =	vld.idx.msk [tilespmem:v5+s20+$0xFFFFFEF0 ss:$0x1], $0xffff  }
0x1f9: {  	v41 =	vunpack.i.u.bf16.f32 v31;
	v12 =	vadd.f32 v12, v23;
	v23 =	vadd.f32 v24, v35;
	v28 =	vld.idx.msk [tilespmem:v4+s20+$0xFFFFFEF0 ss:$0x1], $0xffff  }
0x1fa: {  	v31 =	vunpack.i.l.bf16.f32 v30;
	v30 =	vunpack.i.u.bf16.f32 v27;
	v24 =	vadd.f32 v25, v41;
	v35 =	vld.idx.msk [tilespmem:v5+s20+$0xFFFFFF60 ss:$0x1], $0xffff  }
0x1fb: {  	v27 =	vunpack.i.l.bf16.f32 v27;
	v25 =	vadd.f32 v12, v9;
	v9 =	vperm.xlane v23, v2;
	v41 =	vld.idx.msk [tilespmem:v5+s20+$0x0 ss:$0x1], $0xffff  }
0x1fc: {  	v26 =	vmul.bf16 v40, v26;
	v17 =	vmul.bf16 v17, v44;
	v24 =	vadd.f32 v38, v24;
	v40 =	vld.idx.msk [tilespmem:v4+s20+$0x0 ss:$0x1], $0xffff  }
0x1fd: {  	v32 =	vmul.bf16 v32, v16;
	v44 =	vperm.xlane v25, v0;
	v9 =	vadd.f32 v23, v9;
	v38 =	vld.idx.msk [tilespmem:v4+s20+$0xFFFFFF60 ss:$0x1], $0xffff  }
0x1fe: {  	v12 =	vunpack.i.u.bf16.f32 v26;
	v16 =	vunpack.i.l.bf16.f32 v26;
	v23 =	vadd.f32 v24, v43;
	v26 =	vld.idx.msk [tilespmem:v5+s20+$0xFFFFFFD0 ss:$0x1], $0xffff  }
0x1ff: {  	v24 =	vunpack.i.u.bf16.f32 v17;
	v48 =	vunpack.i.l.bf16.f32 v32;
	v44 =	vadd.f32 v25, v44;
	v43 =	vld.idx.msk [tilespmem:v4+s20+$0xFFFFFFD0 ss:$0x1], $0xffff  }
0x200: {  	v49 =	vunpack.i.l.bf16.f32 v17;
	v17 =	vadd.f32 $0.0e+00, v48;
	v13 =	vadd.f32 v13, v23;
	v25 =	vld.idx.msk [tilespmem:v5+s20+$0xFFFFFEB0 ss:$0x1], $0xffff  }
0x201: {  	v19 =	vmul.bf16 v33, v19;
	v32 =	vunpack.i.u.bf16.f32 v32;
	v33 =	vperm.xlane v44, v1;
	v48 =	vld.idx.msk [tilespmem:v4+s20+$0xFFFFFEB0 ss:$0x1], $0xffff  }
0x202: {  	v40 =	vmul.bf16 v41, v40;
	v17 =	vadd.f32 v17, v32;
	v10 =	vadd.f32 v13, v10;
	v23 =	vld.idx.msk [tilespmem:v5+s20+$0xFFFFFF20 ss:$0x1], $0xffff  }
0x203: {  	v13 =	vunpack.i.u.bf16.f32 v19;
	v19 =	vunpack.i.l.bf16.f32 v19;
	v32 =	vadd.f32 v44, v33;
	v41 =	vld.idx.msk [tilespmem:v4+s20+$0xFFFFFF20 ss:$0x1], $0xffff  }
0x204: {  	v44 =	vunpack.i.l.bf16.f32 v40;
	v17 =	vadd.f32 v19, v17;
	v19 =	vperm.xlane v10, v0;
	v33 =	vld.idx.msk [tilespmem:v5+s20+$0xFFFFFF90 ss:$0x1], $0xffff  }
0x205: {  	v45 =	vmul.bf16 v47, v45;
	v44 =	vadd.f32 $0.0e+00, v44;
	v47 =	vperm.xlane v32, v2;
	v50 =	vld.idx.msk [tilespmem:v5+s20+$0xFFFFFFC0 ss:$0x1], $0xffff  }
0x206: {  	v40 =	vunpack.i.u.bf16.f32 v40;
	v13 =	vadd.f32 v17, v13;
	v17 =	vadd.f32 v10, v19;
	v51 =	vld.idx.msk [tilespmem:v4+s20+$0xFFFFFFC0 ss:$0x1], $0xffff  }
0x207: {  	v19 =	vmul.bf16 v36, v46;
	v40 =	vadd.f32 v44, v40;
	v10 =	vadd.f32 v32, v47;
	v36 =	vld.idx.msk [tilespmem:v4+s20+$0xFFFFFF90 ss:$0x1], $0xffff  }
0x208: {  	v32 =	vunpack.i.l.bf16.f32 v45;
	v34 =	vadd.f32 v34, v13;
	v46 =	vperm.xlane v17, v1;
	v44 =	vld.idx.msk [tilespmem:v5+s20+$0xFFFFFE30 ss:$0x1], $0xffff  }
0x209: {  	v39 =	vmul.bf16 v39, v42;
	v13 =	vunpack.i.u.bf16.f32 v19;
	v32 =	vadd.f32 v32, v40;
	v47 =	vld.idx.msk [tilespmem:v4+s20+$0xFFFFFE30 ss:$0x1], $0xffff  }
0x20a: {  	v42 =	vunpack.i.u.bf16.f32 v45;
	v34 =	vadd.f32 v34, v15;
	v17 =	vadd.f32 v17, v46;
	v40 =	vld.idx.msk [tilespmem:v5+s20+$0xFFFFFE70 ss:$0x1], $0xffff  }
0x20b: {  	v15 =	vunpack.i.l.bf16.f32 v19;
	v46 =	vunpack.i.u.bf16.f32 v39;
	v19 =	vadd.f32 v32, v42;
	v45 =	vld.idx.msk [tilespmem:v4+s20+$0xFFFFFE70 ss:$0x1], $0xffff  }
0x20c: {  	v42 =	vmul.bf16 v50, v51;
	v14 =	vadd.f32 v14, v34;
	v34 =	vperm.xlane v17, v2;
	v32 =	vld.idx.msk [tilespmem:v5+s20+$0xFFFFFF80 ss:$0x1], $0xffff  }
0x20d: {  	v28 =	vmul.bf16 v37, v28;
	v39 =	vunpack.i.l.bf16.f32 v39;
	v19 =	vadd.f32 v27, v19;
	v37 =	vld.idx.msk [tilespmem:v4+s20+$0xFFFFFF80 ss:$0x1], $0xffff  }
0x20e: {  	v50 =	vunpack.i.l.bf16.f32 v42;
	v14 =	vadd.f32 v14, v11;
	v11 =	vadd.f32 v17, v34;
	v27 =	vld.idx.msk [tilespmem:v5+s20+$0xFFFFFEE0 ss:$0x1], $0xffff  }
0x20f: {  	v17 =	vunpack.i.u.bf16.f32 v28;
	v34 =	vadd.f32 $0.0e+00, v50;
	v30 =	vadd.f32 v19, v30;
	v51 =	vld.idx.msk [tilespmem:v4+s20+$0xFFFFFEE0 ss:$0x1], $0xffff  }
0x210: {  	v43 =	vmul.bf16 v26, v43;
	v42 =	vunpack.i.u.bf16.f32 v42;
	v26 =	vperm.xlane v14, v0;
	v50 =	vld.idx.msk [tilespmem:v5+s20+$0xFFFFFF50 ss:$0x1], $0xffff  }
0x211: {  	v19 =	vunpack.i.l.bf16.f32 v28;
	v34 =	vadd.f32 v34, v42;
	v21 =	vadd.f32 v21, v30;
	v28 =	vld.idx.msk [tilespmem:v4+s20+$0xFFFFFF50 ss:$0x1], $0xffff  }
0x212: {  	v35 =	vmul.bf16 v35, v38;
	v30 =	vunpack.i.l.bf16.f32 v43;
	v14 =	vadd.f32 v14, v26;
	v53 =	vld.idx.msk [tilespmem:v5+s20+$0xFFFFFEA0 ss:$0x1], $0xffff  }
0x213: {  	v32 =	vmul.bf16 v32, v37;
	v30 =	vadd.f32 v30, v34;
	v20 =	vadd.f32 v21, v20;
	v38 =	vld.idx.msk [tilespmem:v4+s20+$0xFFFFFEA0 ss:$0x1], $0xffff  }
0x214: {  	v26 =	vunpack.i.u.bf16.f32 v35;
	v21 =	vunpack.i.u.bf16.f32 v43;
	v34 =	vperm.xlane v14, v1;
	v37 =	vld.idx.msk [tilespmem:v5+s20+$0xFFFFFF10 ss:$0x1], $0xffff  }
0x215: {  	v42 =	vunpack.i.l.bf16.f32 v32;
	v21 =	vadd.f32 v30, v21;
	v30 =	vperm.xlane v20, v0;
	v52 =	vld.idx.msk [tilespmem:v4+s20+$0xFFFFFF10 ss:$0x1], $0xffff  }
0x216: {  	v36 =	vmul.bf16 v33, v36;
	v42 =	vadd.f32 $0.0e+00, v42;
	v14 =	vadd.f32 v14, v34;
	v55 =	vld.idx.msk [tilespmem:v5+s20+$0xFFFFFE20 ss:$0x1], $0xffff  }
0x217: {  	v32 =	vunpack.i.u.bf16.f32 v32;
	v21 =	vadd.f32 v49, v21;
	v20 =	vadd.f32 v20, v30;
	v56 =	vld.idx.msk [tilespmem:v4+s20+$0xFFFFFE20 ss:$0x1], $0xffff  }
0x218: {  	v33 =	vunpack.i.l.bf16.f32 v35;
	v34 =	vadd.f32 v42, v32;
	v35 =	vperm.xlane v14, v2;
	v30 =	vld.idx.msk [tilespmem:v5+s20+$0xFFFFFE60 ss:$0x1], $0xffff  }
0x219: {  	v42 =	vunpack.i.l.bf16.f32 v36;
	v24 =	vadd.f32 v21, v24;
	v43 =	vperm.xlane v20, v1;
	v32 =	vld.idx.msk [tilespmem:v4+s20+$0xFFFFFE60 ss:$0x1], $0xffff  }
0x21a: {  	v21 =	vmul.bf16 v25, v48;
	v25 =	vadd.f32 v42, v34;
	v14 =	vadd.f32 v14, v35;
	v48 =	vld.idx.msk [tilespmem:v5+s20+$0xFFFFFF40 ss:$0x1], $0xffff  }
0x21b: {  	v34 =	vunpack.i.u.bf16.f32 v36;
	v24 =	vadd.f32 v22, v24;
	v20 =	vadd.f32 v20, v43;
	v49 =	vld.idx.msk [tilespmem:v4+s20+$0xFFFFFF40 ss:$0x1], $0xffff  }
0x21c: {  	v36 =	vmul.bf16 v23, v41;
	v22 =	vunpack.i.l.bf16.f32 v21;
	v25 =	vadd.f32 v25, v34;
	v35 =	vld.idx.msk [tilespmem:v5+s20+$0xFFFFFED0 ss:$0x1], $0xffff  }
0x21d: {  	v23 =	vmul.bf16 v44, v47;
	v41 =	vadd.f32 v24, v18;
	v18 =	vperm.xlane v20, v2;
	v47 =	vld.idx.msk [tilespmem:v5+s20+$0xFFFFFF00 ss:$0x1], $0xffff  }
0x21e: {  	v34 =	vunpack.i.u.bf16.f32 v36;
	v36 =	vunpack.i.l.bf16.f32 v36;
	v42 =	vadd.f32 v39, v25;
	v54 =	vld.idx.msk [tilespmem:v4+s20+$0xFFFFFF00 ss:$0x1], $0xffff  }
0x21f: {  	v24 =	vunpack.i.l.bf16.f32 v23;
	v43 =	vperm.xlane v41, v0;
	v18 =	vadd.f32 v20, v18;
	v39 =	vld.idx.msk [tilespmem:v4+s20+$0xFFFFFED0 ss:$0x1], $0xffff  }
0x220: {  	v25 =	vmul.bf16 v40, v45;
	v20 =	vmul.bf16 v27, v51;
	v44 =	vadd.f32 v42, v46;
	v40 =	vld.idx.msk [tilespmem:v5+s20+$0xFFFFFE90 ss:$0x1], $0xffff  }
0x221: {  	v46 =	vmul.bf16 v48, v49;
	v48 =	vmul.bf16 v50, v28;
	v49 =	vadd.f32 v41, v43;
	v42 =	vld.idx.msk [tilespmem:v4+s20+$0xFFFFFE90 ss:$0x1], $0xffff  }
0x222: {  	v27 =	vunpack.i.u.bf16.f32 v20;
	v28 =	vunpack.i.l.bf16.f32 v20;
	v20 =	vadd.f32 v31, v44;
	v41 =	vld.idx.msk [tilespmem:v5+s20+$0xFFFFFE10 ss:$0x1], $0xffff  }
0x223: {  	v31 =	vunpack.i.l.bf16.f32 v46;
	v51 =	vunpack.i.u.bf16.f32 v48;
	v50 =	vperm.xlane v49, v1;
	v43 =	vld.idx.msk [tilespmem:v4+s20+$0xFFFFFE10 ss:$0x1], $0xffff  }
0x224: {  	v54 =	vmul.bf16 v47, v54;
	v31 =	vadd.f32 $0.0e+00, v31;
	v20 =	vadd.f32 v20, v29;
	v44 =	vld.idx.msk [tilespmem:v5+s20+$0xFFFFFE50 ss:$0x1], $0xffff  }
0x225: {  	v57 =	vunpack.i.l.bf16.f32 v48;
	v29 =	vunpack.i.u.bf16.f32 v46;
	v50 =	vadd.f32 v49, v50;
	v45 =	vld.idx.msk [tilespmem:v4+s20+$0xFFFFFE50 ss:$0x1], $0xffff  }
0x226: {  	v47 =	vunpack.i.l.bf16.f32 v54;
	v29 =	vadd.f32 v31, v29;
	v49 =	vperm.xlane v20, v0;
	v46 =	vld.idx.msk [tilespmem:v5+s20+$0xFFFFFEC0 ss:$0x1], $0xffff  }
.Ltmp0:
0x227: {  	v31 =	vmul.bf16 v37, v52;
	v58 =	vadd.f32 $0.0e+00, v47;
	v37 =	vperm.xlane v50, v2;
	v48 =	vld.idx.msk [tilespmem:v4+s20+$0xFFFFFEC0 ss:$0x1], $0xffff;
	(pc) =	sbr.rel @p0 .LBB2_3-.Ltmp0, $4  }
0x228: {  	v54 =	vunpack.i.u.bf16.f32 v54;
	v57 =	vadd.f32 v57, v29;
	v52 =	vadd.f32 v20, v49;
	v47 =	vld.idx.msk [tilespmem:v5+s20+$0xFFFFFE80 ss:$0x1], $0xffff  }
0x229: {  	v29 =	vmul.bf16 v53, v38;
	v58 =	vadd.f32 v58, v54;
	v20 =	vadd.f32 v50, v37;
	v49 =	vld.idx.msk [tilespmem:v5+s20+$0xFFFFFE00 ss:$0x1], $0xffff  }
0x22a: {  	v59 =	vunpack.i.l.bf16.f32 v31;
	v53 =	vadd.f32 v57, v51;
	v54 =	vperm.xlane v52, v1;
	v50 =	vld.idx.msk [tilespmem:v4+s20+$0xFFFFFE00 ss:$0x1], $0xffff  }
0x22b: {  	s22 =	sadd.s32 $0x1000, s22;
	v38 =	vmul.bf16 v55, v56;
	v37 =	vunpack.i.l.bf16.f32 v29;
	v55 =	vadd.f32 v59, v58;
	v51 =	vld.idx.msk [tilespmem:v5+s20+$0xFFFFFE40 ss:$0x1], $0xffff  }
0x22c: {  	_ =	sdelay $0x1  }
0x22d: {  	v5 =	vunpack.i.u.bf16.f32 v31  }
0x22e: {  	v57 =	vadd.f32 v33, v53;
	v35 =	vmul.bf16 v35, v39;
	v30 =	vmul.bf16 v30, v32  }
0x22f: {  	v33 =	vadd.f32 v52, v54;
	v58 =	vld.idx.msk [tilespmem:v4+s20+$0xFFFFFE40 ss:$0x1], $0xffff;
	v59 =	vmul.bf16 v40, v42;
	v61 =	vmul.bf16 v41, v43  }
0x230: {  	v4 =	vld.idx.msk [tilespmem:v4+s20+$0xFFFFFE80 ss:$0x1], $0xffff;
	v63 =	vmul.bf16 v44, v45;
	v48 =	vmul.bf16 v46, v48;
	v53 =	vunpack.i.l.bf16.f32 v38  }
0x231: {  	v5 =	vadd.f32 v55, v5;
	v26 =	vadd.f32 v57, v26;
	v60 =	vunpack.i.u.bf16.f32 v35  }
0x232: {  	v35 =	vunpack.i.l.bf16.f32 v35;
	v62 =	vunpack.i.l.bf16.f32 v59;
	v41 =	vunpack.i.l.bf16.f32 v61  }
0x233: {  	v52 =	vunpack.i.u.bf16.f32 v48;
	v40 =	vunpack.i.l.bf16.f32 v48;
	v5 =	vadd.f32 v36, v5  }
0x234: {  	v50 =	vmul.bf16 v49, v50;
	v40 =	vadd.f32 $0.0e+00, v40;
	v51 =	vmul.bf16 v51, v58  }
0x235: {  	v16 =	vadd.f32 v16, v26;
	v5 =	vadd.f32 v5, v34;
	v4 =	vmul.bf16 v47, v4  }
0x236: {  	v54 =	vunpack.i.l.bf16.f32 v50;
	v34 =	vunpack.i.u.bf16.f32 v50;
	v55 =	vunpack.i.l.bf16.f32 v51  }
0x237: {  	v44 =	vadd.f32 $0.0e+00, v54;
	v56 =	vunpack.i.l.bf16.f32 v4;
	v45 =	vadd.f32 $0.0e+00, v55  }
0x238: {  	v40 =	vadd.f32 v40, v52;
	v42 =	vunpack.i.u.bf16.f32 v51;
	v46 =	vadd.f32 $0.0e+00, v56  }
0x239: {  	v4 =	vunpack.i.u.bf16.f32 v4;
	v34 =	vadd.f32 v44, v34;
	v42 =	vadd.f32 v45, v42  }
0x23a: {  	v57 =	vunpack.i.l.bf16.f32 v63;
	v35 =	vadd.f32 v35, v40;
	v4 =	vadd.f32 v46, v4  }
0x23b: {  	v36 =	vunpack.i.u.bf16.f32 v61;
	v34 =	vadd.f32 v41, v34;
	v58 =	vadd.f32 v57, v42  }
0x23c: {  	v26 =	vunpack.i.u.bf16.f32 v63;
	v5 =	vadd.f32 v15, v5;
	v4 =	vadd.f32 v62, v4  }
0x23d: {  	v32 =	vunpack.i.u.bf16.f32 v59;
	v34 =	vadd.f32 v34, v36;
	v26 =	vadd.f32 v58, v26  }
0x23e: {  	v59 =	vunpack.i.l.bf16.f32 v30;
	v31 =	vadd.f32 v35, v60;
	v4 =	vadd.f32 v4, v32  }
0x23f: {  	v30 =	vunpack.i.u.bf16.f32 v30;
	v34 =	vadd.f32 v53, v34;
	v26 =	vadd.f32 v59, v26  }
0x240: {  	v60 =	vunpack.i.u.bf16.f32 v38;
	v28 =	vadd.f32 v28, v31;
	v4 =	vadd.f32 v37, v4  }
0x241: {  	v29 =	vunpack.i.u.bf16.f32 v29;
	v61 =	vadd.f32 v34, v60;
	v26 =	vadd.f32 v26, v30  }
0x242: {  	v62 =	vunpack.i.l.bf16.f32 v25;
	v27 =	vadd.f32 v28, v27;
	v4 =	vadd.f32 v4, v29  }
0x243: {  	v23 =	vunpack.i.u.bf16.f32 v23;
	v24 =	vadd.f32 v24, v61;
	v26 =	vadd.f32 v62, v26  }
0x244: {  	v63 =	vunpack.i.u.bf16.f32 v25;
	v19 =	vadd.f32 v19, v27;
	v4 =	vadd.f32 v22, v4  }
0x245: {  	v21 =	vunpack.i.u.bf16.f32 v21;
	v28 =	vadd.f32 v24, v23;
	v29 =	vadd.f32 v26, v63  }
0x246: {  	v5 =	vadd.f32 v5, v13;
	v4 =	vadd.f32 v4, v21  }
0x247: {  	v17 =	vadd.f32 v19, v17;
	v31 =	vperm.xlane v28, v0;
	v32 =	vperm.xlane v29, v0  }
0x248: {  	v12 =	vadd.f32 v16, v12;
	v38 =	vperm.xlane v5, v0;
	v34 =	vperm.xlane v4, v0  }
0x249: {  	v37 =	vperm.xlane v17, v0;
	v35 =	vadd.f32 v28, v31;
	v36 =	vadd.f32 v29, v32  }
0x24a: {  	v39 =	vperm.xlane v12, v0;
	v5 =	vadd.f32 v5, v38;
	v4 =	vadd.f32 v4, v34  }
0x24b: {  	v17 =	vadd.f32 v17, v37;
	v40 =	vperm.xlane v35, v1;
	v24 =	vperm.xlane v36, v1  }
0x24c: {  	v12 =	vadd.f32 v12, v39;
	v43 =	vperm.xlane v5, v1;
	v41 =	vperm.xlane v4, v1  }
0x24d: {  	v42 =	vperm.xlane v17, v1;
	v13 =	vadd.f32 v35, v40;
	v16 =	vadd.f32 v36, v24  }
0x24e: {  	v5 =	vadd.f32 v5, v43;
	v22 =	vperm.xlane v12, v1;
	v4 =	vadd.f32 v4, v41  }
0x24f: {  	v17 =	vadd.f32 v17, v42;
	v23 =	vperm.xlane v13, v2;
	v24 =	vperm.xlane v16, v2  }
0x250: {  	v30 =	vperm.xlane v33, v2;
	v12 =	vadd.f32 v12, v22;
	v44 =	vperm.xlane v4, v2  }
0x251: {  	v45 =	vperm.xlane v17, v2;
	v13 =	vadd.f32 v13, v23;
	v16 =	vadd.f32 v16, v24  }
0x252: {  	v46 =	vperm.xlane v5, v2;
	v22 =	vperm.xlane v12, v2;
	v4 =	vadd.f32 v4, v44  }
0x253: {  	v17 =	vadd.f32 v17, v45;
	v23 =	vperm.xlane v13, v3;
	v24 =	vperm.xlane v16, v3  }
0x254: {  	v5 =	vadd.f32 v5, v46;
	v12 =	vadd.f32 v12, v22;
	v47 =	vperm.xlane v4, v3  }
0x255: {  	v48 =	vperm.xlane v17, v3;
	v13 =	vadd.f32 v13, v23;
	v16 =	vadd.f32 v16, v24  }
0x256: {  	v15 =	vadd.f32 v33, v30;
	v49 =	vperm.xlane v5, v3;
	v4 =	vadd.f32 v4, v47  }
0x257: {  	v51 =	vperm.xlane v12, v3;
	v50 =	vadd.f32 v17, v48;
	v13 =	vsel vm0, v13, v16  }
0x258: {  	v52 =	vperm.xlane v15, v3;
	v5 =	vadd.f32 v5, v49;
	v4 =	vsel vm1, v13, v4  }
0x259: {  	v53 =	vperm.xlane v20, v3;
	v12 =	vadd.f32 v12, v51;
	v4 =	vsel vm2, v4, v50  }
0x25a: {  	v54 =	vperm.xlane v18, v3;
	v4 =	vsel vm3, v4, v5;
	v5 =	vadd.f32 v15, v52  }
0x25b: {  	v56 =	vperm.xlane v14, v3;
	v55 =	vadd.f32 v20, v53;
	v4 =	vsel vm4, v4, v12  }
0x25c: {  	v57 =	vperm.xlane v11, v3;
	v4 =	vsel vm5, v4, v5;
	v5 =	vadd.f32 v18, v54  }
0x25d: {  	v58 =	vadd.f32 v14, v56;
	v59 =	vperm.xlane v10, v3;
	v4 =	vsel vm6, v4, v55  }
0x25e: {  	v60 =	vperm.xlane v9, v3;
	v4 =	vsel vm7, v4, v5;
	v5 =	vadd.f32 v11, v57  }
0x25f: {  	v10 =	vadd.f32 v10, v59;
	v61 =	vperm.xlane v8, v3;
	v4 =	vsel vm8, v4, v58  }
0x260: {  	s19 =	sadd.s32 $0x1, s19;
	v62 =	vperm.xlane v7, v3;
	v4 =	vsel vm9, v4, v5;
	v5 =	vadd.f32 v9, v60  }
0x261: {  	p0 =	sne.s32 s19, $0x7D;
	v8 =	vadd.f32 v8, v61;
	v63 =	vperm.xlane v6, v3;
	v4 =	vsel vm10, v4, v10  }
.Ltmp1:
0x262: {  	v4 =	vsel vm11, v4, v5;
	v5 =	vadd.f32 v7, v62;
	(pc) =	sbr.rel @p0 .LBB2_2-.Ltmp1, $4  }
0x263: {  	v6 =	vadd.f32 v6, v63;
	v4 =	vsel vm12, v4, v8  }
0x264: {  	v4 =	vsel vm13, v4, v5  }
0x265: {  	s18 =	sadd.s32 $0x10, s18;
	v4 =	vsel vm14, v4, v6  }
0x266: {  	s21 =	sadd.s32 $0x50, s21;
	s17 =	sadd.s32 $0x1, s17;
	[tilespmem:s18+$0x0] =	vst v4  }
0x267: {  	s16 =	sadd.s32 $0x1, s16  }
0x268: {  	p0 =	sne.s32 s16, s7  }
.Ltmp2:
0x269: {  	_ = 	snop;
	(pc) =	sbr.rel @p0 .LBB2_1-.Ltmp2, $4  }
0x26a: {  	[hbm4b:s6+s2] =	stream.linear.scatter [tilespmem:s15], [sflag:$0x2], $0x2710, $0x38;
	[tilespmem:$0x1B530] =	vst v63  }
0x26b: {  	_ =	swait.ge [sflag:s8], $0x2710  }
0x26c: {  	[sflag:s8] =	ssyncset.done $0x0  }
0x26d: {  	[sflag:s8] =	ssyncadd.s32 $0xFFFFD8F0  }
0x26e: {  	_ =	sfence.sel $0x180000  }
0x26f: {  	[bflag:$0x0] =	sbarrier.arrive $0xFFFF  }
0x270: {  	_ =	strace $0x90000047  }
0x271: {  	s0 =	stileid.u32;
	[bflag:$0x2] =	sbarrier.arrive $0xFFFF  }
0x272: {  	p0 =	sne.s32 s0, $0x0;
	s0 =	rddreg [dreg:$0x2]  }
0x273: {  	s0 =	sadd.s32 @!p0 $0x100000, s0  }
0x274: {  	[sflag:s0] =	ssyncadd.tile.s32 @!p0 $0x1;
	_ =	shalt  }
.Lfunc_end2:
_tile_overlayer_lowered:
.L_overlay_start_2:
0x275: {  	(tag) =	ssettag $0x2  }
0x276: {  	s0 =	rddreg [dreg:$0x0];
	s2 =	stileid.u32  }
0x277: {  	s1 =	rddreg [dreg:$0x1];
	p0 =	sne.s32 s2, $0x0  }
0x278: {  	s3 =	rddreg [dreg:$0x2];
	[bflag:$0x3] =	sbarrier.arrive $0xFFFF;
	s2 =	simm.s32 @!p0 $0x1C02  }
0x279: {  	[timem:s3], [sflag:s2] =	dma.local @!p0 [hbm:s0], s1  }
0x27a: {  	s0 =	simm.s32 @!p0 $0x2  }
0x27b: {  	_ =	swait.ge @!p0 [sflag:s0], s1  }
0x27c: {  	s1 =	ssub.s32 @!p0 $0x0, s1;
	[sflag:s0] =	ssyncset.done @!p0 $0x0  }
0x27d: {  	[sflag:s0] =	ssyncadd.s32 @!p0 s1  }
0x27e: {  	[bflag:$0x3] =	sbarrier.arrive $0xFFFF  }
0x27f: {  	_ =	shalt  }

</sc_bundles>
